<compile_context>
chip_gen: v7x
topology: tpu7x:2x2x1
jax: 0.10.2.dev20260603
libtpu: 0.0.44.dev20260713+nightly
codegen_flags: <defaults>
</compile_context>

<pallas_src>
import functools

import jax
import jax.numpy as jnp
import numpy as np
from jax import lax
from jax.experimental import pallas as pl
from jax.experimental.pallas import tpu as pltpu
from jax.experimental.pallas import tpu_sc as plsc

B = 1
NCAM = 6
C = 64
D = 56
FH, FW = 8, 22
OGH, OGW = 128, 352
VX, VY, VZ = 128, 128, 1
VOXEL_SIZE = np.array([0.8, 0.8, 8.0], dtype=np.float32)
VOXEL_COORD = np.array([-51.2 + 0.4, -51.2 + 0.4, -5.0 + 4.0], dtype=np.float32)
BN_INV = float(1.0 / np.sqrt(1.0 + 1e-5))

NIMG = NCAM * FH
ROWS = FW * D
NPTS = NIMG * ROWS
NVOX = VZ * VY * VX


def _frustum():
    d = jnp.broadcast_to(jnp.arange(2.0, 58.0, 1.0, dtype=jnp.float32).reshape(D, 1, 1), (D, FH, FW))
    x = jnp.broadcast_to(jnp.linspace(0.0, OGW - 1.0, FW, dtype=jnp.float32).reshape(1, 1, FW), (D, FH, FW))
    y = jnp.broadcast_to(jnp.linspace(0.0, OGH - 1.0, FH, dtype=jnp.float32).reshape(1, FH, 1), (D, FH, FW))
    pad = jnp.ones_like(d)
    return jnp.stack((x, y, d, pad), -1)


def _geometry(sensor2ego_mats, intrin_mats, ida_mats, bda_mats):
    frustum = _frustum()
    ida_inv = jnp.linalg.inv(ida_mats)
    pts = jnp.einsum('bnij,dhwj->bndhwi', ida_inv, frustum)
    pts = jnp.concatenate([pts[..., :2] * pts[..., 2:3], pts[..., 2:]], axis=-1)
    combine = sensor2ego_mats @ jnp.linalg.inv(intrin_mats)
    pts = jnp.einsum('bnij,bndhwj->bndhwi', combine, pts)
    pts = jnp.einsum('bij,bndhwj->bndhwi', bda_mats, pts)
    geom = pts[..., :3]
    gx = ((geom - (VOXEL_COORD - VOXEL_SIZE / 2.0)) / VOXEL_SIZE).astype(jnp.int32)
    g = jnp.transpose(gx[0], (0, 2, 3, 1, 4)).reshape(NPTS, 3)
    mask = ((g[:, 0] >= 0) & (g[:, 0] < VX) & (g[:, 1] >= 0) & (g[:, 1] < VY)
            & (g[:, 2] >= 0) & (g[:, 2] < VZ))
    idx = (g[:, 2] * VY + g[:, 1]) * VX + g[:, 0]
    return idx, mask


def _dense_body(depth_ref, img_ref, wt_ref, bias_ref, mask_ref, out_ref, pA, pB):
    for p in (pA, pB):
        p[0:1, :, :] = jnp.zeros((1, 58, C), jnp.float32)
        p[23:24, :, :] = jnp.zeros((1, 58, C), jnp.float32)
        p[:, 0:1, :] = jnp.zeros((24, 1, C), jnp.float32)
        p[:, 57:58, :] = jnp.zeros((24, 1, C), jnp.float32)

    x3 = depth_ref[0][:, :, None] * img_ref[0][:, None, :]
    pA[1:23, 1:57, :] = x3

    def conv(src, ci):
        xs = [src[1 + dh:23 + dh, 1 + dw:57 + dw, :].reshape(ROWS, C)
              for dh in (-1, 0, 1) for dw in (-1, 0, 1)]
        x9 = jnp.concatenate(xs, axis=1)
        y = jnp.dot(x9, wt_ref[ci], preferred_element_type=jnp.float32)
        return y + bias_ref[ci][None, :]

    y1 = jax.nn.relu(conv(pA, 0))
    pB[1:23, 1:57, :] = y1.reshape(FW, D, C)
    h = jax.nn.relu(conv(pB, 1))
    pA[1:23, 1:57, :] = h.reshape(FW, D, C)
    h = jax.nn.relu(conv(pA, 2))
    x2 = h + pB[1:23, 1:57, :].reshape(ROWS, C)
    pA[1:23, 1:57, :] = x2.reshape(FW, D, C)
    y4 = conv(pA, 3)
    out_ref[0, :ROWS, :] = y4 * mask_ref[0]
    out_ref[0, ROWS:, :] = jnp.zeros((RPI - ROWS, C), jnp.float32)


def _dense_feats(img_feats, depth_feats, wt, bias, maskf):
    imgT = jnp.transpose(img_feats, (0, 2, 3, 1)).reshape(NIMG, FW, C)
    depthT = jnp.transpose(depth_feats, (0, 2, 3, 1)).reshape(NIMG, FW, D)
    return pl.pallas_call(
        _dense_body,
        grid=(NIMG,),
        in_specs=[
            pl.BlockSpec((1, FW, D), lambda i: (i, 0, 0)),
            pl.BlockSpec((1, FW, C), lambda i: (i, 0, 0)),
            pl.BlockSpec((4, 9 * C, C), lambda i: (0, 0, 0)),
            pl.BlockSpec((4, C), lambda i: (0, 0)),
            pl.BlockSpec((1, ROWS, 1), lambda i: (i, 0, 0)),
        ],
        out_specs=pl.BlockSpec((1, RPI, C), lambda i: (i, 0, 0)),
        out_shape=jax.ShapeDtypeStruct((NIMG, RPI, C), jnp.float32),
        scratch_shapes=[
            pltpu.VMEM((FW + 2, D + 2, C), jnp.float32),
            pltpu.VMEM((FW + 2, D + 2, C), jnp.float32),
        ],
        compiler_params=pltpu.CompilerParams(
            dimension_semantics=("arbitrary",),
        ),
    )(depthT, imgT, wt, bias, maskf)


def _prep_weights(w, g=None):
    w9 = jnp.transpose(w, (2, 3, 1, 0)).reshape(9 * C, C)
    if g is not None:
        w9 = w9 * (g * BN_INV)[None, :]
    return w9


NW = 32
RPI = 1280
NPAD = NIMG * RPI
PPW = NPAD // NW
CHUNK = 128
NCHUNK = PPW // CHUNK
NTRASH = 128
NACC = NVOX + NTRASH
ZROWS = NACC // 16

_G = np.arange(NPAD)
_R = _G % RPI
_VALID = (_R < ROWS).astype(np.int32)
_SRC = ((_G // RPI) * ROWS + np.minimum(_R, ROWS - 1)).astype(np.int32)
_TRASH = (NVOX + (_G % NTRASH)).astype(np.int32)


def _sc_scatter(feats, idx3, zrows):
    mesh = plsc.VectorSubcoreMesh(core_axis_name="c", subcore_axis_name="s")

    @functools.partial(
        pl.kernel, mesh=mesh,
        out_type=jax.ShapeDtypeStruct((2 * NACC, C), jnp.float32),
        scratch_types=[
            pltpu.VMEM((2, CHUNK, C), jnp.float32),
            pltpu.VMEM((NCHUNK, CHUNK), jnp.int32),
            pltpu.VMEM_SHARED((NACC, C), jnp.float32),
            pltpu.SemaphoreType.DMA((2,)),
        ],
        compiler_params=pltpu.CompilerParams(use_tc_tiling_on_sc=False),
    )
    def k(feats_hbm, idx_hbm, z_hbm, out_hbm, featv, idxv, acc, sem):
        cid = lax.axis_index("c")
        sid = lax.axis_index("s")
        wid = sid * 2 + cid
        base = wid * PPW
        copies = [
            pltpu.async_copy(feats_hbm.at[pl.ds(base + j * CHUNK, CHUNK)],
                             featv.at[j % 2], sem.at[j % 2])
            for j in range(2)
        ]
        pltpu.sync_copy(idx_hbm.at[wid], idxv)
        zb = sid * ZROWS
        pltpu.sync_copy(z_hbm, acc.at[pl.ds(zb, ZROWS)])
        plsc.subcore_barrier()
        for j in range(NCHUNK):
            copies[j].wait()
            pltpu.sync_copy(featv.at[j % 2], acc.at[idxv.at[j]], add=True)
            if j + 2 < NCHUNK:
                copies.append(
                    pltpu.async_copy(
                        feats_hbm.at[pl.ds(base + (j + 2) * CHUNK, CHUNK)],
                        featv.at[j % 2], sem.at[j % 2]))
        plsc.subcore_barrier()
        pltpu.sync_copy(acc.at[pl.ds(zb, ZROWS)],
                        out_hbm.at[pl.ds(cid * NACC + zb, ZROWS)])

    return k(feats, idx3, zrows)


CB = 1024


def _combine_body(p_ref, o_ref):
    s = p_ref[0] + p_ref[1]
    o_ref[...] = jnp.transpose(s)


def _combine(parts):
    return pl.pallas_call(
        _combine_body,
        grid=(NVOX // CB,),
        in_specs=[pl.BlockSpec((2, CB, C), lambda j: (0, j, 0))],
        out_specs=pl.BlockSpec((C, CB), lambda j: (0, j)),
        out_shape=jax.ShapeDtypeStruct((C, NVOX), jnp.float32),
        compiler_params=pltpu.CompilerParams(
            dimension_semantics=("arbitrary",),
        ),
    )(parts)


def kernel(img_feats, depth_feats, sensor2ego_mats, intrin_mats, ida_mats, bda_mats,
           w1, g1, bb1, w2, g2, bb2, w3, g3, bb3, w4, b4):
    idx, mask = _geometry(sensor2ego_mats, intrin_mats, ida_mats, bda_mats)
    maskf = mask.astype(jnp.float32).reshape(NIMG, ROWS, 1)
    wt = jnp.stack([_prep_weights(w1, g1), _prep_weights(w2, g2),
                    _prep_weights(w3, g3), _prep_weights(w4)])
    bias = jnp.stack([bb1, bb2, bb3, b4])
    feats = _dense_feats(img_feats, depth_feats, wt, bias, maskf)

    pid = lax.iota(jnp.int32, NPTS)
    idxm = jnp.where(mask, idx, pid & (NVOX - 1))
    idx_full = jnp.where(_VALID == 1, idxm[_SRC], _TRASH).astype(jnp.int32)
    parts = _sc_scatter(feats.reshape(NPAD, C),
                        idx_full.reshape(NW, NCHUNK, CHUNK),
                        jnp.zeros((ZROWS, C), jnp.float32))
    bev = _combine(parts.reshape(2, NACC, C))
    return bev.reshape(B, C, VY, VX)

# --- scband reference (transcript-rebuilt; emitter-appended) ---
"""Pipeline reference for scband-img-bevgeneration-9543417332320 (READ-ONLY COPY).

The authoritative reference and input builder live on the scoring server;
editing this copy changes nothing except your own understanding.
"""

import jax, jax.numpy as jnp
import numpy as np

B = 1
NCAM = 6
C = 64
D = 56
FH, FW = 8, 22
OGH, OGW = 128, 352
VX, VY, VZ = 128, 128, 1
VOXEL_SIZE = jnp.array([0.8, 0.8, 8.0], dtype=jnp.float32)
VOXEL_COORD = jnp.array([-51.2 + 0.4, -51.2 + 0.4, -5.0 + 4.0], dtype=jnp.float32)
BN_INV = float(1.0 / np.sqrt(1.0 + 1e-5))


def create_frustum():
    d = jnp.broadcast_to(jnp.arange(2.0, 58.0, 1.0, dtype=jnp.float32).reshape(D, 1, 1), (D, FH, FW))
    x = jnp.broadcast_to(jnp.linspace(0.0, OGW - 1.0, FW, dtype=jnp.float32).reshape(1, 1, FW), (D, FH, FW))
    y = jnp.broadcast_to(jnp.linspace(0.0, OGH - 1.0, FH, dtype=jnp.float32).reshape(1, FH, 1), (D, FH, FW))
    pad = jnp.ones_like(d)
    return jnp.stack((x, y, d, pad), -1)


def conv2d(x, w, b=None):
    y = jax.lax.conv_general_dilated(x, w, (1, 1), 'SAME', dimension_numbers=('NCHW', 'OIHW', 'NCHW'))
    if b is not None:
        y = y + b.reshape(1, -1, 1, 1)
    return y


def bn_relu(x, g, b):
    return jax.nn.relu(x * (g.reshape(1, -1, 1, 1) * BN_INV) + b.reshape(1, -1, 1, 1))


def depth_agg(x, w1, g1, bb1, w2, g2, bb2, w3, g3, bb3, w4, b4):
    x = bn_relu(conv2d(x, w1), g1, bb1)
    h = bn_relu(conv2d(x, w2), g2, bb2)
    h = bn_relu(conv2d(h, w3), g3, bb3)
    x = h + x
    return conv2d(x, w4, b4)


def setup_inputs(seed: int = 0):
    key = jax.random.key(seed)
    ks = jax.random.split(key, 8)
    img_feats = jax.random.normal(ks[0], (B * NCAM, C, FH, FW), dtype=jnp.float32)
    depth_feats = jax.random.uniform(ks[1], (B * NCAM, D, FH, FW), dtype=jnp.float32)
    fx = fy = 260.0
    cx, cy = OGW / 2.0, OGH / 2.0
    intrin = np.eye(4, dtype=np.float32)
    intrin[0, 0] = fx; intrin[1, 1] = fy; intrin[0, 2] = cx; intrin[1, 2] = cy
    base = np.array([[0., 0., 1.], [-1., 0., 0.], [0., -1., 0.]], dtype=np.float32)
    s2e = []
    for i in range(NCAM):
        yaw = 2.0 * np.pi * i / NCAM
        Rz = np.array([[np.cos(yaw), -np.sin(yaw), 0.], [np.sin(yaw), np.cos(yaw), 0.], [0., 0., 1.]], dtype=np.float32)
        M = np.eye(4, dtype=np.float32)
        M[:3, :3] = Rz @ base
        M[:3, 3] = np.array([1.5 * np.cos(yaw), 1.5 * np.sin(yaw), 1.6], dtype=np.float32)
        s2e.append(M)
    sensor2ego_mats = jnp.asarray(np.stack([np.stack(s2e)] * B))
    intrin_mats = jnp.asarray(np.broadcast_to(intrin, (B, NCAM, 4, 4)).copy())
    ida_mats = jnp.asarray(np.broadcast_to(np.eye(4, dtype=np.float32), (B, NCAM, 4, 4)).copy())
    bda_mats = jnp.asarray(np.broadcast_to(np.eye(4, dtype=np.float32), (B, 4, 4)).copy())
    s = 0.05
    w1 = jax.random.normal(ks[2], (C, C, 3, 3), dtype=jnp.float32) * s
    w2 = jax.random.normal(ks[3], (C, C, 3, 3), dtype=jnp.float32) * s
    w3 = jax.random.normal(ks[4], (C, C, 3, 3), dtype=jnp.float32) * s
    w4 = jax.random.normal(ks[5], (C, C, 3, 3), dtype=jnp.float32) * s
    g1 = jnp.ones((C,), dtype=jnp.float32); bb1 = jnp.zeros((C,), dtype=jnp.float32)
    g2 = jnp.ones((C,), dtype=jnp.float32); bb2 = jnp.zeros((C,), dtype=jnp.float32)
    g3 = jnp.ones((C,), dtype=jnp.float32); bb3 = jnp.zeros((C,), dtype=jnp.float32)
    b4 = jnp.zeros((C,), dtype=jnp.float32)
    return dict(img_feats=img_feats, depth_feats=depth_feats,
                sensor2ego_mats=sensor2ego_mats, intrin_mats=intrin_mats,
                ida_mats=ida_mats, bda_mats=bda_mats,
                w1=w1, g1=g1, bb1=bb1, w2=w2, g2=g2, bb2=bb2,
                w3=w3, g3=g3, bb3=bb3, w4=w4, b4=b4)


def _forward(img_feats, depth_feats, sensor2ego_mats, intrin_mats, ida_mats, bda_mats,
             w1, g1, bb1, w2, g2, bb2, w3, g3, bb3, w4, b4):
    frustum = create_frustum()
    ida_inv = jnp.linalg.inv(ida_mats)
    pts = jnp.einsum('bnij,dhwj->bndhwi', ida_inv, frustum)
    pts = jnp.concatenate([pts[..., :2] * pts[..., 2:3], pts[..., 2:]], axis=-1)
    combine = sensor2ego_mats @ jnp.linalg.inv(intrin_mats)
    pts = jnp.einsum('bnij,bndhwj->bndhwi', combine, pts)
    pts = jnp.einsum('bij,bndhwj->bndhwi', bda_mats, pts)
    geom = pts[..., :3]
    geom_xyz = ((geom - (VOXEL_COORD - VOXEL_SIZE / 2.0)) / VOXEL_SIZE).astype(jnp.int32)
    x = depth_feats[:, None, :, :, :] * img_feats[:, :, None, :, :]
    x = jnp.transpose(x, (0, 3, 1, 4, 2)).reshape(-1, C, FW, D)
    x = depth_agg(x, w1, g1, bb1, w2, g2, bb2, w3, g3, bb3, w4, b4)
    x = x.reshape(B * NCAM, FH, C, FW, D)
    x = jnp.transpose(x, (0, 2, 4, 1, 3)).reshape(B, NCAM, C, D, FH, FW)
    x = jnp.transpose(x, (0, 1, 3, 4, 5, 2))
    gx = geom_xyz.reshape(B, -1, 3)
    feats = x.reshape(B, -1, C)
    mask = ((gx[..., 0] >= 0) & (gx[..., 0] < VX) & (gx[..., 1] >= 0) & (gx[..., 1] < VY)
            & (gx[..., 2] >= 0) & (gx[..., 2] < VZ))
    idx = (gx[..., 2] * VY + gx[..., 1]) * VX + gx[..., 0]
    idx = jnp.where(mask, idx, VZ * VY * VX)
    flat_idx = (idx + jnp.arange(B).reshape(B, 1) * (VZ * VY * VX + 1)).reshape(-1)
    flat_feats = jnp.where(mask[..., None], feats, 0.0).reshape(-1, C)
    bev = jnp.zeros((B * (VZ * VY * VX + 1), C), dtype=jnp.float32).at[flat_idx].add(flat_feats)
    bev = bev.reshape(B, VZ * VY * VX + 1, C)[:, :VZ * VY * VX, :].reshape(B, VZ, VY, VX, C)
    return jnp.transpose(bev[:, 0], (0, 3, 1, 2))


def reference(img_feats, depth_feats, sensor2ego_mats, intrin_mats, ida_mats, bda_mats,
              w1, g1, bb1, w2, g2, bb2, w3, g3, bb3, w4, b4):
    return _forward(img_feats=img_feats, depth_feats=depth_feats,
                    sensor2ego_mats=sensor2ego_mats, intrin_mats=intrin_mats,
                    ida_mats=ida_mats, bda_mats=bda_mats,
                    w1=w1, g1=g1, bb1=bb1, w2=w2, g2=g2, bb2=bb2,
                    w3=w3, g3=g3, bb3=bb3, w4=w4, b4=b4)

if __name__ == "__main__":
    import jax
    _d = setup_inputs()
    print(jax.jit(kernel)(*tuple(_d.values())))

</pallas_src>

<mosaic_0001>
#map = affine_map<(d0, d1) -> (0, 0)>
#map1 = affine_map<(d0, d1) -> (0, 0, 0)>
module attributes {stable_mosaic.version = 14 : i64} {
  func.func @k(%arg0: i32, %arg1: i32, %arg2: memref<61440x64xf32, #tpu.memory_space<hbm>>, %arg3: memref<32x15x128xi32, #tpu.memory_space<hbm>>, %arg4: memref<1032x64xf32, #tpu.memory_space<hbm>>, %arg5: memref<33024x64xf32, #tpu.memory_space<hbm>>, %arg6: memref<2x128x64xf32, #tpu.memory_space<vmem>>, %arg7: memref<15x128xi32, #tpu.memory_space<vmem>>, %arg8: memref<16512x64xf32, #tpu.memory_space<vmem_shared>>, %arg9: memref<2x!tpu.dma_semaphore, #tpu.memory_space<semaphore_mem>>) attributes {dimension_semantics = [#tpu.dimension_semantics<core_parallel>, #tpu.dimension_semantics<subcore_parallel>], iteration_bounds = array<i64: 2, 16>, scalar_prefetch = 0 : i64, scratch_operands = 4 : i64, tpu.core_type = #tpu.core_type<sc_vector_subcore>, window_params = [{transform_indices = #map}, {transform_indices = #map1}, {transform_indices = #map}, {transform_indices = #map}]} {
    %mul3A = arith.constant 2 : i32
    %mul3A_0 = arith.muli %arg1, %mul3A : i32
    %add3A = arith.addi %mul3A_0, %arg0 : i32
    %mul3A_1 = arith.constant 1920 : i32
    %mul3A_2 = arith.muli %add3A, %mul3A_1 : i32
    %add3A_3 = arith.constant 0 : i32
    %add3A_4 = arith.addi %mul3A_2, %add3A_3 : i32
    %dma_start3A = arith.constant 0 : i32
    %dma_start3A_5 = arith.constant 0 : i32
    %dma_start3A_6 = arith.constant 0 : i32
    %dma_start3A_7 = arith.constant 0 : i32
    %dma_start3A_8 = tpu.memref_slice %arg6[%dma_start3A, %dma_start3A_6, %dma_start3A_7] : memref<2x128x64xf32, #tpu.memory_space<vmem>> -> memref<1x128x64xf32, #tpu.memory_space<vmem>>
    %dma_start3A_9 = tpu.memref_squeeze %dma_start3A_8 : memref<1x128x64xf32, #tpu.memory_space<vmem>> -> memref<128x64xf32, #tpu.memory_space<vmem>>
    %dma_start3A_10 = arith.constant 0 : i32
    %dma_start3A_11 = tpu.memref_slice %arg2[%add3A_4, %dma_start3A_10] : memref<61440x64xf32, #tpu.memory_space<hbm>> -> memref<128x64xf32, #tpu.memory_space<hbm>>
    %dma_start3A_12 = tpu.memref_slice %arg9[%dma_start3A_5] : memref<2x!tpu.dma_semaphore, #tpu.memory_space<semaphore_mem>> -> memref<1x!tpu.dma_semaphore, #tpu.memory_space<semaphore_mem>>
    %dma_start3A_13 = tpu.memref_squeeze %dma_start3A_12 : memref<1x!tpu.dma_semaphore, #tpu.memory_space<semaphore_mem>> -> memref<!tpu.dma_semaphore, #tpu.memory_space<semaphore_mem>>
    %dma_start3A_14 = arith.constant 0 : i32
    %dma_start3A_15 = arith.constant 0 : i32
    %dma_start3A_16 = tpu.memref_slice %arg6[%dma_start3A, %dma_start3A_14, %dma_start3A_15] : memref<2x128x64xf32, #tpu.memory_space<vmem>> -> memref<1x128x64xf32, #tpu.memory_space<vmem>>
    %dma_start3A_17 = tpu.memref_squeeze %dma_start3A_16 : memref<1x128x64xf32, #tpu.memory_space<vmem>> -> memref<128x64xf32, #tpu.memory_space<vmem>>
    %dma_start3A_18 = arith.constant 0 : i32
    %dma_start3A_19 = tpu.memref_slice %arg2[%add3A_4, %dma_start3A_18] : memref<61440x64xf32, #tpu.memory_space<hbm>> -> memref<128x64xf32, #tpu.memory_space<hbm>>
    tpu.enqueue_dma source(%dma_start3A_19 : memref<128x64xf32, #tpu.memory_space<hbm>>) target(%dma_start3A_17 : memref<128x64xf32, #tpu.memory_space<vmem>>) target_semaphore(%dma_start3A_13 : memref<!tpu.dma_semaphore, #tpu.memory_space<semaphore_mem>>)
    %add3A_20 = arith.constant 128 : i32
    %add3A_21 = arith.addi %mul3A_2, %add3A_20 : i32
    %dma_start3A_22 = arith.constant 1 : i32
    %dma_start3A_23 = arith.constant 1 : i32
    %dma_start3A_24 = arith.constant 0 : i32
    %dma_start3A_25 = arith.constant 0 : i32
    %dma_start3A_26 = tpu.memref_slice %arg6[%dma_start3A_22, %dma_start3A_24, %dma_start3A_25] : memref<2x128x64xf32, #tpu.memory_space<vmem>> -> memref<1x128x64xf32, #tpu.memory_space<vmem>>
    %dma_start3A_27 = tpu.memref_squeeze %dma_start3A_26 : memref<1x128x64xf32, #tpu.memory_space<vmem>> -> memref<128x64xf32, #tpu.memory_space<vmem>>
    %dma_start3A_28 = arith.constant 0 : i32
    %dma_start3A_29 = tpu.memref_slice %arg2[%add3A_21, %dma_start3A_28] : memref<61440x64xf32, #tpu.memory_space<hbm>> -> memref<128x64xf32, #tpu.memory_space<hbm>>
    %dma_start3A_30 = tpu.memref_slice %arg9[%dma_start3A_23] : memref<2x!tpu.dma_semaphore, #tpu.memory_space<semaphore_mem>> -> memref<1x!tpu.dma_semaphore, #tpu.memory_space<semaphore_mem>>
    %dma_start3A_31 = tpu.memref_squeeze %dma_start3A_30 : memref<1x!tpu.dma_semaphore, #tpu.memory_space<semaphore_mem>> -> memref<!tpu.dma_semaphore, #tpu.memory_space<semaphore_mem>>
    %dma_start3A_32 = arith.constant 0 : i32
    %dma_start3A_33 = arith.constant 0 : i32
    %dma_start3A_34 = tpu.memref_slice %arg6[%dma_start3A_22, %dma_start3A_32, %dma_start3A_33] : memref<2x128x64xf32, #tpu.memory_space<vmem>> -> memref<1x128x64xf32, #tpu.memory_space<vmem>>
    %dma_start3A_35 = tpu.memref_squeeze %dma_start3A_34 : memref<1x128x64xf32, #tpu.memory_space<vmem>> -> memref<128x64xf32, #tpu.memory_space<vmem>>
    %dma_start3A_36 = arith.constant 0 : i32
    %dma_start3A_37 = tpu.memref_slice %arg2[%add3A_21, %dma_start3A_36] : memref<61440x64xf32, #tpu.memory_space<hbm>> -> memref<128x64xf32, #tpu.memory_space<hbm>>
    tpu.enqueue_dma source(%dma_start3A_37 : memref<128x64xf32, #tpu.memory_space<hbm>>) target(%dma_start3A_35 : memref<128x64xf32, #tpu.memory_space<vmem>>) target_semaphore(%dma_start3A_31 : memref<!tpu.dma_semaphore, #tpu.memory_space<semaphore_mem>>)
    "tpu.region"() ({
      %run_scoped3A_546 = tpu.sem_alloc : memref<!tpu.dma_semaphore, #tpu.memory_space<semaphore_mem>>
      %dma_start3A_547 = arith.constant 0 : i32
      %dma_start3A_548 = arith.constant 0 : i32
      %dma_start3A_549 = tpu.memref_slice %arg3[%add3A, %dma_start3A_547, %dma_start3A_548] : memref<32x15x128xi32, #tpu.memory_space<hbm>> -> memref<1x15x128xi32, #tpu.memory_space<hbm>>
      %dma_start3A_550 = tpu.memref_squeeze %dma_start3A_549 : memref<1x15x128xi32, #tpu.memory_space<hbm>> -> memref<15x128xi32, #tpu.memory_space<hbm>>
      %dma_start3A_551 = arith.constant 0 : i32
      %dma_start3A_552 = arith.constant 0 : i32
      %dma_start3A_553 = tpu.memref_slice %arg3[%add3A, %dma_start3A_551, %dma_start3A_552] : memref<32x15x128xi32, #tpu.memory_space<hbm>> -> memref<1x15x128xi32, #tpu.memory_space<hbm>>
      %dma_start3A_554 = tpu.memref_squeeze %dma_start3A_553 : memref<1x15x128xi32, #tpu.memory_space<hbm>> -> memref<15x128xi32, #tpu.memory_space<hbm>>
      tpu.enqueue_dma source(%dma_start3A_554 : memref<15x128xi32, #tpu.memory_space<hbm>>) target(%arg7 : memref<15x128xi32, #tpu.memory_space<vmem>>) target_semaphore(%run_scoped3A_546 : memref<!tpu.dma_semaphore, #tpu.memory_space<semaphore_mem>>)
      %dma_wait3A_555 = arith.constant 0 : i32
      %dma_wait3A_556 = arith.constant 0 : i32
      %dma_wait3A_557 = tpu.memref_slice %arg3[%add3A, %dma_wait3A_555, %dma_wait3A_556] : memref<32x15x128xi32, #tpu.memory_space<hbm>> -> memref<1x15x128xi32, #tpu.memory_space<hbm>>
      %dma_wait3A_558 = tpu.memref_squeeze %dma_wait3A_557 : memref<1x15x128xi32, #tpu.memory_space<hbm>> -> memref<15x128xi32, #tpu.memory_space<hbm>>
      %dma_wait3A_559 = arith.constant 0 : i32
      %dma_wait3A_560 = arith.constant 0 : i32
      %dma_wait3A_561 = tpu.memref_slice %arg3[%add3A, %dma_wait3A_559, %dma_wait3A_560] : memref<32x15x128xi32, #tpu.memory_space<hbm>> -> memref<1x15x128xi32, #tpu.memory_space<hbm>>
      %dma_wait3A_562 = tpu.memref_squeeze %dma_wait3A_561 : memref<1x15x128xi32, #tpu.memory_space<hbm>> -> memref<15x128xi32, #tpu.memory_space<hbm>>
      tpu.wait_dma2 semaphore(%run_scoped3A_546 : memref<!tpu.dma_semaphore, #tpu.memory_space<semaphore_mem>>) src(%dma_wait3A_562 : memref<15x128xi32, #tpu.memory_space<hbm>>) dst(%arg7 : memref<15x128xi32, #tpu.memory_space<vmem>>)
      tpu.yield
    }) : () -> ()
    %mul3A_38 = arith.constant 1032 : i32
    %mul3A_39 = arith.muli %arg1, %mul3A_38 : i32
    "tpu.region"() ({
      %run_scoped3A_546 = tpu.sem_alloc : memref<!tpu.dma_semaphore, #tpu.memory_space<semaphore_mem>>
      %dma_start3A_547 = arith.constant 0 : i32
      %dma_start3A_548 = tpu.memref_slice %arg8[%mul3A_39, %dma_start3A_547] : memref<16512x64xf32, #tpu.memory_space<vmem_shared>> -> memref<1032x64xf32, #tpu.memory_space<vmem_shared>>
      tpu.enqueue_dma source(%arg4 : memref<1032x64xf32, #tpu.memory_space<hbm>>) target(%dma_start3A_548 : memref<1032x64xf32, #tpu.memory_space<vmem_shared>>) target_semaphore(%run_scoped3A_546 : memref<!tpu.dma_semaphore, #tpu.memory_space<semaphore_mem>>)
      %dma_wait3A_549 = arith.constant 0 : i32
      %dma_wait3A_550 = tpu.memref_slice %arg8[%mul3A_39, %dma_wait3A_549] : memref<16512x64xf32, #tpu.memory_space<vmem_shared>> -> memref<1032x64xf32, #tpu.memory_space<vmem_shared>>
      tpu.wait_dma2 semaphore(%run_scoped3A_546 : memref<!tpu.dma_semaphore, #tpu.memory_space<semaphore_mem>>) src(%arg4 : memref<1032x64xf32, #tpu.memory_space<hbm>>) dst(%dma_wait3A_550 : memref<1032x64xf32, #tpu.memory_space<vmem_shared>>)
      tpu.yield
    }) : () -> ()
    %barrier3A = arith.constant 0 : index
    tpu.barrier barrier_id(%barrier3A)
    %dma_wait3A = arith.constant 0 : i32
    %dma_wait3A_40 = arith.constant 0 : i32
    %dma_wait3A_41 = arith.constant 0 : i32
    %dma_wait3A_42 = arith.constant 0 : i32
    %dma_wait3A_43 = tpu.memref_slice %arg6[%dma_wait3A, %dma_wait3A_41, %dma_wait3A_42] : memref<2x128x64xf32, #tpu.memory_space<vmem>> -> memref<1x128x64xf32, #tpu.memory_space<vmem>>
    %dma_wait3A_44 = tpu.memref_squeeze %dma_wait3A_43 : memref<1x128x64xf32, #tpu.memory_space<vmem>> -> memref<128x64xf32, #tpu.memory_space<vmem>>
    %dma_wait3A_45 = arith.constant 0 : i32
    %dma_wait3A_46 = tpu.memref_slice %arg2[%add3A_4, %dma_wait3A_45] : memref<61440x64xf32, #tpu.memory_space<hbm>> -> memref<128x64xf32, #tpu.memory_space<hbm>>
    %dma_wait3A_47 = tpu.memref_slice %arg9[%dma_wait3A_40] : memref<2x!tpu.dma_semaphore, #tpu.memory_space<semaphore_mem>> -> memref<1x!tpu.dma_semaphore, #tpu.memory_space<semaphore_mem>>
    %dma_wait3A_48 = tpu.memref_squeeze %dma_wait3A_47 : memref<1x!tpu.dma_semaphore, #tpu.memory_space<semaphore_mem>> -> memref<!tpu.dma_semaphore, #tpu.memory_space<semaphore_mem>>
    %dma_wait3A_49 = arith.constant 0 : i32
    %dma_wait3A_50 = arith.constant 0 : i32
    %dma_wait3A_51 = tpu.memref_slice %arg6[%dma_wait3A, %dma_wait3A_49, %dma_wait3A_50] : memref<2x128x64xf32, #tpu.memory_space<vmem>> -> memref<1x128x64xf32, #tpu.memory_space<vmem>>
    %dma_wait3A_52 = tpu.memref_squeeze %dma_wait3A_51 : memref<1x128x64xf32, #tpu.memory_space<vmem>> -> memref<128x64xf32, #tpu.memory_space<vmem>>
    %dma_wait3A_53 = arith.constant 0 : i32
    %dma_wait3A_54 = tpu.memref_slice %arg2[%add3A_4, %dma_wait3A_53] : memref<61440x64xf32, #tpu.memory_space<hbm>> -> memref<128x64xf32, #tpu.memory_space<hbm>>
    tpu.wait_dma2 semaphore(%dma_wait3A_48 : memref<!tpu.dma_semaphore, #tpu.memory_space<semaphore_mem>>) src(%dma_wait3A_54 : memref<128x64xf32, #tpu.memory_space<hbm>>) dst(%dma_wait3A_52 : memref<128x64xf32, #tpu.memory_space<vmem>>)
    %run_scoped3A = arith.constant 0 : i32
    %run_scoped3A_55 = arith.constant 0 : i32
    "tpu.region"() ({
      %run_scoped3A_546 = tpu.sem_alloc : memref<!tpu.dma_semaphore, #tpu.memory_space<semaphore_mem>>
      %dma_start3A_547 = arith.constant 0 : i32
      %dma_start3A_548 = arith.constant 0 : i32
      %dma_start3A_549 = tpu.memref_slice %arg6[%run_scoped3A, %dma_start3A_547, %dma_start3A_548] : memref<2x128x64xf32, #tpu.memory_space<vmem>> -> memref<1x128x64xf32, #tpu.memory_space<vmem>>
      %dma_start3A_550 = tpu.memref_squeeze %dma_start3A_549 : memref<1x128x64xf32, #tpu.memory_space<vmem>> -> memref<128x64xf32, #tpu.memory_space<vmem>>
      %dma_start3A_551 = arith.constant 0 : i32
      %dma_start3A_552 = tpu.memref_slice %arg7[%run_scoped3A_55, %dma_start3A_551] : memref<15x128xi32, #tpu.memory_space<vmem>> -> memref<1x128xi32, #tpu.memory_space<vmem>>
      %dma_start3A_553 = tpu.memref_squeeze %dma_start3A_552 : memref<1x128xi32, #tpu.memory_space<vmem>> -> memref<128xi32, #tpu.memory_space<vmem>>
      %dma_start3A_554 = arith.constant 0 : i32
      %dma_start3A_555 = arith.constant 0 : i32
      %dma_start3A_556 = tpu.memref_slice %arg8[%dma_start3A_554, %dma_start3A_555] : memref<16512x64xf32, #tpu.memory_space<vmem_shared>> -> memref<16512x64xf32, #tpu.memory_space<vmem_shared>>
      tpu.enqueue_indirect_dma source(%dma_start3A_550 : memref<128x64xf32, #tpu.memory_space<vmem>>) target(%dma_start3A_556 : memref<16512x64xf32, #tpu.memory_space<vmem_shared>>) offsets(%dma_start3A_553 : memref<128xi32, #tpu.memory_space<vmem>>) semaphore(%run_scoped3A_546 : memref<!tpu.dma_semaphore, #tpu.memory_space<semaphore_mem>>) {add = true}
      %dma_wait3A_557 = arith.constant 0 : i32
      %dma_wait3A_558 = arith.constant 0 : i32
      %dma_wait3A_559 = tpu.memref_slice %arg6[%run_scoped3A, %dma_wait3A_557, %dma_wait3A_558] : memref<2x128x64xf32, #tpu.memory_space<vmem>> -> memref<1x128x64xf32, #tpu.memory_space<vmem>>
      %dma_wait3A_560 = tpu.memref_squeeze %dma_wait3A_559 : memref<1x128x64xf32, #tpu.memory_space<vmem>> -> memref<128x64xf32, #tpu.memory_space<vmem>>
      %dma_wait3A_561 = arith.constant 0 : i32
      %dma_wait3A_562 = tpu.memref_slice %arg7[%run_scoped3A_55, %dma_wait3A_561] : memref<15x128xi32, #tpu.memory_space<vmem>> -> memref<1x128xi32, #tpu.memory_space<vmem>>
      %dma_wait3A_563 = tpu.memref_squeeze %dma_wait3A_562 : memref<1x128xi32, #tpu.memory_space<vmem>> -> memref<128xi32, #tpu.memory_space<vmem>>
      %dma_wait3A_564 = arith.constant 0 : i32
      %dma_wait3A_565 = arith.constant 0 : i32
      %dma_wait3A_566 = tpu.memref_slice %arg8[%dma_wait3A_564, %dma_wait3A_565] : memref<16512x64xf32, #tpu.memory_space<vmem_shared>> -> memref<16512x64xf32, #tpu.memory_space<vmem_shared>>
      tpu.wait_indirect_dma semaphore(%run_scoped3A_546 : memref<!tpu.dma_semaphore, #tpu.memory_space<semaphore_mem>>) src(%dma_wait3A_560 : memref<128x64xf32, #tpu.memory_space<vmem>>) dst(%dma_wait3A_566 : memref<16512x64xf32, #tpu.memory_space<vmem_shared>>)
      tpu.yield
    }) : () -> ()
    %add3A_56 = arith.constant 256 : i32
    %add3A_57 = arith.addi %mul3A_2, %add3A_56 : i32
    %dma_start3A_58 = arith.constant 0 : i32
    %dma_start3A_59 = arith.constant 0 : i32
    %dma_start3A_60 = arith.constant 0 : i32
    %dma_start3A_61 = arith.constant 0 : i32
    %dma_start3A_62 = tpu.memref_slice %arg6[%dma_start3A_58, %dma_start3A_60, %dma_start3A_61] : memref<2x128x64xf32, #tpu.memory_space<vmem>> -> memref<1x128x64xf32, #tpu.memory_space<vmem>>
    %dma_start3A_63 = tpu.memref_squeeze %dma_start3A_62 : memref<1x128x64xf32, #tpu.memory_space<vmem>> -> memref<128x64xf32, #tpu.memory_space<vmem>>
    %dma_start3A_64 = arith.constant 0 : i32
    %dma_start3A_65 = tpu.memref_slice %arg2[%add3A_57, %dma_start3A_64] : memref<61440x64xf32, #tpu.memory_space<hbm>> -> memref<128x64xf32, #tpu.memory_space<hbm>>
    %dma_start3A_66 = tpu.memref_slice %arg9[%dma_start3A_59] : memref<2x!tpu.dma_semaphore, #tpu.memory_space<semaphore_mem>> -> memref<1x!tpu.dma_semaphore, #tpu.memory_space<semaphore_mem>>
    %dma_start3A_67 = tpu.memref_squeeze %dma_start3A_66 : memref<1x!tpu.dma_semaphore, #tpu.memory_space<semaphore_mem>> -> memref<!tpu.dma_semaphore, #tpu.memory_space<semaphore_mem>>
    %dma_start3A_68 = arith.constant 0 : i32
    %dma_start3A_69 = arith.constant 0 : i32
    %dma_start3A_70 = tpu.memref_slice %arg6[%dma_start3A_58, %dma_start3A_68, %dma_start3A_69] : memref<2x128x64xf32, #tpu.memory_space<vmem>> -> memref<1x128x64xf32, #tpu.memory_space<vmem>>
    %dma_start3A_71 = tpu.memref_squeeze %dma_start3A_70 : memref<1x128x64xf32, #tpu.memory_space<vmem>> -> memref<128x64xf32, #tpu.memory_space<vmem>>
    %dma_start3A_72 = arith.constant 0 : i32
    %dma_start3A_73 = tpu.memref_slice %arg2[%add3A_57, %dma_start3A_72] : memref<61440x64xf32, #tpu.memory_space<hbm>> -> memref<128x64xf32, #tpu.memory_space<hbm>>
    tpu.enqueue_dma source(%dma_start3A_73 : memref<128x64xf32, #tpu.memory_space<hbm>>) target(%dma_start3A_71 : memref<128x64xf32, #tpu.memory_space<vmem>>) target_semaphore(%dma_start3A_67 : memref<!tpu.dma_semaphore, #tpu.memory_space<semaphore_mem>>)
    %dma_wait3A_74 = arith.constant 1 : i32
    %dma_wait3A_75 = arith.constant 1 : i32
    %dma_wait3A_76 = arith.constant 0 : i32
    %dma_wait3A_77 = arith.constant 0 : i32
    %dma_wait3A_78 = tpu.memref_slice %arg6[%dma_wait3A_74, %dma_wait3A_76, %dma_wait3A_77] : memref<2x128x64xf32, #tpu.memory_space<vmem>> -> memref<1x128x64xf32, #tpu.memory_space<vmem>>
    %dma_wait3A_79 = tpu.memref_squeeze %dma_wait3A_78 : memref<1x128x64xf32, #tpu.memory_space<vmem>> -> memref<128x64xf32, #tpu.memory_space<vmem>>
    %dma_wait3A_80 = arith.constant 0 : i32
    %dma_wait3A_81 = tpu.memref_slice %arg2[%add3A_21, %dma_wait3A_80] : memref<61440x64xf32, #tpu.memory_space<hbm>> -> memref<128x64xf32, #tpu.memory_space<hbm>>
    %dma_wait3A_82 = tpu.memref_slice %arg9[%dma_wait3A_75] : memref<2x!tpu.dma_semaphore, #tpu.memory_space<semaphore_mem>> -> memref<1x!tpu.dma_semaphore, #tpu.memory_space<semaphore_mem>>
    %dma_wait3A_83 = tpu.memref_squeeze %dma_wait3A_82 : memref<1x!tpu.dma_semaphore, #tpu.memory_space<semaphore_mem>> -> memref<!tpu.dma_semaphore, #tpu.memory_space<semaphore_mem>>
    %dma_wait3A_84 = arith.constant 0 : i32
    %dma_wait3A_85 = arith.constant 0 : i32
    %dma_wait3A_86 = tpu.memref_slice %arg6[%dma_wait3A_74, %dma_wait3A_84, %dma_wait3A_85] : memref<2x128x64xf32, #tpu.memory_space<vmem>> -> memref<1x128x64xf32, #tpu.memory_space<vmem>>
    %dma_wait3A_87 = tpu.memref_squeeze %dma_wait3A_86 : memref<1x128x64xf32, #tpu.memory_space<vmem>> -> memref<128x64xf32, #tpu.memory_space<vmem>>
    %dma_wait3A_88 = arith.constant 0 : i32
    %dma_wait3A_89 = tpu.memref_slice %arg2[%add3A_21, %dma_wait3A_88] : memref<61440x64xf32, #tpu.memory_space<hbm>> -> memref<128x64xf32, #tpu.memory_space<hbm>>
    tpu.wait_dma2 semaphore(%dma_wait3A_83 : memref<!tpu.dma_semaphore, #tpu.memory_space<semaphore_mem>>) src(%dma_wait3A_89 : memref<128x64xf32, #tpu.memory_space<hbm>>) dst(%dma_wait3A_87 : memref<128x64xf32, #tpu.memory_space<vmem>>)
    %run_scoped3A_90 = arith.constant 1 : i32
    %run_scoped3A_91 = arith.constant 1 : i32
    "tpu.region"() ({
      %run_scoped3A_546 = tpu.sem_alloc : memref<!tpu.dma_semaphore, #tpu.memory_space<semaphore_mem>>
      %dma_start3A_547 = arith.constant 0 : i32
      %dma_start3A_548 = arith.constant 0 : i32
      %dma_start3A_549 = tpu.memref_slice %arg6[%run_scoped3A_90, %dma_start3A_547, %dma_start3A_548] : memref<2x128x64xf32, #tpu.memory_space<vmem>> -> memref<1x128x64xf32, #tpu.memory_space<vmem>>
      %dma_start3A_550 = tpu.memref_squeeze %dma_start3A_549 : memref<1x128x64xf32, #tpu.memory_space<vmem>> -> memref<128x64xf32, #tpu.memory_space<vmem>>
      %dma_start3A_551 = arith.constant 0 : i32
      %dma_start3A_552 = tpu.memref_slice %arg7[%run_scoped3A_91, %dma_start3A_551] : memref<15x128xi32, #tpu.memory_space<vmem>> -> memref<1x128xi32, #tpu.memory_space<vmem>>
      %dma_start3A_553 = tpu.memref_squeeze %dma_start3A_552 : memref<1x128xi32, #tpu.memory_space<vmem>> -> memref<128xi32, #tpu.memory_space<vmem>>
      %dma_start3A_554 = arith.constant 0 : i32
      %dma_start3A_555 = arith.constant 0 : i32
      %dma_start3A_556 = tpu.memref_slice %arg8[%dma_start3A_554, %dma_start3A_555] : memref<16512x64xf32, #tpu.memory_space<vmem_shared>> -> memref<16512x64xf32, #tpu.memory_space<vmem_shared>>
      tpu.enqueue_indirect_dma source(%dma_start3A_550 : memref<128x64xf32, #tpu.memory_space<vmem>>) target(%dma_start3A_556 : memref<16512x64xf32, #tpu.memory_space<vmem_shared>>) offsets(%dma_start3A_553 : memref<128xi32, #tpu.memory_space<vmem>>) semaphore(%run_scoped3A_546 : memref<!tpu.dma_semaphore, #tpu.memory_space<semaphore_mem>>) {add = true}
      %dma_wait3A_557 = arith.constant 0 : i32
      %dma_wait3A_558 = arith.constant 0 : i32
      %dma_wait3A_559 = tpu.memref_slice %arg6[%run_scoped3A_90, %dma_wait3A_557, %dma_wait3A_558] : memref<2x128x64xf32, #tpu.memory_space<vmem>> -> memref<1x128x64xf32, #tpu.memory_space<vmem>>
      %dma_wait3A_560 = tpu.memref_squeeze %dma_wait3A_559 : memref<1x128x64xf32, #tpu.memory_space<vmem>> -> memref<128x64xf32, #tpu.memory_space<vmem>>
      %dma_wait3A_561 = arith.constant 0 : i32
      %dma_wait3A_562 = tpu.memref_slice %arg7[%run_scoped3A_91, %dma_wait3A_561] : memref<15x128xi32, #tpu.memory_space<vmem>> -> memref<1x128xi32, #tpu.memory_space<vmem>>
      %dma_wait3A_563 = tpu.memref_squeeze %dma_wait3A_562 : memref<1x128xi32, #tpu.memory_space<vmem>> -> memref<128xi32, #tpu.memory_space<vmem>>
      %dma_wait3A_564 = arith.constant 0 : i32
      %dma_wait3A_565 = arith.constant 0 : i32
      %dma_wait3A_566 = tpu.memref_slice %arg8[%dma_wait3A_564, %dma_wait3A_565] : memref<16512x64xf32, #tpu.memory_space<vmem_shared>> -> memref<16512x64xf32, #tpu.memory_space<vmem_shared>>
      tpu.wait_indirect_dma semaphore(%run_scoped3A_546 : memref<!tpu.dma_semaphore, #tpu.memory_space<semaphore_mem>>) src(%dma_wait3A_560 : memref<128x64xf32, #tpu.memory_space<vmem>>) dst(%dma_wait3A_566 : memref<16512x64xf32, #tpu.memory_space<vmem_shared>>)
      tpu.yield
    }) : () -> ()
    %add3A_92 = arith.constant 384 : i32
    %add3A_93 = arith.addi %mul3A_2, %add3A_92 : i32
    %dma_start3A_94 = arith.constant 1 : i32
    %dma_start3A_95 = arith.constant 1 : i32
    %dma_start3A_96 = arith.constant 0 : i32
    %dma_start3A_97 = arith.constant 0 : i32
    %dma_start3A_98 = tpu.memref_slice %arg6[%dma_start3A_94, %dma_start3A_96, %dma_start3A_97] : memref<2x128x64xf32, #tpu.memory_space<vmem>> -> memref<1x128x64xf32, #tpu.memory_space<vmem>>
    %dma_start3A_99 = tpu.memref_squeeze %dma_start3A_98 : memref<1x128x64xf32, #tpu.memory_space<vmem>> -> memref<128x64xf32, #tpu.memory_space<vmem>>
    %dma_start3A_100 = arith.constant 0 : i32
    %dma_start3A_101 = tpu.memref_slice %arg2[%add3A_93, %dma_start3A_100] : memref<61440x64xf32, #tpu.memory_space<hbm>> -> memref<128x64xf32, #tpu.memory_space<hbm>>
    %dma_start3A_102 = tpu.memref_slice %arg9[%dma_start3A_95] : memref<2x!tpu.dma_semaphore, #tpu.memory_space<semaphore_mem>> -> memref<1x!tpu.dma_semaphore, #tpu.memory_space<semaphore_mem>>
    %dma_start3A_103 = tpu.memref_squeeze %dma_start3A_102 : memref<1x!tpu.dma_semaphore, #tpu.memory_space<semaphore_mem>> -> memref<!tpu.dma_semaphore, #tpu.memory_space<semaphore_mem>>
    %dma_start3A_104 = arith.constant 0 : i32
    %dma_start3A_105 = arith.constant 0 : i32
    %dma_start3A_106 = tpu.memref_slice %arg6[%dma_start3A_94, %dma_start3A_104, %dma_start3A_105] : memref<2x128x64xf32, #tpu.memory_space<vmem>> -> memref<1x128x64xf32, #tpu.memory_space<vmem>>
    %dma_start3A_107 = tpu.memref_squeeze %dma_start3A_106 : memref<1x128x64xf32, #tpu.memory_space<vmem>> -> memref<128x64xf32, #tpu.memory_space<vmem>>
    %dma_start3A_108 = arith.constant 0 : i32
    %dma_start3A_109 = tpu.memref_slice %arg2[%add3A_93, %dma_start3A_108] : memref<61440x64xf32, #tpu.memory_space<hbm>> -> memref<128x64xf32, #tpu.memory_space<hbm>>
    tpu.enqueue_dma source(%dma_start3A_109 : memref<128x64xf32, #tpu.memory_space<hbm>>) target(%dma_start3A_107 : memref<128x64xf32, #tpu.memory_space<vmem>>) target_semaphore(%dma_start3A_103 : memref<!tpu.dma_semaphore, #tpu.memory_space<semaphore_mem>>)
    %dma_wait3A_110 = arith.constant 0 : i32
    %dma_wait3A_111 = arith.constant 0 : i32
    %dma_wait3A_112 = arith.constant 0 : i32
    %dma_wait3A_113 = arith.constant 0 : i32
    %dma_wait3A_114 = tpu.memref_slice %arg6[%dma_wait3A_110, %dma_wait3A_112, %dma_wait3A_113] : memref<2x128x64xf32, #tpu.memory_space<vmem>> -> memref<1x128x64xf32, #tpu.memory_space<vmem>>
    %dma_wait3A_115 = tpu.memref_squeeze %dma_wait3A_114 : memref<1x128x64xf32, #tpu.memory_space<vmem>> -> memref<128x64xf32, #tpu.memory_space<vmem>>
    %dma_wait3A_116 = arith.constant 0 : i32
    %dma_wait3A_117 = tpu.memref_slice %arg2[%add3A_57, %dma_wait3A_116] : memref<61440x64xf32, #tpu.memory_space<hbm>> -> memref<128x64xf32, #tpu.memory_space<hbm>>
    %dma_wait3A_118 = tpu.memref_slice %arg9[%dma_wait3A_111] : memref<2x!tpu.dma_semaphore, #tpu.memory_space<semaphore_mem>> -> memref<1x!tpu.dma_semaphore, #tpu.memory_space<semaphore_mem>>
    %dma_wait3A_119 = tpu.memref_squeeze %dma_wait3A_118 : memref<1x!tpu.dma_semaphore, #tpu.memory_space<semaphore_mem>> -> memref<!tpu.dma_semaphore, #tpu.memory_space<semaphore_mem>>
    %dma_wait3A_120 = arith.constant 0 : i32
    %dma_wait3A_121 = arith.constant 0 : i32
    %dma_wait3A_122 = tpu.memref_slice %arg6[%dma_wait3A_110, %dma_wait3A_120, %dma_wait3A_121] : memref<2x128x64xf32, #tpu.memory_space<vmem>> -> memref<1x128x64xf32, #tpu.memory_space<vmem>>
    %dma_wait3A_123 = tpu.memref_squeeze %dma_wait3A_122 : memref<1x128x64xf32, #tpu.memory_space<vmem>> -> memref<128x64xf32, #tpu.memory_space<vmem>>
    %dma_wait3A_124 = arith.constant 0 : i32
    %dma_wait3A_125 = tpu.memref_slice %arg2[%add3A_57, %dma_wait3A_124] : memref<61440x64xf32, #tpu.memory_space<hbm>> -> memref<128x64xf32, #tpu.memory_space<hbm>>
    tpu.wait_dma2 semaphore(%dma_wait3A_119 : memref<!tpu.dma_semaphore, #tpu.memory_space<semaphore_mem>>) src(%dma_wait3A_125 : memref<128x64xf32, #tpu.memory_space<hbm>>) dst(%dma_wait3A_123 : memref<128x64xf32, #tpu.memory_space<vmem>>)
    %run_scoped3A_126 = arith.constant 0 : i32
    %run_scoped3A_127 = arith.constant 2 : i32
    "tpu.region"() ({
      %run_scoped3A_546 = tpu.sem_alloc : memref<!tpu.dma_semaphore, #tpu.memory_space<semaphore_mem>>
      %dma_start3A_547 = arith.constant 0 : i32
      %dma_start3A_548 = arith.constant 0 : i32
      %dma_start3A_549 = tpu.memref_slice %arg6[%run_scoped3A_126, %dma_start3A_547, %dma_start3A_548] : memref<2x128x64xf32, #tpu.memory_space<vmem>> -> memref<1x128x64xf32, #tpu.memory_space<vmem>>
      %dma_start3A_550 = tpu.memref_squeeze %dma_start3A_549 : memref<1x128x64xf32, #tpu.memory_space<vmem>> -> memref<128x64xf32, #tpu.memory_space<vmem>>
      %dma_start3A_551 = arith.constant 0 : i32
      %dma_start3A_552 = tpu.memref_slice %arg7[%run_scoped3A_127, %dma_start3A_551] : memref<15x128xi32, #tpu.memory_space<vmem>> -> memref<1x128xi32, #tpu.memory_space<vmem>>
      %dma_start3A_553 = tpu.memref_squeeze %dma_start3A_552 : memref<1x128xi32, #tpu.memory_space<vmem>> -> memref<128xi32, #tpu.memory_space<vmem>>
      %dma_start3A_554 = arith.constant 0 : i32
      %dma_start3A_555 = arith.constant 0 : i32
      %dma_start3A_556 = tpu.memref_slice %arg8[%dma_start3A_554, %dma_start3A_555] : memref<16512x64xf32, #tpu.memory_space<vmem_shared>> -> memref<16512x64xf32, #tpu.memory_space<vmem_shared>>
      tpu.enqueue_indirect_dma source(%dma_start3A_550 : memref<128x64xf32, #tpu.memory_space<vmem>>) target(%dma_start3A_556 : memref<16512x64xf32, #tpu.memory_space<vmem_shared>>) offsets(%dma_start3A_553 : memref<128xi32, #tpu.memory_space<vmem>>) semaphore(%run_scoped3A_546 : memref<!tpu.dma_semaphore, #tpu.memory_space<semaphore_mem>>) {add = true}
      %dma_wait3A_557 = arith.constant 0 : i32
      %dma_wait3A_558 = arith.constant 0 : i32
      %dma_wait3A_559 = tpu.memref_slice %arg6[%run_scoped3A_126, %dma_wait3A_557, %dma_wait3A_558] : memref<2x128x64xf32, #tpu.memory_space<vmem>> -> memref<1x128x64xf32, #tpu.memory_space<vmem>>
      %dma_wait3A_560 = tpu.memref_squeeze %dma_wait3A_559 : memref<1x128x64xf32, #tpu.memory_space<vmem>> -> memref<128x64xf32, #tpu.memory_space<vmem>>
      %dma_wait3A_561 = arith.constant 0 : i32
      %dma_wait3A_562 = tpu.memref_slice %arg7[%run_scoped3A_127, %dma_wait3A_561] : memref<15x128xi32, #tpu.memory_space<vmem>> -> memref<1x128xi32, #tpu.memory_space<vmem>>
      %dma_wait3A_563 = tpu.memref_squeeze %dma_wait3A_562 : memref<1x128xi32, #tpu.memory_space<vmem>> -> memref<128xi32, #tpu.memory_space<vmem>>
      %dma_wait3A_564 = arith.constant 0 : i32
      %dma_wait3A_565 = arith.constant 0 : i32
      %dma_wait3A_566 = tpu.memref_slice %arg8[%dma_wait3A_564, %dma_wait3A_565] : memref<16512x64xf32, #tpu.memory_space<vmem_shared>> -> memref<16512x64xf32, #tpu.memory_space<vmem_shared>>
      tpu.wait_indirect_dma semaphore(%run_scoped3A_546 : memref<!tpu.dma_semaphore, #tpu.memory_space<semaphore_mem>>) src(%dma_wait3A_560 : memref<128x64xf32, #tpu.memory_space<vmem>>) dst(%dma_wait3A_566 : memref<16512x64xf32, #tpu.memory_space<vmem_shared>>)
      tpu.yield
    }) : () -> ()
    %add3A_128 = arith.constant 512 : i32
    %add3A_129 = arith.addi %mul3A_2, %add3A_128 : i32
    %dma_start3A_130 = arith.constant 0 : i32
    %dma_start3A_131 = arith.constant 0 : i32
    %dma_start3A_132 = arith.constant 0 : i32
    %dma_start3A_133 = arith.constant 0 : i32
    %dma_start3A_134 = tpu.memref_slice %arg6[%dma_start3A_130, %dma_start3A_132, %dma_start3A_133] : memref<2x128x64xf32, #tpu.memory_space<vmem>> -> memref<1x128x64xf32, #tpu.memory_space<vmem>>
    %dma_start3A_135 = tpu.memref_squeeze %dma_start3A_134 : memref<1x128x64xf32, #tpu.memory_space<vmem>> -> memref<128x64xf32, #tpu.memory_space<vmem>>
    %dma_start3A_136 = arith.constant 0 : i32
    %dma_start3A_137 = tpu.memref_slice %arg2[%add3A_129, %dma_start3A_136] : memref<61440x64xf32, #tpu.memory_space<hbm>> -> memref<128x64xf32, #tpu.memory_space<hbm>>
    %dma_start3A_138 = tpu.memref_slice %arg9[%dma_start3A_131] : memref<2x!tpu.dma_semaphore, #tpu.memory_space<semaphore_mem>> -> memref<1x!tpu.dma_semaphore, #tpu.memory_space<semaphore_mem>>
    %dma_start3A_139 = tpu.memref_squeeze %dma_start3A_138 : memref<1x!tpu.dma_semaphore, #tpu.memory_space<semaphore_mem>> -> memref<!tpu.dma_semaphore, #tpu.memory_space<semaphore_mem>>
    %dma_start3A_140 = arith.constant 0 : i32
    %dma_start3A_141 = arith.constant 0 : i32
    %dma_start3A_142 = tpu.memref_slice %arg6[%dma_start3A_130, %dma_start3A_140, %dma_start3A_141] : memref<2x128x64xf32, #tpu.memory_space<vmem>> -> memref<1x128x64xf32, #tpu.memory_space<vmem>>
    %dma_start3A_143 = tpu.memref_squeeze %dma_start3A_142 : memref<1x128x64xf32, #tpu.memory_space<vmem>> -> memref<128x64xf32, #tpu.memory_space<vmem>>
    %dma_start3A_144 = arith.constant 0 : i32
    %dma_start3A_145 = tpu.memref_slice %arg2[%add3A_129, %dma_start3A_144] : memref<61440x64xf32, #tpu.memory_space<hbm>> -> memref<128x64xf32, #tpu.memory_space<hbm>>
    tpu.enqueue_dma source(%dma_start3A_145 : memref<128x64xf32, #tpu.memory_space<hbm>>) target(%dma_start3A_143 : memref<128x64xf32, #tpu.memory_space<vmem>>) target_semaphore(%dma_start3A_139 : memref<!tpu.dma_semaphore, #tpu.memory_space<semaphore_mem>>)
    %dma_wait3A_146 = arith.constant 1 : i32
    %dma_wait3A_147 = arith.constant 1 : i32
    %dma_wait3A_148 = arith.constant 0 : i32
    %dma_wait3A_149 = arith.constant 0 : i32
    %dma_wait3A_150 = tpu.memref_slice %arg6[%dma_wait3A_146, %dma_wait3A_148, %dma_wait3A_149] : memref<2x128x64xf32, #tpu.memory_space<vmem>> -> memref<1x128x64xf32, #tpu.memory_space<vmem>>
    %dma_wait3A_151 = tpu.memref_squeeze %dma_wait3A_150 : memref<1x128x64xf32, #tpu.memory_space<vmem>> -> memref<128x64xf32, #tpu.memory_space<vmem>>
    %dma_wait3A_152 = arith.constant 0 : i32
    %dma_wait3A_153 = tpu.memref_slice %arg2[%add3A_93, %dma_wait3A_152] : memref<61440x64xf32, #tpu.memory_space<hbm>> -> memref<128x64xf32, #tpu.memory_space<hbm>>
    %dma_wait3A_154 = tpu.memref_slice %arg9[%dma_wait3A_147] : memref<2x!tpu.dma_semaphore, #tpu.memory_space<semaphore_mem>> -> memref<1x!tpu.dma_semaphore, #tpu.memory_space<semaphore_mem>>
    %dma_wait3A_155 = tpu.memref_squeeze %dma_wait3A_154 : memref<1x!tpu.dma_semaphore, #tpu.memory_space<semaphore_mem>> -> memref<!tpu.dma_semaphore, #tpu.memory_space<semaphore_mem>>
    %dma_wait3A_156 = arith.constant 0 : i32
    %dma_wait3A_157 = arith.constant 0 : i32
    %dma_wait3A_158 = tpu.memref_slice %arg6[%dma_wait3A_146, %dma_wait3A_156, %dma_wait3A_157] : memref<2x128x64xf32, #tpu.memory_space<vmem>> -> memref<1x128x64xf32, #tpu.memory_space<vmem>>
    %dma_wait3A_159 = tpu.memref_squeeze %dma_wait3A_158 : memref<1x128x64xf32, #tpu.memory_space<vmem>> -> memref<128x64xf32, #tpu.memory_space<vmem>>
    %dma_wait3A_160 = arith.constant 0 : i32
    %dma_wait3A_161 = tpu.memref_slice %arg2[%add3A_93, %dma_wait3A_160] : memref<61440x64xf32, #tpu.memory_space<hbm>> -> memref<128x64xf32, #tpu.memory_space<hbm>>
    tpu.wait_dma2 semaphore(%dma_wait3A_155 : memref<!tpu.dma_semaphore, #tpu.memory_space<semaphore_mem>>) src(%dma_wait3A_161 : memref<128x64xf32, #tpu.memory_space<hbm>>) dst(%dma_wait3A_159 : memref<128x64xf32, #tpu.memory_space<vmem>>)
    %run_scoped3A_162 = arith.constant 1 : i32
    %run_scoped3A_163 = arith.constant 3 : i32
    "tpu.region"() ({
      %run_scoped3A_546 = tpu.sem_alloc : memref<!tpu.dma_semaphore, #tpu.memory_space<semaphore_mem>>
      %dma_start3A_547 = arith.constant 0 : i32
      %dma_start3A_548 = arith.constant 0 : i32
      %dma_start3A_549 = tpu.memref_slice %arg6[%run_scoped3A_162, %dma_start3A_547, %dma_start3A_548] : memref<2x128x64xf32, #tpu.memory_space<vmem>> -> memref<1x128x64xf32, #tpu.memory_space<vmem>>
      %dma_start3A_550 = tpu.memref_squeeze %dma_start3A_549 : memref<1x128x64xf32, #tpu.memory_space<vmem>> -> memref<128x64xf32, #tpu.memory_space<vmem>>
      %dma_start3A_551 = arith.constant 0 : i32
      %dma_start3A_552 = tpu.memref_slice %arg7[%run_scoped3A_163, %dma_start3A_551] : memref<15x128xi32, #tpu.memory_space<vmem>> -> memref<1x128xi32, #tpu.memory_space<vmem>>
      %dma_start3A_553 = tpu.memref_squeeze %dma_start3A_552 : memref<1x128xi32, #tpu.memory_space<vmem>> -> memref<128xi32, #tpu.memory_space<vmem>>
      %dma_start3A_554 = arith.constant 0 : i32
      %dma_start3A_555 = arith.constant 0 : i32
      %dma_start3A_556 = tpu.memref_slice %arg8[%dma_start3A_554, %dma_start3A_555] : memref<16512x64xf32, #tpu.memory_space<vmem_shared>> -> memref<16512x64xf32, #tpu.memory_space<vmem_shared>>
      tpu.enqueue_indirect_dma source(%dma_start3A_550 : memref<128x64xf32, #tpu.memory_space<vmem>>) target(%dma_start3A_556 : memref<16512x64xf32, #tpu.memory_space<vmem_shared>>) offsets(%dma_start3A_553 : memref<128xi32, #tpu.memory_space<vmem>>) semaphore(%run_scoped3A_546 : memref<!tpu.dma_semaphore, #tpu.memory_space<semaphore_mem>>) {add = true}
      %dma_wait3A_557 = arith.constant 0 : i32
      %dma_wait3A_558 = arith.constant 0 : i32
      %dma_wait3A_559 = tpu.memref_slice %arg6[%run_scoped3A_162, %dma_wait3A_557, %dma_wait3A_558] : memref<2x128x64xf32, #tpu.memory_space<vmem>> -> memref<1x128x64xf32, #tpu.memory_space<vmem>>
      %dma_wait3A_560 = tpu.memref_squeeze %dma_wait3A_559 : memref<1x128x64xf32, #tpu.memory_space<vmem>> -> memref<128x64xf32, #tpu.memory_space<vmem>>
      %dma_wait3A_561 = arith.constant 0 : i32
      %dma_wait3A_562 = tpu.memref_slice %arg7[%run_scoped3A_163, %dma_wait3A_561] : memref<15x128xi32, #tpu.memory_space<vmem>> -> memref<1x128xi32, #tpu.memory_space<vmem>>
      %dma_wait3A_563 = tpu.memref_squeeze %dma_wait3A_562 : memref<1x128xi32, #tpu.memory_space<vmem>> -> memref<128xi32, #tpu.memory_space<vmem>>
      %dma_wait3A_564 = arith.constant 0 : i32
      %dma_wait3A_565 = arith.constant 0 : i32
      %dma_wait3A_566 = tpu.memref_slice %arg8[%dma_wait3A_564, %dma_wait3A_565] : memref<16512x64xf32, #tpu.memory_space<vmem_shared>> -> memref<16512x64xf32, #tpu.memory_space<vmem_shared>>
      tpu.wait_indirect_dma semaphore(%run_scoped3A_546 : memref<!tpu.dma_semaphore, #tpu.memory_space<semaphore_mem>>) src(%dma_wait3A_560 : memref<128x64xf32, #tpu.memory_space<vmem>>) dst(%dma_wait3A_566 : memref<16512x64xf32, #tpu.memory_space<vmem_shared>>)
      tpu.yield
    }) : () -> ()
    %add3A_164 = arith.constant 640 : i32
    %add3A_165 = arith.addi %mul3A_2, %add3A_164 : i32
    %dma_start3A_166 = arith.constant 1 : i32
    %dma_start3A_167 = arith.constant 1 : i32
    %dma_start3A_168 = arith.constant 0 : i32
    %dma_start3A_169 = arith.constant 0 : i32
    %dma_start3A_170 = tpu.memref_slice %arg6[%dma_start3A_166, %dma_start3A_168, %dma_start3A_169] : memref<2x128x64xf32, #tpu.memory_space<vmem>> -> memref<1x128x64xf32, #tpu.memory_space<vmem>>
    %dma_start3A_171 = tpu.memref_squeeze %dma_start3A_170 : memref<1x128x64xf32, #tpu.memory_space<vmem>> -> memref<128x64xf32, #tpu.memory_space<vmem>>
    %dma_start3A_172 = arith.constant 0 : i32
    %dma_start3A_173 = tpu.memref_slice %arg2[%add3A_165, %dma_start3A_172] : memref<61440x64xf32, #tpu.memory_space<hbm>> -> memref<128x64xf32, #tpu.memory_space<hbm>>
    %dma_start3A_174 = tpu.memref_slice %arg9[%dma_start3A_167] : memref<2x!tpu.dma_semaphore, #tpu.memory_space<semaphore_mem>> -> memref<1x!tpu.dma_semaphore, #tpu.memory_space<semaphore_mem>>
    %dma_start3A_175 = tpu.memref_squeeze %dma_start3A_174 : memref<1x!tpu.dma_semaphore, #tpu.memory_space<semaphore_mem>> -> memref<!tpu.dma_semaphore, #tpu.memory_space<semaphore_mem>>
    %dma_start3A_176 = arith.constant 0 : i32
    %dma_start3A_177 = arith.constant 0 : i32
    %dma_start3A_178 = tpu.memref_slice %arg6[%dma_start3A_166, %dma_start3A_176, %dma_start3A_177] : memref<2x128x64xf32, #tpu.memory_space<vmem>> -> memref<1x128x64xf32, #tpu.memory_space<vmem>>
    %dma_start3A_179 = tpu.memref_squeeze %dma_start3A_178 : memref<1x128x64xf32, #tpu.memory_space<vmem>> -> memref<128x64xf32, #tpu.memory_space<vmem>>
    %dma_start3A_180 = arith.constant 0 : i32
    %dma_start3A_181 = tpu.memref_slice %arg2[%add3A_165, %dma_start3A_180] : memref<61440x64xf32, #tpu.memory_space<hbm>> -> memref<128x64xf32, #tpu.memory_space<hbm>>
    tpu.enqueue_dma source(%dma_start3A_181 : memref<128x64xf32, #tpu.memory_space<hbm>>) target(%dma_start3A_179 : memref<128x64xf32, #tpu.memory_space<vmem>>) target_semaphore(%dma_start3A_175 : memref<!tpu.dma_semaphore, #tpu.memory_space<semaphore_mem>>)
    %dma_wait3A_182 = arith.constant 0 : i32
    %dma_wait3A_183 = arith.constant 0 : i32
    %dma_wait3A_184 = arith.constant 0 : i32
    %dma_wait3A_185 = arith.constant 0 : i32
    %dma_wait3A_186 = tpu.memref_slice %arg6[%dma_wait3A_182, %dma_wait3A_184, %dma_wait3A_185] : memref<2x128x64xf32, #tpu.memory_space<vmem>> -> memref<1x128x64xf32, #tpu.memory_space<vmem>>
    %dma_wait3A_187 = tpu.memref_squeeze %dma_wait3A_186 : memref<1x128x64xf32, #tpu.memory_space<vmem>> -> memref<128x64xf32, #tpu.memory_space<vmem>>
    %dma_wait3A_188 = arith.constant 0 : i32
    %dma_wait3A_189 = tpu.memref_slice %arg2[%add3A_129, %dma_wait3A_188] : memref<61440x64xf32, #tpu.memory_space<hbm>> -> memref<128x64xf32, #tpu.memory_space<hbm>>
    %dma_wait3A_190 = tpu.memref_slice %arg9[%dma_wait3A_183] : memref<2x!tpu.dma_semaphore, #tpu.memory_space<semaphore_mem>> -> memref<1x!tpu.dma_semaphore, #tpu.memory_space<semaphore_mem>>
    %dma_wait3A_191 = tpu.memref_squeeze %dma_wait3A_190 : memref<1x!tpu.dma_semaphore, #tpu.memory_space<semaphore_mem>> -> memref<!tpu.dma_semaphore, #tpu.memory_space<semaphore_mem>>
    %dma_wait3A_192 = arith.constant 0 : i32
    %dma_wait3A_193 = arith.constant 0 : i32
    %dma_wait3A_194 = tpu.memref_slice %arg6[%dma_wait3A_182, %dma_wait3A_192, %dma_wait3A_193] : memref<2x128x64xf32, #tpu.memory_space<vmem>> -> memref<1x128x64xf32, #tpu.memory_space<vmem>>
    %dma_wait3A_195 = tpu.memref_squeeze %dma_wait3A_194 : memref<1x128x64xf32, #tpu.memory_space<vmem>> -> memref<128x64xf32, #tpu.memory_space<vmem>>
    %dma_wait3A_196 = arith.constant 0 : i32
    %dma_wait3A_197 = tpu.memref_slice %arg2[%add3A_129, %dma_wait3A_196] : memref<61440x64xf32, #tpu.memory_space<hbm>> -> memref<128x64xf32, #tpu.memory_space<hbm>>
    tpu.wait_dma2 semaphore(%dma_wait3A_191 : memref<!tpu.dma_semaphore, #tpu.memory_space<semaphore_mem>>) src(%dma_wait3A_197 : memref<128x64xf32, #tpu.memory_space<hbm>>) dst(%dma_wait3A_195 : memref<128x64xf32, #tpu.memory_space<vmem>>)
    %run_scoped3A_198 = arith.constant 0 : i32
    %run_scoped3A_199 = arith.constant 4 : i32
    "tpu.region"() ({
      %run_scoped3A_546 = tpu.sem_alloc : memref<!tpu.dma_semaphore, #tpu.memory_space<semaphore_mem>>
      %dma_start3A_547 = arith.constant 0 : i32
      %dma_start3A_548 = arith.constant 0 : i32
      %dma_start3A_549 = tpu.memref_slice %arg6[%run_scoped3A_198, %dma_start3A_547, %dma_start3A_548] : memref<2x128x64xf32, #tpu.memory_space<vmem>> -> memref<1x128x64xf32, #tpu.memory_space<vmem>>
      %dma_start3A_550 = tpu.memref_squeeze %dma_start3A_549 : memref<1x128x64xf32, #tpu.memory_space<vmem>> -> memref<128x64xf32, #tpu.memory_space<vmem>>
      %dma_start3A_551 = arith.constant 0 : i32
      %dma_start3A_552 = tpu.memref_slice %arg7[%run_scoped3A_199, %dma_start3A_551] : memref<15x128xi32, #tpu.memory_space<vmem>> -> memref<1x128xi32, #tpu.memory_space<vmem>>
      %dma_start3A_553 = tpu.memref_squeeze %dma_start3A_552 : memref<1x128xi32, #tpu.memory_space<vmem>> -> memref<128xi32, #tpu.memory_space<vmem>>
      %dma_start3A_554 = arith.constant 0 : i32
      %dma_start3A_555 = arith.constant 0 : i32
      %dma_start3A_556 = tpu.memref_slice %arg8[%dma_start3A_554, %dma_start3A_555] : memref<16512x64xf32, #tpu.memory_space<vmem_shared>> -> memref<16512x64xf32, #tpu.memory_space<vmem_shared>>
      tpu.enqueue_indirect_dma source(%dma_start3A_550 : memref<128x64xf32, #tpu.memory_space<vmem>>) target(%dma_start3A_556 : memref<16512x64xf32, #tpu.memory_space<vmem_shared>>) offsets(%dma_start3A_553 : memref<128xi32, #tpu.memory_space<vmem>>) semaphore(%run_scoped3A_546 : memref<!tpu.dma_semaphore, #tpu.memory_space<semaphore_mem>>) {add = true}
      %dma_wait3A_557 = arith.constant 0 : i32
      %dma_wait3A_558 = arith.constant 0 : i32
      %dma_wait3A_559 = tpu.memref_slice %arg6[%run_scoped3A_198, %dma_wait3A_557, %dma_wait3A_558] : memref<2x128x64xf32, #tpu.memory_space<vmem>> -> memref<1x128x64xf32, #tpu.memory_space<vmem>>
      %dma_wait3A_560 = tpu.memref_squeeze %dma_wait3A_559 : memref<1x128x64xf32, #tpu.memory_space<vmem>> -> memref<128x64xf32, #tpu.memory_space<vmem>>
      %dma_wait3A_561 = arith.constant 0 : i32
      %dma_wait3A_562 = tpu.memref_slice %arg7[%run_scoped3A_199, %dma_wait3A_561] : memref<15x128xi32, #tpu.memory_space<vmem>> -> memref<1x128xi32, #tpu.memory_space<vmem>>
      %dma_wait3A_563 = tpu.memref_squeeze %dma_wait3A_562 : memref<1x128xi32, #tpu.memory_space<vmem>> -> memref<128xi32, #tpu.memory_space<vmem>>
      %dma_wait3A_564 = arith.constant 0 : i32
      %dma_wait3A_565 = arith.constant 0 : i32
      %dma_wait3A_566 = tpu.memref_slice %arg8[%dma_wait3A_564, %dma_wait3A_565] : memref<16512x64xf32, #tpu.memory_space<vmem_shared>> -> memref<16512x64xf32, #tpu.memory_space<vmem_shared>>
      tpu.wait_indirect_dma semaphore(%run_scoped3A_546 : memref<!tpu.dma_semaphore, #tpu.memory_space<semaphore_mem>>) src(%dma_wait3A_560 : memref<128x64xf32, #tpu.memory_space<vmem>>) dst(%dma_wait3A_566 : memref<16512x64xf32, #tpu.memory_space<vmem_shared>>)
      tpu.yield
    }) : () -> ()
    %add3A_200 = arith.constant 768 : i32
    %add3A_201 = arith.addi %mul3A_2, %add3A_200 : i32
    %dma_start3A_202 = arith.constant 0 : i32
    %dma_start3A_203 = arith.constant 0 : i32
    %dma_start3A_204 = arith.constant 0 : i32
    %dma_start3A_205 = arith.constant 0 : i32
    %dma_start3A_206 = tpu.memref_slice %arg6[%dma_start3A_202, %dma_start3A_204, %dma_start3A_205] : memref<2x128x64xf32, #tpu.memory_space<vmem>> -> memref<1x128x64xf32, #tpu.memory_space<vmem>>
    %dma_start3A_207 = tpu.memref_squeeze %dma_start3A_206 : memref<1x128x64xf32, #tpu.memory_space<vmem>> -> memref<128x64xf32, #tpu.memory_space<vmem>>
    %dma_start3A_208 = arith.constant 0 : i32
    %dma_start3A_209 = tpu.memref_slice %arg2[%add3A_201, %dma_start3A_208] : memref<61440x64xf32, #tpu.memory_space<hbm>> -> memref<128x64xf32, #tpu.memory_space<hbm>>
    %dma_start3A_210 = tpu.memref_slice %arg9[%dma_start3A_203] : memref<2x!tpu.dma_semaphore, #tpu.memory_space<semaphore_mem>> -> memref<1x!tpu.dma_semaphore, #tpu.memory_space<semaphore_mem>>
    %dma_start3A_211 = tpu.memref_squeeze %dma_start3A_210 : memref<1x!tpu.dma_semaphore, #tpu.memory_space<semaphore_mem>> -> memref<!tpu.dma_semaphore, #tpu.memory_space<semaphore_mem>>
    %dma_start3A_212 = arith.constant 0 : i32
    %dma_start3A_213 = arith.constant 0 : i32
    %dma_start3A_214 = tpu.memref_slice %arg6[%dma_start3A_202, %dma_start3A_212, %dma_start3A_213] : memref<2x128x64xf32, #tpu.memory_space<vmem>> -> memref<1x128x64xf32, #tpu.memory_space<vmem>>
    %dma_start3A_215 = tpu.memref_squeeze %dma_start3A_214 : memref<1x128x64xf32, #tpu.memory_space<vmem>> -> memref<128x64xf32, #tpu.memory_space<vmem>>
    %dma_start3A_216 = arith.constant 0 : i32
    %dma_start3A_217 = tpu.memref_slice %arg2[%add3A_201, %dma_start3A_216] : memref<61440x64xf32, #tpu.memory_space<hbm>> -> memref<128x64xf32, #tpu.memory_space<hbm>>
    tpu.enqueue_dma source(%dma_start3A_217 : memref<128x64xf32, #tpu.memory_space<hbm>>) target(%dma_start3A_215 : memref<128x64xf32, #tpu.memory_space<vmem>>) target_semaphore(%dma_start3A_211 : memref<!tpu.dma_semaphore, #tpu.memory_space<semaphore_mem>>)
    %dma_wait3A_218 = arith.constant 1 : i32
    %dma_wait3A_219 = arith.constant 1 : i32
    %dma_wait3A_220 = arith.constant 0 : i32
    %dma_wait3A_221 = arith.constant 0 : i32
    %dma_wait3A_222 = tpu.memref_slice %arg6[%dma_wait3A_218, %dma_wait3A_220, %dma_wait3A_221] : memref<2x128x64xf32, #tpu.memory_space<vmem>> -> memref<1x128x64xf32, #tpu.memory_space<vmem>>
    %dma_wait3A_223 = tpu.memref_squeeze %dma_wait3A_222 : memref<1x128x64xf32, #tpu.memory_space<vmem>> -> memref<128x64xf32, #tpu.memory_space<vmem>>
    %dma_wait3A_224 = arith.constant 0 : i32
    %dma_wait3A_225 = tpu.memref_slice %arg2[%add3A_165, %dma_wait3A_224] : memref<61440x64xf32, #tpu.memory_space<hbm>> -> memref<128x64xf32, #tpu.memory_space<hbm>>
    %dma_wait3A_226 = tpu.memref_slice %arg9[%dma_wait3A_219] : memref<2x!tpu.dma_semaphore, #tpu.memory_space<semaphore_mem>> -> memref<1x!tpu.dma_semaphore, #tpu.memory_space<semaphore_mem>>
    %dma_wait3A_227 = tpu.memref_squeeze %dma_wait3A_226 : memref<1x!tpu.dma_semaphore, #tpu.memory_space<semaphore_mem>> -> memref<!tpu.dma_semaphore, #tpu.memory_space<semaphore_mem>>
    %dma_wait3A_228 = arith.constant 0 : i32
    %dma_wait3A_229 = arith.constant 0 : i32
    %dma_wait3A_230 = tpu.memref_slice %arg6[%dma_wait3A_218, %dma_wait3A_228, %dma_wait3A_229] : memref<2x128x64xf32, #tpu.memory_space<vmem>> -> memref<1x128x64xf32, #tpu.memory_space<vmem>>
    %dma_wait3A_231 = tpu.memref_squeeze %dma_wait3A_230 : memref<1x128x64xf32, #tpu.memory_space<vmem>> -> memref<128x64xf32, #tpu.memory_space<vmem>>
    %dma_wait3A_232 = arith.constant 0 : i32
    %dma_wait3A_233 = tpu.memref_slice %arg2[%add3A_165, %dma_wait3A_232] : memref<61440x64xf32, #tpu.memory_space<hbm>> -> memref<128x64xf32, #tpu.memory_space<hbm>>
    tpu.wait_dma2 semaphore(%dma_wait3A_227 : memref<!tpu.dma_semaphore, #tpu.memory_space<semaphore_mem>>) src(%dma_wait3A_233 : memref<128x64xf32, #tpu.memory_space<hbm>>) dst(%dma_wait3A_231 : memref<128x64xf32, #tpu.memory_space<vmem>>)
    %run_scoped3A_234 = arith.constant 1 : i32
    %run_scoped3A_235 = arith.constant 5 : i32
    "tpu.region"() ({
      %run_scoped3A_546 = tpu.sem_alloc : memref<!tpu.dma_semaphore, #tpu.memory_space<semaphore_mem>>
      %dma_start3A_547 = arith.constant 0 : i32
      %dma_start3A_548 = arith.constant 0 : i32
      %dma_start3A_549 = tpu.memref_slice %arg6[%run_scoped3A_234, %dma_start3A_547, %dma_start3A_548] : memref<2x128x64xf32, #tpu.memory_space<vmem>> -> memref<1x128x64xf32, #tpu.memory_space<vmem>>
      %dma_start3A_550 = tpu.memref_squeeze %dma_start3A_549 : memref<1x128x64xf32, #tpu.memory_space<vmem>> -> memref<128x64xf32, #tpu.memory_space<vmem>>
      %dma_start3A_551 = arith.constant 0 : i32
      %dma_start3A_552 = tpu.memref_slice %arg7[%run_scoped3A_235, %dma_start3A_551] : memref<15x128xi32, #tpu.memory_space<vmem>> -> memref<1x128xi32, #tpu.memory_space<vmem>>
      %dma_start3A_553 = tpu.memref_squeeze %dma_start3A_552 : memref<1x128xi32, #tpu.memory_space<vmem>> -> memref<128xi32, #tpu.memory_space<vmem>>
      %dma_start3A_554 = arith.constant 0 : i32
      %dma_start3A_555 = arith.constant 0 : i32
      %dma_start3A_556 = tpu.memref_slice %arg8[%dma_start3A_554, %dma_start3A_555] : memref<16512x64xf32, #tpu.memory_space<vmem_shared>> -> memref<16512x64xf32, #tpu.memory_space<vmem_shared>>
      tpu.enqueue_indirect_dma source(%dma_start3A_550 : memref<128x64xf32, #tpu.memory_space<vmem>>) target(%dma_start3A_556 : memref<16512x64xf32, #tpu.memory_space<vmem_shared>>) offsets(%dma_start3A_553 : memref<128xi32, #tpu.memory_space<vmem>>) semaphore(%run_scoped3A_546 : memref<!tpu.dma_semaphore, #tpu.memory_space<semaphore_mem>>) {add = true}
      %dma_wait3A_557 = arith.constant 0 : i32
      %dma_wait3A_558 = arith.constant 0 : i32
      %dma_wait3A_559 = tpu.memref_slice %arg6[%run_scoped3A_234, %dma_wait3A_557, %dma_wait3A_558] : memref<2x128x64xf32, #tpu.memory_space<vmem>> -> memref<1x128x64xf32, #tpu.memory_space<vmem>>
      %dma_wait3A_560 = tpu.memref_squeeze %dma_wait3A_559 : memref<1x128x64xf32, #tpu.memory_space<vmem>> -> memref<128x64xf32, #tpu.memory_space<vmem>>
      %dma_wait3A_561 = arith.constant 0 : i32
      %dma_wait3A_562 = tpu.memref_slice %arg7[%run_scoped3A_235, %dma_wait3A_561] : memref<15x128xi32, #tpu.memory_space<vmem>> -> memref<1x128xi32, #tpu.memory_space<vmem>>
      %dma_wait3A_563 = tpu.memref_squeeze %dma_wait3A_562 : memref<1x128xi32, #tpu.memory_space<vmem>> -> memref<128xi32, #tpu.memory_space<vmem>>
      %dma_wait3A_564 = arith.constant 0 : i32
      %dma_wait3A_565 = arith.constant 0 : i32
      %dma_wait3A_566 = tpu.memref_slice %arg8[%dma_wait3A_564, %dma_wait3A_565] : memref<16512x64xf32, #tpu.memory_space<vmem_shared>> -> memref<16512x64xf32, #tpu.memory_space<vmem_shared>>
      tpu.wait_indirect_dma semaphore(%run_scoped3A_546 : memref<!tpu.dma_semaphore, #tpu.memory_space<semaphore_mem>>) src(%dma_wait3A_560 : memref<128x64xf32, #tpu.memory_space<vmem>>) dst(%dma_wait3A_566 : memref<16512x64xf32, #tpu.memory_space<vmem_shared>>)
      tpu.yield
    }) : () -> ()
    %add3A_236 = arith.constant 896 : i32
    %add3A_237 = arith.addi %mul3A_2, %add3A_236 : i32
    %dma_start3A_238 = arith.constant 1 : i32
    %dma_start3A_239 = arith.constant 1 : i32
    %dma_start3A_240 = arith.constant 0 : i32
    %dma_start3A_241 = arith.constant 0 : i32
    %dma_start3A_242 = tpu.memref_slice %arg6[%dma_start3A_238, %dma_start3A_240, %dma_start3A_241] : memref<2x128x64xf32, #tpu.memory_space<vmem>> -> memref<1x128x64xf32, #tpu.memory_space<vmem>>
    %dma_start3A_243 = tpu.memref_squeeze %dma_start3A_242 : memref<1x128x64xf32, #tpu.memory_space<vmem>> -> memref<128x64xf32, #tpu.memory_space<vmem>>
    %dma_start3A_244 = arith.constant 0 : i32
    %dma_start3A_245 = tpu.memref_slice %arg2[%add3A_237, %dma_start3A_244] : memref<61440x64xf32, #tpu.memory_space<hbm>> -> memref<128x64xf32, #tpu.memory_space<hbm>>
    %dma_start3A_246 = tpu.memref_slice %arg9[%dma_start3A_239] : memref<2x!tpu.dma_semaphore, #tpu.memory_space<semaphore_mem>> -> memref<1x!tpu.dma_semaphore, #tpu.memory_space<semaphore_mem>>
    %dma_start3A_247 = tpu.memref_squeeze %dma_start3A_246 : memref<1x!tpu.dma_semaphore, #tpu.memory_space<semaphore_mem>> -> memref<!tpu.dma_semaphore, #tpu.memory_space<semaphore_mem>>
    %dma_start3A_248 = arith.constant 0 : i32
    %dma_start3A_249 = arith.constant 0 : i32
    %dma_start3A_250 = tpu.memref_slice %arg6[%dma_start3A_238, %dma_start3A_248, %dma_start3A_249] : memref<2x128x64xf32, #tpu.memory_space<vmem>> -> memref<1x128x64xf32, #tpu.memory_space<vmem>>
    %dma_start3A_251 = tpu.memref_squeeze %dma_start3A_250 : memref<1x128x64xf32, #tpu.memory_space<vmem>> -> memref<128x64xf32, #tpu.memory_space<vmem>>
    %dma_start3A_252 = arith.constant 0 : i32
    %dma_start3A_253 = tpu.memref_slice %arg2[%add3A_237, %dma_start3A_252] : memref<61440x64xf32, #tpu.memory_space<hbm>> -> memref<128x64xf32, #tpu.memory_space<hbm>>
    tpu.enqueue_dma source(%dma_start3A_253 : memref<128x64xf32, #tpu.memory_space<hbm>>) target(%dma_start3A_251 : memref<128x64xf32, #tpu.memory_space<vmem>>) target_semaphore(%dma_start3A_247 : memref<!tpu.dma_semaphore, #tpu.memory_space<semaphore_mem>>)
    %dma_wait3A_254 = arith.constant 0 : i32
    %dma_wait3A_255 = arith.constant 0 : i32
    %dma_wait3A_256 = arith.constant 0 : i32
    %dma_wait3A_257 = arith.constant 0 : i32
    %dma_wait3A_258 = tpu.memref_slice %arg6[%dma_wait3A_254, %dma_wait3A_256, %dma_wait3A_257] : memref<2x128x64xf32, #tpu.memory_space<vmem>> -> memref<1x128x64xf32, #tpu.memory_space<vmem>>
    %dma_wait3A_259 = tpu.memref_squeeze %dma_wait3A_258 : memref<1x128x64xf32, #tpu.memory_space<vmem>> -> memref<128x64xf32, #tpu.memory_space<vmem>>
    %dma_wait3A_260 = arith.constant 0 : i32
    %dma_wait3A_261 = tpu.memref_slice %arg2[%add3A_201, %dma_wait3A_260] : memref<61440x64xf32, #tpu.memory_space<hbm>> -> memref<128x64xf32, #tpu.memory_space<hbm>>
    %dma_wait3A_262 = tpu.memref_slice %arg9[%dma_wait3A_255] : memref<2x!tpu.dma_semaphore, #tpu.memory_space<semaphore_mem>> -> memref<1x!tpu.dma_semaphore, #tpu.memory_space<semaphore_mem>>
    %dma_wait3A_263 = tpu.memref_squeeze %dma_wait3A_262 : memref<1x!tpu.dma_semaphore, #tpu.memory_space<semaphore_mem>> -> memref<!tpu.dma_semaphore, #tpu.memory_space<semaphore_mem>>
    %dma_wait3A_264 = arith.constant 0 : i32
    %dma_wait3A_265 = arith.constant 0 : i32
    %dma_wait3A_266 = tpu.memref_slice %arg6[%dma_wait3A_254, %dma_wait3A_264, %dma_wait3A_265] : memref<2x128x64xf32, #tpu.memory_space<vmem>> -> memref<1x128x64xf32, #tpu.memory_space<vmem>>
    %dma_wait3A_267 = tpu.memref_squeeze %dma_wait3A_266 : memref<1x128x64xf32, #tpu.memory_space<vmem>> -> memref<128x64xf32, #tpu.memory_space<vmem>>
    %dma_wait3A_268 = arith.constant 0 : i32
    %dma_wait3A_269 = tpu.memref_slice %arg2[%add3A_201, %dma_wait3A_268] : memref<61440x64xf32, #tpu.memory_space<hbm>> -> memref<128x64xf32, #tpu.memory_space<hbm>>
    tpu.wait_dma2 semaphore(%dma_wait3A_263 : memref<!tpu.dma_semaphore, #tpu.memory_space<semaphore_mem>>) src(%dma_wait3A_269 : memref<128x64xf32, #tpu.memory_space<hbm>>) dst(%dma_wait3A_267 : memref<128x64xf32, #tpu.memory_space<vmem>>)
    %run_scoped3A_270 = arith.constant 0 : i32
    %run_scoped3A_271 = arith.constant 6 : i32
    "tpu.region"() ({
      %run_scoped3A_546 = tpu.sem_alloc : memref<!tpu.dma_semaphore, #tpu.memory_space<semaphore_mem>>
      %dma_start3A_547 = arith.constant 0 : i32
      %dma_start3A_548 = arith.constant 0 : i32
      %dma_start3A_549 = tpu.memref_slice %arg6[%run_scoped3A_270, %dma_start3A_547, %dma_start3A_548] : memref<2x128x64xf32, #tpu.memory_space<vmem>> -> memref<1x128x64xf32, #tpu.memory_space<vmem>>
      %dma_start3A_550 = tpu.memref_squeeze %dma_start3A_549 : memref<1x128x64xf32, #tpu.memory_space<vmem>> -> memref<128x64xf32, #tpu.memory_space<vmem>>
      %dma_start3A_551 = arith.constant 0 : i32
      %dma_start3A_552 = tpu.memref_slice %arg7[%run_scoped3A_271, %dma_start3A_551] : memref<15x128xi32, #tpu.memory_space<vmem>> -> memref<1x128xi32, #tpu.memory_space<vmem>>
      %dma_start3A_553 = tpu.memref_squeeze %dma_start3A_552 : memref<1x128xi32, #tpu.memory_space<vmem>> -> memref<128xi32, #tpu.memory_space<vmem>>
      %dma_start3A_554 = arith.constant 0 : i32
      %dma_start3A_555 = arith.constant 0 : i32
      %dma_start3A_556 = tpu.memref_slice %arg8[%dma_start3A_554, %dma_start3A_555] : memref<16512x64xf32, #tpu.memory_space<vmem_shared>> -> memref<16512x64xf32, #tpu.memory_space<vmem_shared>>
      tpu.enqueue_indirect_dma source(%dma_start3A_550 : memref<128x64xf32, #tpu.memory_space<vmem>>) target(%dma_start3A_556 : memref<16512x64xf32, #tpu.memory_space<vmem_shared>>) offsets(%dma_start3A_553 : memref<128xi32, #tpu.memory_space<vmem>>) semaphore(%run_scoped3A_546 : memref<!tpu.dma_semaphore, #tpu.memory_space<semaphore_mem>>) {add = true}
      %dma_wait3A_557 = arith.constant 0 : i32
      %dma_wait3A_558 = arith.constant 0 : i32
      %dma_wait3A_559 = tpu.memref_slice %arg6[%run_scoped3A_270, %dma_wait3A_557, %dma_wait3A_558] : memref<2x128x64xf32, #tpu.memory_space<vmem>> -> memref<1x128x64xf32, #tpu.memory_space<vmem>>
      %dma_wait3A_560 = tpu.memref_squeeze %dma_wait3A_559 : memref<1x128x64xf32, #tpu.memory_space<vmem>> -> memref<128x64xf32, #tpu.memory_space<vmem>>
      %dma_wait3A_561 = arith.constant 0 : i32
      %dma_wait3A_562 = tpu.memref_slice %arg7[%run_scoped3A_271, %dma_wait3A_561] : memref<15x128xi32, #tpu.memory_space<vmem>> -> memref<1x128xi32, #tpu.memory_space<vmem>>
      %dma_wait3A_563 = tpu.memref_squeeze %dma_wait3A_562 : memref<1x128xi32, #tpu.memory_space<vmem>> -> memref<128xi32, #tpu.memory_space<vmem>>
      %dma_wait3A_564 = arith.constant 0 : i32
      %dma_wait3A_565 = arith.constant 0 : i32
      %dma_wait3A_566 = tpu.memref_slice %arg8[%dma_wait3A_564, %dma_wait3A_565] : memref<16512x64xf32, #tpu.memory_space<vmem_shared>> -> memref<16512x64xf32, #tpu.memory_space<vmem_shared>>
      tpu.wait_indirect_dma semaphore(%run_scoped3A_546 : memref<!tpu.dma_semaphore, #tpu.memory_space<semaphore_mem>>) src(%dma_wait3A_560 : memref<128x64xf32, #tpu.memory_space<vmem>>) dst(%dma_wait3A_566 : memref<16512x64xf32, #tpu.memory_space<vmem_shared>>)
      tpu.yield
    }) : () -> ()
    %add3A_272 = arith.constant 1024 : i32
    %add3A_273 = arith.addi %mul3A_2, %add3A_272 : i32
    %dma_start3A_274 = arith.constant 0 : i32
    %dma_start3A_275 = arith.constant 0 : i32
    %dma_start3A_276 = arith.constant 0 : i32
    %dma_start3A_277 = arith.constant 0 : i32
    %dma_start3A_278 = tpu.memref_slice %arg6[%dma_start3A_274, %dma_start3A_276, %dma_start3A_277] : memref<2x128x64xf32, #tpu.memory_space<vmem>> -> memref<1x128x64xf32, #tpu.memory_space<vmem>>
    %dma_start3A_279 = tpu.memref_squeeze %dma_start3A_278 : memref<1x128x64xf32, #tpu.memory_space<vmem>> -> memref<128x64xf32, #tpu.memory_space<vmem>>
    %dma_start3A_280 = arith.constant 0 : i32
    %dma_start3A_281 = tpu.memref_slice %arg2[%add3A_273, %dma_start3A_280] : memref<61440x64xf32, #tpu.memory_space<hbm>> -> memref<128x64xf32, #tpu.memory_space<hbm>>
    %dma_start3A_282 = tpu.memref_slice %arg9[%dma_start3A_275] : memref<2x!tpu.dma_semaphore, #tpu.memory_space<semaphore_mem>> -> memref<1x!tpu.dma_semaphore, #tpu.memory_space<semaphore_mem>>
    %dma_start3A_283 = tpu.memref_squeeze %dma_start3A_282 : memref<1x!tpu.dma_semaphore, #tpu.memory_space<semaphore_mem>> -> memref<!tpu.dma_semaphore, #tpu.memory_space<semaphore_mem>>
    %dma_start3A_284 = arith.constant 0 : i32
    %dma_start3A_285 = arith.constant 0 : i32
    %dma_start3A_286 = tpu.memref_slice %arg6[%dma_start3A_274, %dma_start3A_284, %dma_start3A_285] : memref<2x128x64xf32, #tpu.memory_space<vmem>> -> memref<1x128x64xf32, #tpu.memory_space<vmem>>
    %dma_start3A_287 = tpu.memref_squeeze %dma_start3A_286 : memref<1x128x64xf32, #tpu.memory_space<vmem>> -> memref<128x64xf32, #tpu.memory_space<vmem>>
    %dma_start3A_288 = arith.constant 0 : i32
    %dma_start3A_289 = tpu.memref_slice %arg2[%add3A_273, %dma_start3A_288] : memref<61440x64xf32, #tpu.memory_space<hbm>> -> memref<128x64xf32, #tpu.memory_space<hbm>>
    tpu.enqueue_dma source(%dma_start3A_289 : memref<128x64xf32, #tpu.memory_space<hbm>>) target(%dma_start3A_287 : memref<128x64xf32, #tpu.memory_space<vmem>>) target_semaphore(%dma_start3A_283 : memref<!tpu.dma_semaphore, #tpu.memory_space<semaphore_mem>>)
    %dma_wait3A_290 = arith.constant 1 : i32
    %dma_wait3A_291 = arith.constant 1 : i32
    %dma_wait3A_292 = arith.constant 0 : i32
    %dma_wait3A_293 = arith.constant 0 : i32
    %dma_wait3A_294 = tpu.memref_slice %arg6[%dma_wait3A_290, %dma_wait3A_292, %dma_wait3A_293] : memref<2x128x64xf32, #tpu.memory_space<vmem>> -> memref<1x128x64xf32, #tpu.memory_space<vmem>>
    %dma_wait3A_295 = tpu.memref_squeeze %dma_wait3A_294 : memref<1x128x64xf32, #tpu.memory_space<vmem>> -> memref<128x64xf32, #tpu.memory_space<vmem>>
    %dma_wait3A_296 = arith.constant 0 : i32
    %dma_wait3A_297 = tpu.memref_slice %arg2[%add3A_237, %dma_wait3A_296] : memref<61440x64xf32, #tpu.memory_space<hbm>> -> memref<128x64xf32, #tpu.memory_space<hbm>>
    %dma_wait3A_298 = tpu.memref_slice %arg9[%dma_wait3A_291] : memref<2x!tpu.dma_semaphore, #tpu.memory_space<semaphore_mem>> -> memref<1x!tpu.dma_semaphore, #tpu.memory_space<semaphore_mem>>
    %dma_wait3A_299 = tpu.memref_squeeze %dma_wait3A_298 : memref<1x!tpu.dma_semaphore, #tpu.memory_space<semaphore_mem>> -> memref<!tpu.dma_semaphore, #tpu.memory_space<semaphore_mem>>
    %dma_wait3A_300 = arith.constant 0 : i32
    %dma_wait3A_301 = arith.constant 0 : i32
    %dma_wait3A_302 = tpu.memref_slice %arg6[%dma_wait3A_290, %dma_wait3A_300, %dma_wait3A_301] : memref<2x128x64xf32, #tpu.memory_space<vmem>> -> memref<1x128x64xf32, #tpu.memory_space<vmem>>
    %dma_wait3A_303 = tpu.memref_squeeze %dma_wait3A_302 : memref<1x128x64xf32, #tpu.memory_space<vmem>> -> memref<128x64xf32, #tpu.memory_space<vmem>>
    %dma_wait3A_304 = arith.constant 0 : i32
    %dma_wait3A_305 = tpu.memref_slice %arg2[%add3A_237, %dma_wait3A_304] : memref<61440x64xf32, #tpu.memory_space<hbm>> -> memref<128x64xf32, #tpu.memory_space<hbm>>
    tpu.wait_dma2 semaphore(%dma_wait3A_299 : memref<!tpu.dma_semaphore, #tpu.memory_space<semaphore_mem>>) src(%dma_wait3A_305 : memref<128x64xf32, #tpu.memory_space<hbm>>) dst(%dma_wait3A_303 : memref<128x64xf32, #tpu.memory_space<vmem>>)
    %run_scoped3A_306 = arith.constant 1 : i32
    %run_scoped3A_307 = arith.constant 7 : i32
    "tpu.region"() ({
      %run_scoped3A_546 = tpu.sem_alloc : memref<!tpu.dma_semaphore, #tpu.memory_space<semaphore_mem>>
      %dma_start3A_547 = arith.constant 0 : i32
      %dma_start3A_548 = arith.constant 0 : i32
      %dma_start3A_549 = tpu.memref_slice %arg6[%run_scoped3A_306, %dma_start3A_547, %dma_start3A_548] : memref<2x128x64xf32, #tpu.memory_space<vmem>> -> memref<1x128x64xf32, #tpu.memory_space<vmem>>
      %dma_start3A_550 = tpu.memref_squeeze %dma_start3A_549 : memref<1x128x64xf32, #tpu.memory_space<vmem>> -> memref<128x64xf32, #tpu.memory_space<vmem>>
      %dma_start3A_551 = arith.constant 0 : i32
      %dma_start3A_552 = tpu.memref_slice %arg7[%run_scoped3A_307, %dma_start3A_551] : memref<15x128xi32, #tpu.memory_space<vmem>> -> memref<1x128xi32, #tpu.memory_space<vmem>>
      %dma_start3A_553 = tpu.memref_squeeze %dma_start3A_552 : memref<1x128xi32, #tpu.memory_space<vmem>> -> memref<128xi32, #tpu.memory_space<vmem>>
      %dma_start3A_554 = arith.constant 0 : i32
      %dma_start3A_555 = arith.constant 0 : i32
      %dma_start3A_556 = tpu.memref_slice %arg8[%dma_start3A_554, %dma_start3A_555] : memref<16512x64xf32, #tpu.memory_space<vmem_shared>> -> memref<16512x64xf32, #tpu.memory_space<vmem_shared>>
      tpu.enqueue_indirect_dma source(%dma_start3A_550 : memref<128x64xf32, #tpu.memory_space<vmem>>) target(%dma_start3A_556 : memref<16512x64xf32, #tpu.memory_space<vmem_shared>>) offsets(%dma_start3A_553 : memref<128xi32, #tpu.memory_space<vmem>>) semaphore(%run_scoped3A_546 : memref<!tpu.dma_semaphore, #tpu.memory_space<semaphore_mem>>) {add = true}
      %dma_wait3A_557 = arith.constant 0 : i32
      %dma_wait3A_558 = arith.constant 0 : i32
      %dma_wait3A_559 = tpu.memref_slice %arg6[%run_scoped3A_306, %dma_wait3A_557, %dma_wait3A_558] : memref<2x128x64xf32, #tpu.memory_space<vmem>> -> memref<1x128x64xf32, #tpu.memory_space<vmem>>
      %dma_wait3A_560 = tpu.memref_squeeze %dma_wait3A_559 : memref<1x128x64xf32, #tpu.memory_space<vmem>> -> memref<128x64xf32, #tpu.memory_space<vmem>>
      %dma_wait3A_561 = arith.constant 0 : i32
      %dma_wait3A_562 = tpu.memref_slice %arg7[%run_scoped3A_307, %dma_wait3A_561] : memref<15x128xi32, #tpu.memory_space<vmem>> -> memref<1x128xi32, #tpu.memory_space<vmem>>
      %dma_wait3A_563 = tpu.memref_squeeze %dma_wait3A_562 : memref<1x128xi32, #tpu.memory_space<vmem>> -> memref<128xi32, #tpu.memory_space<vmem>>
      %dma_wait3A_564 = arith.constant 0 : i32
      %dma_wait3A_565 = arith.constant 0 : i32
      %dma_wait3A_566 = tpu.memref_slice %arg8[%dma_wait3A_564, %dma_wait3A_565] : memref<16512x64xf32, #tpu.memory_space<vmem_shared>> -> memref<16512x64xf32, #tpu.memory_space<vmem_shared>>
      tpu.wait_indirect_dma semaphore(%run_scoped3A_546 : memref<!tpu.dma_semaphore, #tpu.memory_space<semaphore_mem>>) src(%dma_wait3A_560 : memref<128x64xf32, #tpu.memory_space<vmem>>) dst(%dma_wait3A_566 : memref<16512x64xf32, #tpu.memory_space<vmem_shared>>)
      tpu.yield
    }) : () -> ()
    %add3A_308 = arith.constant 1152 : i32
    %add3A_309 = arith.addi %mul3A_2, %add3A_308 : i32
    %dma_start3A_310 = arith.constant 1 : i32
    %dma_start3A_311 = arith.constant 1 : i32
    %dma_start3A_312 = arith.constant 0 : i32
    %dma_start3A_313 = arith.constant 0 : i32
    %dma_start3A_314 = tpu.memref_slice %arg6[%dma_start3A_310, %dma_start3A_312, %dma_start3A_313] : memref<2x128x64xf32, #tpu.memory_space<vmem>> -> memref<1x128x64xf32, #tpu.memory_space<vmem>>
    %dma_start3A_315 = tpu.memref_squeeze %dma_start3A_314 : memref<1x128x64xf32, #tpu.memory_space<vmem>> -> memref<128x64xf32, #tpu.memory_space<vmem>>
    %dma_start3A_316 = arith.constant 0 : i32
    %dma_start3A_317 = tpu.memref_slice %arg2[%add3A_309, %dma_start3A_316] : memref<61440x64xf32, #tpu.memory_space<hbm>> -> memref<128x64xf32, #tpu.memory_space<hbm>>
    %dma_start3A_318 = tpu.memref_slice %arg9[%dma_start3A_311] : memref<2x!tpu.dma_semaphore, #tpu.memory_space<semaphore_mem>> -> memref<1x!tpu.dma_semaphore, #tpu.memory_space<semaphore_mem>>
    %dma_start3A_319 = tpu.memref_squeeze %dma_start3A_318 : memref<1x!tpu.dma_semaphore, #tpu.memory_space<semaphore_mem>> -> memref<!tpu.dma_semaphore, #tpu.memory_space<semaphore_mem>>
    %dma_start3A_320 = arith.constant 0 : i32
    %dma_start3A_321 = arith.constant 0 : i32
    %dma_start3A_322 = tpu.memref_slice %arg6[%dma_start3A_310, %dma_start3A_320, %dma_start3A_321] : memref<2x128x64xf32, #tpu.memory_space<vmem>> -> memref<1x128x64xf32, #tpu.memory_space<vmem>>
    %dma_start3A_323 = tpu.memref_squeeze %dma_start3A_322 : memref<1x128x64xf32, #tpu.memory_space<vmem>> -> memref<128x64xf32, #tpu.memory_space<vmem>>
    %dma_start3A_324 = arith.constant 0 : i32
    %dma_start3A_325 = tpu.memref_slice %arg2[%add3A_309, %dma_start3A_324] : memref<61440x64xf32, #tpu.memory_space<hbm>> -> memref<128x64xf32, #tpu.memory_space<hbm>>
    tpu.enqueue_dma source(%dma_start3A_325 : memref<128x64xf32, #tpu.memory_space<hbm>>) target(%dma_start3A_323 : memref<128x64xf32, #tpu.memory_space<vmem>>) target_semaphore(%dma_start3A_319 : memref<!tpu.dma_semaphore, #tpu.memory_space<semaphore_mem>>)
    %dma_wait3A_326 = arith.constant 0 : i32
    %dma_wait3A_327 = arith.constant 0 : i32
    %dma_wait3A_328 = arith.constant 0 : i32
    %dma_wait3A_329 = arith.constant 0 : i32
    %dma_wait3A_330 = tpu.memref_slice %arg6[%dma_wait3A_326, %dma_wait3A_328, %dma_wait3A_329] : memref<2x128x64xf32, #tpu.memory_space<vmem>> -> memref<1x128x64xf32, #tpu.memory_space<vmem>>
    %dma_wait3A_331 = tpu.memref_squeeze %dma_wait3A_330 : memref<1x128x64xf32, #tpu.memory_space<vmem>> -> memref<128x64xf32, #tpu.memory_space<vmem>>
    %dma_wait3A_332 = arith.constant 0 : i32
    %dma_wait3A_333 = tpu.memref_slice %arg2[%add3A_273, %dma_wait3A_332] : memref<61440x64xf32, #tpu.memory_space<hbm>> -> memref<128x64xf32, #tpu.memory_space<hbm>>
    %dma_wait3A_334 = tpu.memref_slice %arg9[%dma_wait3A_327] : memref<2x!tpu.dma_semaphore, #tpu.memory_space<semaphore_mem>> -> memref<1x!tpu.dma_semaphore, #tpu.memory_space<semaphore_mem>>
    %dma_wait3A_335 = tpu.memref_squeeze %dma_wait3A_334 : memref<1x!tpu.dma_semaphore, #tpu.memory_space<semaphore_mem>> -> memref<!tpu.dma_semaphore, #tpu.memory_space<semaphore_mem>>
    %dma_wait3A_336 = arith.constant 0 : i32
    %dma_wait3A_337 = arith.constant 0 : i32
    %dma_wait3A_338 = tpu.memref_slice %arg6[%dma_wait3A_326, %dma_wait3A_336, %dma_wait3A_337] : memref<2x128x64xf32, #tpu.memory_space<vmem>> -> memref<1x128x64xf32, #tpu.memory_space<vmem>>
    %dma_wait3A_339 = tpu.memref_squeeze %dma_wait3A_338 : memref<1x128x64xf32, #tpu.memory_space<vmem>> -> memref<128x64xf32, #tpu.memory_space<vmem>>
    %dma_wait3A_340 = arith.constant 0 : i32
    %dma_wait3A_341 = tpu.memref_slice %arg2[%add3A_273, %dma_wait3A_340] : memref<61440x64xf32, #tpu.memory_space<hbm>> -> memref<128x64xf32, #tpu.memory_space<hbm>>
    tpu.wait_dma2 semaphore(%dma_wait3A_335 : memref<!tpu.dma_semaphore, #tpu.memory_space<semaphore_mem>>) src(%dma_wait3A_341 : memref<128x64xf32, #tpu.memory_space<hbm>>) dst(%dma_wait3A_339 : memref<128x64xf32, #tpu.memory_space<vmem>>)
    %run_scoped3A_342 = arith.constant 0 : i32
    %run_scoped3A_343 = arith.constant 8 : i32
    "tpu.region"() ({
      %run_scoped3A_546 = tpu.sem_alloc : memref<!tpu.dma_semaphore, #tpu.memory_space<semaphore_mem>>
      %dma_start3A_547 = arith.constant 0 : i32
      %dma_start3A_548 = arith.constant 0 : i32
      %dma_start3A_549 = tpu.memref_slice %arg6[%run_scoped3A_342, %dma_start3A_547, %dma_start3A_548] : memref<2x128x64xf32, #tpu.memory_space<vmem>> -> memref<1x128x64xf32, #tpu.memory_space<vmem>>
      %dma_start3A_550 = tpu.memref_squeeze %dma_start3A_549 : memref<1x128x64xf32, #tpu.memory_space<vmem>> -> memref<128x64xf32, #tpu.memory_space<vmem>>
      %dma_start3A_551 = arith.constant 0 : i32
      %dma_start3A_552 = tpu.memref_slice %arg7[%run_scoped3A_343, %dma_start3A_551] : memref<15x128xi32, #tpu.memory_space<vmem>> -> memref<1x128xi32, #tpu.memory_space<vmem>>
      %dma_start3A_553 = tpu.memref_squeeze %dma_start3A_552 : memref<1x128xi32, #tpu.memory_space<vmem>> -> memref<128xi32, #tpu.memory_space<vmem>>
      %dma_start3A_554 = arith.constant 0 : i32
      %dma_start3A_555 = arith.constant 0 : i32
      %dma_start3A_556 = tpu.memref_slice %arg8[%dma_start3A_554, %dma_start3A_555] : memref<16512x64xf32, #tpu.memory_space<vmem_shared>> -> memref<16512x64xf32, #tpu.memory_space<vmem_shared>>
      tpu.enqueue_indirect_dma source(%dma_start3A_550 : memref<128x64xf32, #tpu.memory_space<vmem>>) target(%dma_start3A_556 : memref<16512x64xf32, #tpu.memory_space<vmem_shared>>) offsets(%dma_start3A_553 : memref<128xi32, #tpu.memory_space<vmem>>) semaphore(%run_scoped3A_546 : memref<!tpu.dma_semaphore, #tpu.memory_space<semaphore_mem>>) {add = true}
      %dma_wait3A_557 = arith.constant 0 : i32
      %dma_wait3A_558 = arith.constant 0 : i32
      %dma_wait3A_559 = tpu.memref_slice %arg6[%run_scoped3A_342, %dma_wait3A_557, %dma_wait3A_558] : memref<2x128x64xf32, #tpu.memory_space<vmem>> -> memref<1x128x64xf32, #tpu.memory_space<vmem>>
      %dma_wait3A_560 = tpu.memref_squeeze %dma_wait3A_559 : memref<1x128x64xf32, #tpu.memory_space<vmem>> -> memref<128x64xf32, #tpu.memory_space<vmem>>
      %dma_wait3A_561 = arith.constant 0 : i32
      %dma_wait3A_562 = tpu.memref_slice %arg7[%run_scoped3A_343, %dma_wait3A_561] : memref<15x128xi32, #tpu.memory_space<vmem>> -> memref<1x128xi32, #tpu.memory_space<vmem>>
      %dma_wait3A_563 = tpu.memref_squeeze %dma_wait3A_562 : memref<1x128xi32, #tpu.memory_space<vmem>> -> memref<128xi32, #tpu.memory_space<vmem>>
      %dma_wait3A_564 = arith.constant 0 : i32
      %dma_wait3A_565 = arith.constant 0 : i32
      %dma_wait3A_566 = tpu.memref_slice %arg8[%dma_wait3A_564, %dma_wait3A_565] : memref<16512x64xf32, #tpu.memory_space<vmem_shared>> -> memref<16512x64xf32, #tpu.memory_space<vmem_shared>>
      tpu.wait_indirect_dma semaphore(%run_scoped3A_546 : memref<!tpu.dma_semaphore, #tpu.memory_space<semaphore_mem>>) src(%dma_wait3A_560 : memref<128x64xf32, #tpu.memory_space<vmem>>) dst(%dma_wait3A_566 : memref<16512x64xf32, #tpu.memory_space<vmem_shared>>)
      tpu.yield
    }) : () -> ()
    %add3A_344 = arith.constant 1280 : i32
    %add3A_345 = arith.addi %mul3A_2, %add3A_344 : i32
    %dma_start3A_346 = arith.constant 0 : i32
    %dma_start3A_347 = arith.constant 0 : i32
    %dma_start3A_348 = arith.constant 0 : i32
    %dma_start3A_349 = arith.constant 0 : i32
    %dma_start3A_350 = tpu.memref_slice %arg6[%dma_start3A_346, %dma_start3A_348, %dma_start3A_349] : memref<2x128x64xf32, #tpu.memory_space<vmem>> -> memref<1x128x64xf32, #tpu.memory_space<vmem>>
    %dma_start3A_351 = tpu.memref_squeeze %dma_start3A_350 : memref<1x128x64xf32, #tpu.memory_space<vmem>> -> memref<128x64xf32, #tpu.memory_space<vmem>>
    %dma_start3A_352 = arith.constant 0 : i32
    %dma_start3A_353 = tpu.memref_slice %arg2[%add3A_345, %dma_start3A_352] : memref<61440x64xf32, #tpu.memory_space<hbm>> -> memref<128x64xf32, #tpu.memory_space<hbm>>
    %dma_start3A_354 = tpu.memref_slice %arg9[%dma_start3A_347] : memref<2x!tpu.dma_semaphore, #tpu.memory_space<semaphore_mem>> -> memref<1x!tpu.dma_semaphore, #tpu.memory_space<semaphore_mem>>
    %dma_start3A_355 = tpu.memref_squeeze %dma_start3A_354 : memref<1x!tpu.dma_semaphore, #tpu.memory_space<semaphore_mem>> -> memref<!tpu.dma_semaphore, #tpu.memory_space<semaphore_mem>>
    %dma_start3A_356 = arith.constant 0 : i32
    %dma_start3A_357 = arith.constant 0 : i32
    %dma_start3A_358 = tpu.memref_slice %arg6[%dma_start3A_346, %dma_start3A_356, %dma_start3A_357] : memref<2x128x64xf32, #tpu.memory_space<vmem>> -> memref<1x128x64xf32, #tpu.memory_space<vmem>>
    %dma_start3A_359 = tpu.memref_squeeze %dma_start3A_358 : memref<1x128x64xf32, #tpu.memory_space<vmem>> -> memref<128x64xf32, #tpu.memory_space<vmem>>
    %dma_start3A_360 = arith.constant 0 : i32
    %dma_start3A_361 = tpu.memref_slice %arg2[%add3A_345, %dma_start3A_360] : memref<61440x64xf32, #tpu.memory_space<hbm>> -> memref<128x64xf32, #tpu.memory_space<hbm>>
    tpu.enqueue_dma source(%dma_start3A_361 : memref<128x64xf32, #tpu.memory_space<hbm>>) target(%dma_start3A_359 : memref<128x64xf32, #tpu.memory_space<vmem>>) target_semaphore(%dma_start3A_355 : memref<!tpu.dma_semaphore, #tpu.memory_space<semaphore_mem>>)
    %dma_wait3A_362 = arith.constant 1 : i32
    %dma_wait3A_363 = arith.constant 1 : i32
    %dma_wait3A_364 = arith.constant 0 : i32
    %dma_wait3A_365 = arith.constant 0 : i32
    %dma_wait3A_366 = tpu.memref_slice %arg6[%dma_wait3A_362, %dma_wait3A_364, %dma_wait3A_365] : memref<2x128x64xf32, #tpu.memory_space<vmem>> -> memref<1x128x64xf32, #tpu.memory_space<vmem>>
    %dma_wait3A_367 = tpu.memref_squeeze %dma_wait3A_366 : memref<1x128x64xf32, #tpu.memory_space<vmem>> -> memref<128x64xf32, #tpu.memory_space<vmem>>
    %dma_wait3A_368 = arith.constant 0 : i32
    %dma_wait3A_369 = tpu.memref_slice %arg2[%add3A_309, %dma_wait3A_368] : memref<61440x64xf32, #tpu.memory_space<hbm>> -> memref<128x64xf32, #tpu.memory_space<hbm>>
    %dma_wait3A_370 = tpu.memref_slice %arg9[%dma_wait3A_363] : memref<2x!tpu.dma_semaphore, #tpu.memory_space<semaphore_mem>> -> memref<1x!tpu.dma_semaphore, #tpu.memory_space<semaphore_mem>>
    %dma_wait3A_371 = tpu.memref_squeeze %dma_wait3A_370 : memref<1x!tpu.dma_semaphore, #tpu.memory_space<semaphore_mem>> -> memref<!tpu.dma_semaphore, #tpu.memory_space<semaphore_mem>>
    %dma_wait3A_372 = arith.constant 0 : i32
    %dma_wait3A_373 = arith.constant 0 : i32
    %dma_wait3A_374 = tpu.memref_slice %arg6[%dma_wait3A_362, %dma_wait3A_372, %dma_wait3A_373] : memref<2x128x64xf32, #tpu.memory_space<vmem>> -> memref<1x128x64xf32, #tpu.memory_space<vmem>>
    %dma_wait3A_375 = tpu.memref_squeeze %dma_wait3A_374 : memref<1x128x64xf32, #tpu.memory_space<vmem>> -> memref<128x64xf32, #tpu.memory_space<vmem>>
    %dma_wait3A_376 = arith.constant 0 : i32
    %dma_wait3A_377 = tpu.memref_slice %arg2[%add3A_309, %dma_wait3A_376] : memref<61440x64xf32, #tpu.memory_space<hbm>> -> memref<128x64xf32, #tpu.memory_space<hbm>>
    tpu.wait_dma2 semaphore(%dma_wait3A_371 : memref<!tpu.dma_semaphore, #tpu.memory_space<semaphore_mem>>) src(%dma_wait3A_377 : memref<128x64xf32, #tpu.memory_space<hbm>>) dst(%dma_wait3A_375 : memref<128x64xf32, #tpu.memory_space<vmem>>)
    %run_scoped3A_378 = arith.constant 1 : i32
    %run_scoped3A_379 = arith.constant 9 : i32
    "tpu.region"() ({
      %run_scoped3A_546 = tpu.sem_alloc : memref<!tpu.dma_semaphore, #tpu.memory_space<semaphore_mem>>
      %dma_start3A_547 = arith.constant 0 : i32
      %dma_start3A_548 = arith.constant 0 : i32
      %dma_start3A_549 = tpu.memref_slice %arg6[%run_scoped3A_378, %dma_start3A_547, %dma_start3A_548] : memref<2x128x64xf32, #tpu.memory_space<vmem>> -> memref<1x128x64xf32, #tpu.memory_space<vmem>>
      %dma_start3A_550 = tpu.memref_squeeze %dma_start3A_549 : memref<1x128x64xf32, #tpu.memory_space<vmem>> -> memref<128x64xf32, #tpu.memory_space<vmem>>
      %dma_start3A_551 = arith.constant 0 : i32
      %dma_start3A_552 = tpu.memref_slice %arg7[%run_scoped3A_379, %dma_start3A_551] : memref<15x128xi32, #tpu.memory_space<vmem>> -> memref<1x128xi32, #tpu.memory_space<vmem>>
      %dma_start3A_553 = tpu.memref_squeeze %dma_start3A_552 : memref<1x128xi32, #tpu.memory_space<vmem>> -> memref<128xi32, #tpu.memory_space<vmem>>
      %dma_start3A_554 = arith.constant 0 : i32
      %dma_start3A_555 = arith.constant 0 : i32
      %dma_start3A_556 = tpu.memref_slice %arg8[%dma_start3A_554, %dma_start3A_555] : memref<16512x64xf32, #tpu.memory_space<vmem_shared>> -> memref<16512x64xf32, #tpu.memory_space<vmem_shared>>
      tpu.enqueue_indirect_dma source(%dma_start3A_550 : memref<128x64xf32, #tpu.memory_space<vmem>>) target(%dma_start3A_556 : memref<16512x64xf32, #tpu.memory_space<vmem_shared>>) offsets(%dma_start3A_553 : memref<128xi32, #tpu.memory_space<vmem>>) semaphore(%run_scoped3A_546 : memref<!tpu.dma_semaphore, #tpu.memory_space<semaphore_mem>>) {add = true}
      %dma_wait3A_557 = arith.constant 0 : i32
      %dma_wait3A_558 = arith.constant 0 : i32
      %dma_wait3A_559 = tpu.memref_slice %arg6[%run_scoped3A_378, %dma_wait3A_557, %dma_wait3A_558] : memref<2x128x64xf32, #tpu.memory_space<vmem>> -> memref<1x128x64xf32, #tpu.memory_space<vmem>>
      %dma_wait3A_560 = tpu.memref_squeeze %dma_wait3A_559 : memref<1x128x64xf32, #tpu.memory_space<vmem>> -> memref<128x64xf32, #tpu.memory_space<vmem>>
      %dma_wait3A_561 = arith.constant 0 : i32
      %dma_wait3A_562 = tpu.memref_slice %arg7[%run_scoped3A_379, %dma_wait3A_561] : memref<15x128xi32, #tpu.memory_space<vmem>> -> memref<1x128xi32, #tpu.memory_space<vmem>>
      %dma_wait3A_563 = tpu.memref_squeeze %dma_wait3A_562 : memref<1x128xi32, #tpu.memory_space<vmem>> -> memref<128xi32, #tpu.memory_space<vmem>>
      %dma_wait3A_564 = arith.constant 0 : i32
      %dma_wait3A_565 = arith.constant 0 : i32
      %dma_wait3A_566 = tpu.memref_slice %arg8[%dma_wait3A_564, %dma_wait3A_565] : memref<16512x64xf32, #tpu.memory_space<vmem_shared>> -> memref<16512x64xf32, #tpu.memory_space<vmem_shared>>
      tpu.wait_indirect_dma semaphore(%run_scoped3A_546 : memref<!tpu.dma_semaphore, #tpu.memory_space<semaphore_mem>>) src(%dma_wait3A_560 : memref<128x64xf32, #tpu.memory_space<vmem>>) dst(%dma_wait3A_566 : memref<16512x64xf32, #tpu.memory_space<vmem_shared>>)
      tpu.yield
    }) : () -> ()
    %add3A_380 = arith.constant 1408 : i32
    %add3A_381 = arith.addi %mul3A_2, %add3A_380 : i32
    %dma_start3A_382 = arith.constant 1 : i32
    %dma_start3A_383 = arith.constant 1 : i32
    %dma_start3A_384 = arith.constant 0 : i32
    %dma_start3A_385 = arith.constant 0 : i32
    %dma_start3A_386 = tpu.memref_slice %arg6[%dma_start3A_382, %dma_start3A_384, %dma_start3A_385] : memref<2x128x64xf32, #tpu.memory_space<vmem>> -> memref<1x128x64xf32, #tpu.memory_space<vmem>>
    %dma_start3A_387 = tpu.memref_squeeze %dma_start3A_386 : memref<1x128x64xf32, #tpu.memory_space<vmem>> -> memref<128x64xf32, #tpu.memory_space<vmem>>
    %dma_start3A_388 = arith.constant 0 : i32
    %dma_start3A_389 = tpu.memref_slice %arg2[%add3A_381, %dma_start3A_388] : memref<61440x64xf32, #tpu.memory_space<hbm>> -> memref<128x64xf32, #tpu.memory_space<hbm>>
    %dma_start3A_390 = tpu.memref_slice %arg9[%dma_start3A_383] : memref<2x!tpu.dma_semaphore, #tpu.memory_space<semaphore_mem>> -> memref<1x!tpu.dma_semaphore, #tpu.memory_space<semaphore_mem>>
    %dma_start3A_391 = tpu.memref_squeeze %dma_start3A_390 : memref<1x!tpu.dma_semaphore, #tpu.memory_space<semaphore_mem>> -> memref<!tpu.dma_semaphore, #tpu.memory_space<semaphore_mem>>
    %dma_start3A_392 = arith.constant 0 : i32
    %dma_start3A_393 = arith.constant 0 : i32
    %dma_start3A_394 = tpu.memref_slice %arg6[%dma_start3A_382, %dma_start3A_392, %dma_start3A_393] : memref<2x128x64xf32, #tpu.memory_space<vmem>> -> memref<1x128x64xf32, #tpu.memory_space<vmem>>
    %dma_start3A_395 = tpu.memref_squeeze %dma_start3A_394 : memref<1x128x64xf32, #tpu.memory_space<vmem>> -> memref<128x64xf32, #tpu.memory_space<vmem>>
    %dma_start3A_396 = arith.constant 0 : i32
    %dma_start3A_397 = tpu.memref_slice %arg2[%add3A_381, %dma_start3A_396] : memref<61440x64xf32, #tpu.memory_space<hbm>> -> memref<128x64xf32, #tpu.memory_space<hbm>>
    tpu.enqueue_dma source(%dma_start3A_397 : memref<128x64xf32, #tpu.memory_space<hbm>>) target(%dma_start3A_395 : memref<128x64xf32, #tpu.memory_space<vmem>>) target_semaphore(%dma_start3A_391 : memref<!tpu.dma_semaphore, #tpu.memory_space<semaphore_mem>>)
    %dma_wait3A_398 = arith.constant 0 : i32
    %dma_wait3A_399 = arith.constant 0 : i32
    %dma_wait3A_400 = arith.constant 0 : i32
    %dma_wait3A_401 = arith.constant 0 : i32
    %dma_wait3A_402 = tpu.memref_slice %arg6[%dma_wait3A_398, %dma_wait3A_400, %dma_wait3A_401] : memref<2x128x64xf32, #tpu.memory_space<vmem>> -> memref<1x128x64xf32, #tpu.memory_space<vmem>>
    %dma_wait3A_403 = tpu.memref_squeeze %dma_wait3A_402 : memref<1x128x64xf32, #tpu.memory_space<vmem>> -> memref<128x64xf32, #tpu.memory_space<vmem>>
    %dma_wait3A_404 = arith.constant 0 : i32
    %dma_wait3A_405 = tpu.memref_slice %arg2[%add3A_345, %dma_wait3A_404] : memref<61440x64xf32, #tpu.memory_space<hbm>> -> memref<128x64xf32, #tpu.memory_space<hbm>>
    %dma_wait3A_406 = tpu.memref_slice %arg9[%dma_wait3A_399] : memref<2x!tpu.dma_semaphore, #tpu.memory_space<semaphore_mem>> -> memref<1x!tpu.dma_semaphore, #tpu.memory_space<semaphore_mem>>
    %dma_wait3A_407 = tpu.memref_squeeze %dma_wait3A_406 : memref<1x!tpu.dma_semaphore, #tpu.memory_space<semaphore_mem>> -> memref<!tpu.dma_semaphore, #tpu.memory_space<semaphore_mem>>
    %dma_wait3A_408 = arith.constant 0 : i32
    %dma_wait3A_409 = arith.constant 0 : i32
    %dma_wait3A_410 = tpu.memref_slice %arg6[%dma_wait3A_398, %dma_wait3A_408, %dma_wait3A_409] : memref<2x128x64xf32, #tpu.memory_space<vmem>> -> memref<1x128x64xf32, #tpu.memory_space<vmem>>
    %dma_wait3A_411 = tpu.memref_squeeze %dma_wait3A_410 : memref<1x128x64xf32, #tpu.memory_space<vmem>> -> memref<128x64xf32, #tpu.memory_space<vmem>>
    %dma_wait3A_412 = arith.constant 0 : i32
    %dma_wait3A_413 = tpu.memref_slice %arg2[%add3A_345, %dma_wait3A_412] : memref<61440x64xf32, #tpu.memory_space<hbm>> -> memref<128x64xf32, #tpu.memory_space<hbm>>
    tpu.wait_dma2 semaphore(%dma_wait3A_407 : memref<!tpu.dma_semaphore, #tpu.memory_space<semaphore_mem>>) src(%dma_wait3A_413 : memref<128x64xf32, #tpu.memory_space<hbm>>) dst(%dma_wait3A_411 : memref<128x64xf32, #tpu.memory_space<vmem>>)
    %run_scoped3A_414 = arith.constant 0 : i32
    %run_scoped3A_415 = arith.constant 10 : i32
    "tpu.region"() ({
      %run_scoped3A_546 = tpu.sem_alloc : memref<!tpu.dma_semaphore, #tpu.memory_space<semaphore_mem>>
      %dma_start3A_547 = arith.constant 0 : i32
      %dma_start3A_548 = arith.constant 0 : i32
      %dma_start3A_549 = tpu.memref_slice %arg6[%run_scoped3A_414, %dma_start3A_547, %dma_start3A_548] : memref<2x128x64xf32, #tpu.memory_space<vmem>> -> memref<1x128x64xf32, #tpu.memory_space<vmem>>
      %dma_start3A_550 = tpu.memref_squeeze %dma_start3A_549 : memref<1x128x64xf32, #tpu.memory_space<vmem>> -> memref<128x64xf32, #tpu.memory_space<vmem>>
      %dma_start3A_551 = arith.constant 0 : i32
      %dma_start3A_552 = tpu.memref_slice %arg7[%run_scoped3A_415, %dma_start3A_551] : memref<15x128xi32, #tpu.memory_space<vmem>> -> memref<1x128xi32, #tpu.memory_space<vmem>>
      %dma_start3A_553 = tpu.memref_squeeze %dma_start3A_552 : memref<1x128xi32, #tpu.memory_space<vmem>> -> memref<128xi32, #tpu.memory_space<vmem>>
      %dma_start3A_554 = arith.constant 0 : i32
      %dma_start3A_555 = arith.constant 0 : i32
      %dma_start3A_556 = tpu.memref_slice %arg8[%dma_start3A_554, %dma_start3A_555] : memref<16512x64xf32, #tpu.memory_space<vmem_shared>> -> memref<16512x64xf32, #tpu.memory_space<vmem_shared>>
      tpu.enqueue_indirect_dma source(%dma_start3A_550 : memref<128x64xf32, #tpu.memory_space<vmem>>) target(%dma_start3A_556 : memref<16512x64xf32, #tpu.memory_space<vmem_shared>>) offsets(%dma_start3A_553 : memref<128xi32, #tpu.memory_space<vmem>>) semaphore(%run_scoped3A_546 : memref<!tpu.dma_semaphore, #tpu.memory_space<semaphore_mem>>) {add = true}
      %dma_wait3A_557 = arith.constant 0 : i32
      %dma_wait3A_558 = arith.constant 0 : i32
      %dma_wait3A_559 = tpu.memref_slice %arg6[%run_scoped3A_414, %dma_wait3A_557, %dma_wait3A_558] : memref<2x128x64xf32, #tpu.memory_space<vmem>> -> memref<1x128x64xf32, #tpu.memory_space<vmem>>
      %dma_wait3A_560 = tpu.memref_squeeze %dma_wait3A_559 : memref<1x128x64xf32, #tpu.memory_space<vmem>> -> memref<128x64xf32, #tpu.memory_space<vmem>>
      %dma_wait3A_561 = arith.constant 0 : i32
      %dma_wait3A_562 = tpu.memref_slice %arg7[%run_scoped3A_415, %dma_wait3A_561] : memref<15x128xi32, #tpu.memory_space<vmem>> -> memref<1x128xi32, #tpu.memory_space<vmem>>
      %dma_wait3A_563 = tpu.memref_squeeze %dma_wait3A_562 : memref<1x128xi32, #tpu.memory_space<vmem>> -> memref<128xi32, #tpu.memory_space<vmem>>
      %dma_wait3A_564 = arith.constant 0 : i32
      %dma_wait3A_565 = arith.constant 0 : i32
      %dma_wait3A_566 = tpu.memref_slice %arg8[%dma_wait3A_564, %dma_wait3A_565] : memref<16512x64xf32, #tpu.memory_space<vmem_shared>> -> memref<16512x64xf32, #tpu.memory_space<vmem_shared>>
      tpu.wait_indirect_dma semaphore(%run_scoped3A_546 : memref<!tpu.dma_semaphore, #tpu.memory_space<semaphore_mem>>) src(%dma_wait3A_560 : memref<128x64xf32, #tpu.memory_space<vmem>>) dst(%dma_wait3A_566 : memref<16512x64xf32, #tpu.memory_space<vmem_shared>>)
      tpu.yield
    }) : () -> ()
    %add3A_416 = arith.constant 1536 : i32
    %add3A_417 = arith.addi %mul3A_2, %add3A_416 : i32
    %dma_start3A_418 = arith.constant 0 : i32
    %dma_start3A_419 = arith.constant 0 : i32
    %dma_start3A_420 = arith.constant 0 : i32
    %dma_start3A_421 = arith.constant 0 : i32
    %dma_start3A_422 = tpu.memref_slice %arg6[%dma_start3A_418, %dma_start3A_420, %dma_start3A_421] : memref<2x128x64xf32, #tpu.memory_space<vmem>> -> memref<1x128x64xf32, #tpu.memory_space<vmem>>
    %dma_start3A_423 = tpu.memref_squeeze %dma_start3A_422 : memref<1x128x64xf32, #tpu.memory_space<vmem>> -> memref<128x64xf32, #tpu.memory_space<vmem>>
    %dma_start3A_424 = arith.constant 0 : i32
    %dma_start3A_425 = tpu.memref_slice %arg2[%add3A_417, %dma_start3A_424] : memref<61440x64xf32, #tpu.memory_space<hbm>> -> memref<128x64xf32, #tpu.memory_space<hbm>>
    %dma_start3A_426 = tpu.memref_slice %arg9[%dma_start3A_419] : memref<2x!tpu.dma_semaphore, #tpu.memory_space<semaphore_mem>> -> memref<1x!tpu.dma_semaphore, #tpu.memory_space<semaphore_mem>>
    %dma_start3A_427 = tpu.memref_squeeze %dma_start3A_426 : memref<1x!tpu.dma_semaphore, #tpu.memory_space<semaphore_mem>> -> memref<!tpu.dma_semaphore, #tpu.memory_space<semaphore_mem>>
    %dma_start3A_428 = arith.constant 0 : i32
    %dma_start3A_429 = arith.constant 0 : i32
    %dma_start3A_430 = tpu.memref_slice %arg6[%dma_start3A_418, %dma_start3A_428, %dma_start3A_429] : memref<2x128x64xf32, #tpu.memory_space<vmem>> -> memref<1x128x64xf32, #tpu.memory_space<vmem>>
    %dma_start3A_431 = tpu.memref_squeeze %dma_start3A_430 : memref<1x128x64xf32, #tpu.memory_space<vmem>> -> memref<128x64xf32, #tpu.memory_space<vmem>>
    %dma_start3A_432 = arith.constant 0 : i32
    %dma_start3A_433 = tpu.memref_slice %arg2[%add3A_417, %dma_start3A_432] : memref<61440x64xf32, #tpu.memory_space<hbm>> -> memref<128x64xf32, #tpu.memory_space<hbm>>
    tpu.enqueue_dma source(%dma_start3A_433 : memref<128x64xf32, #tpu.memory_space<hbm>>) target(%dma_start3A_431 : memref<128x64xf32, #tpu.memory_space<vmem>>) target_semaphore(%dma_start3A_427 : memref<!tpu.dma_semaphore, #tpu.memory_space<semaphore_mem>>)
    %dma_wait3A_434 = arith.constant 1 : i32
    %dma_wait3A_435 = arith.constant 1 : i32
    %dma_wait3A_436 = arith.constant 0 : i32
    %dma_wait3A_437 = arith.constant 0 : i32
    %dma_wait3A_438 = tpu.memref_slice %arg6[%dma_wait3A_434, %dma_wait3A_436, %dma_wait3A_437] : memref<2x128x64xf32, #tpu.memory_space<vmem>> -> memref<1x128x64xf32, #tpu.memory_space<vmem>>
    %dma_wait3A_439 = tpu.memref_squeeze %dma_wait3A_438 : memref<1x128x64xf32, #tpu.memory_space<vmem>> -> memref<128x64xf32, #tpu.memory_space<vmem>>
    %dma_wait3A_440 = arith.constant 0 : i32
    %dma_wait3A_441 = tpu.memref_slice %arg2[%add3A_381, %dma_wait3A_440] : memref<61440x64xf32, #tpu.memory_space<hbm>> -> memref<128x64xf32, #tpu.memory_space<hbm>>
    %dma_wait3A_442 = tpu.memref_slice %arg9[%dma_wait3A_435] : memref<2x!tpu.dma_semaphore, #tpu.memory_space<semaphore_mem>> -> memref<1x!tpu.dma_semaphore, #tpu.memory_space<semaphore_mem>>
    %dma_wait3A_443 = tpu.memref_squeeze %dma_wait3A_442 : memref<1x!tpu.dma_semaphore, #tpu.memory_space<semaphore_mem>> -> memref<!tpu.dma_semaphore, #tpu.memory_space<semaphore_mem>>
    %dma_wait3A_444 = arith.constant 0 : i32
    %dma_wait3A_445 = arith.constant 0 : i32
    %dma_wait3A_446 = tpu.memref_slice %arg6[%dma_wait3A_434, %dma_wait3A_444, %dma_wait3A_445] : memref<2x128x64xf32, #tpu.memory_space<vmem>> -> memref<1x128x64xf32, #tpu.memory_space<vmem>>
    %dma_wait3A_447 = tpu.memref_squeeze %dma_wait3A_446 : memref<1x128x64xf32, #tpu.memory_space<vmem>> -> memref<128x64xf32, #tpu.memory_space<vmem>>
    %dma_wait3A_448 = arith.constant 0 : i32
    %dma_wait3A_449 = tpu.memref_slice %arg2[%add3A_381, %dma_wait3A_448] : memref<61440x64xf32, #tpu.memory_space<hbm>> -> memref<128x64xf32, #tpu.memory_space<hbm>>
    tpu.wait_dma2 semaphore(%dma_wait3A_443 : memref<!tpu.dma_semaphore, #tpu.memory_space<semaphore_mem>>) src(%dma_wait3A_449 : memref<128x64xf32, #tpu.memory_space<hbm>>) dst(%dma_wait3A_447 : memref<128x64xf32, #tpu.memory_space<vmem>>)
    %run_scoped3A_450 = arith.constant 1 : i32
    %run_scoped3A_451 = arith.constant 11 : i32
    "tpu.region"() ({
      %run_scoped3A_546 = tpu.sem_alloc : memref<!tpu.dma_semaphore, #tpu.memory_space<semaphore_mem>>
      %dma_start3A_547 = arith.constant 0 : i32
      %dma_start3A_548 = arith.constant 0 : i32
      %dma_start3A_549 = tpu.memref_slice %arg6[%run_scoped3A_450, %dma_start3A_547, %dma_start3A_548] : memref<2x128x64xf32, #tpu.memory_space<vmem>> -> memref<1x128x64xf32, #tpu.memory_space<vmem>>
      %dma_start3A_550 = tpu.memref_squeeze %dma_start3A_549 : memref<1x128x64xf32, #tpu.memory_space<vmem>> -> memref<128x64xf32, #tpu.memory_space<vmem>>
      %dma_start3A_551 = arith.constant 0 : i32
      %dma_start3A_552 = tpu.memref_slice %arg7[%run_scoped3A_451, %dma_start3A_551] : memref<15x128xi32, #tpu.memory_space<vmem>> -> memref<1x128xi32, #tpu.memory_space<vmem>>
      %dma_start3A_553 = tpu.memref_squeeze %dma_start3A_552 : memref<1x128xi32, #tpu.memory_space<vmem>> -> memref<128xi32, #tpu.memory_space<vmem>>
      %dma_start3A_554 = arith.constant 0 : i32
      %dma_start3A_555 = arith.constant 0 : i32
      %dma_start3A_556 = tpu.memref_slice %arg8[%dma_start3A_554, %dma_start3A_555] : memref<16512x64xf32, #tpu.memory_space<vmem_shared>> -> memref<16512x64xf32, #tpu.memory_space<vmem_shared>>
      tpu.enqueue_indirect_dma source(%dma_start3A_550 : memref<128x64xf32, #tpu.memory_space<vmem>>) target(%dma_start3A_556 : memref<16512x64xf32, #tpu.memory_space<vmem_shared>>) offsets(%dma_start3A_553 : memref<128xi32, #tpu.memory_space<vmem>>) semaphore(%run_scoped3A_546 : memref<!tpu.dma_semaphore, #tpu.memory_space<semaphore_mem>>) {add = true}
      %dma_wait3A_557 = arith.constant 0 : i32
      %dma_wait3A_558 = arith.constant 0 : i32
      %dma_wait3A_559 = tpu.memref_slice %arg6[%run_scoped3A_450, %dma_wait3A_557, %dma_wait3A_558] : memref<2x128x64xf32, #tpu.memory_space<vmem>> -> memref<1x128x64xf32, #tpu.memory_space<vmem>>
      %dma_wait3A_560 = tpu.memref_squeeze %dma_wait3A_559 : memref<1x128x64xf32, #tpu.memory_space<vmem>> -> memref<128x64xf32, #tpu.memory_space<vmem>>
      %dma_wait3A_561 = arith.constant 0 : i32
      %dma_wait3A_562 = tpu.memref_slice %arg7[%run_scoped3A_451, %dma_wait3A_561] : memref<15x128xi32, #tpu.memory_space<vmem>> -> memref<1x128xi32, #tpu.memory_space<vmem>>
      %dma_wait3A_563 = tpu.memref_squeeze %dma_wait3A_562 : memref<1x128xi32, #tpu.memory_space<vmem>> -> memref<128xi32, #tpu.memory_space<vmem>>
      %dma_wait3A_564 = arith.constant 0 : i32
      %dma_wait3A_565 = arith.constant 0 : i32
      %dma_wait3A_566 = tpu.memref_slice %arg8[%dma_wait3A_564, %dma_wait3A_565] : memref<16512x64xf32, #tpu.memory_space<vmem_shared>> -> memref<16512x64xf32, #tpu.memory_space<vmem_shared>>
      tpu.wait_indirect_dma semaphore(%run_scoped3A_546 : memref<!tpu.dma_semaphore, #tpu.memory_space<semaphore_mem>>) src(%dma_wait3A_560 : memref<128x64xf32, #tpu.memory_space<vmem>>) dst(%dma_wait3A_566 : memref<16512x64xf32, #tpu.memory_space<vmem_shared>>)
      tpu.yield
    }) : () -> ()
    %add3A_452 = arith.constant 1664 : i32
    %add3A_453 = arith.addi %mul3A_2, %add3A_452 : i32
    %dma_start3A_454 = arith.constant 1 : i32
    %dma_start3A_455 = arith.constant 1 : i32
    %dma_start3A_456 = arith.constant 0 : i32
    %dma_start3A_457 = arith.constant 0 : i32
    %dma_start3A_458 = tpu.memref_slice %arg6[%dma_start3A_454, %dma_start3A_456, %dma_start3A_457] : memref<2x128x64xf32, #tpu.memory_space<vmem>> -> memref<1x128x64xf32, #tpu.memory_space<vmem>>
    %dma_start3A_459 = tpu.memref_squeeze %dma_start3A_458 : memref<1x128x64xf32, #tpu.memory_space<vmem>> -> memref<128x64xf32, #tpu.memory_space<vmem>>
    %dma_start3A_460 = arith.constant 0 : i32
    %dma_start3A_461 = tpu.memref_slice %arg2[%add3A_453, %dma_start3A_460] : memref<61440x64xf32, #tpu.memory_space<hbm>> -> memref<128x64xf32, #tpu.memory_space<hbm>>
    %dma_start3A_462 = tpu.memref_slice %arg9[%dma_start3A_455] : memref<2x!tpu.dma_semaphore, #tpu.memory_space<semaphore_mem>> -> memref<1x!tpu.dma_semaphore, #tpu.memory_space<semaphore_mem>>
    %dma_start3A_463 = tpu.memref_squeeze %dma_start3A_462 : memref<1x!tpu.dma_semaphore, #tpu.memory_space<semaphore_mem>> -> memref<!tpu.dma_semaphore, #tpu.memory_space<semaphore_mem>>
    %dma_start3A_464 = arith.constant 0 : i32
    %dma_start3A_465 = arith.constant 0 : i32
    %dma_start3A_466 = tpu.memref_slice %arg6[%dma_start3A_454, %dma_start3A_464, %dma_start3A_465] : memref<2x128x64xf32, #tpu.memory_space<vmem>> -> memref<1x128x64xf32, #tpu.memory_space<vmem>>
    %dma_start3A_467 = tpu.memref_squeeze %dma_start3A_466 : memref<1x128x64xf32, #tpu.memory_space<vmem>> -> memref<128x64xf32, #tpu.memory_space<vmem>>
    %dma_start3A_468 = arith.constant 0 : i32
    %dma_start3A_469 = tpu.memref_slice %arg2[%add3A_453, %dma_start3A_468] : memref<61440x64xf32, #tpu.memory_space<hbm>> -> memref<128x64xf32, #tpu.memory_space<hbm>>
    tpu.enqueue_dma source(%dma_start3A_469 : memref<128x64xf32, #tpu.memory_space<hbm>>) target(%dma_start3A_467 : memref<128x64xf32, #tpu.memory_space<vmem>>) target_semaphore(%dma_start3A_463 : memref<!tpu.dma_semaphore, #tpu.memory_space<semaphore_mem>>)
    %dma_wait3A_470 = arith.constant 0 : i32
    %dma_wait3A_471 = arith.constant 0 : i32
    %dma_wait3A_472 = arith.constant 0 : i32
    %dma_wait3A_473 = arith.constant 0 : i32
    %dma_wait3A_474 = tpu.memref_slice %arg6[%dma_wait3A_470, %dma_wait3A_472, %dma_wait3A_473] : memref<2x128x64xf32, #tpu.memory_space<vmem>> -> memref<1x128x64xf32, #tpu.memory_space<vmem>>
    %dma_wait3A_475 = tpu.memref_squeeze %dma_wait3A_474 : memref<1x128x64xf32, #tpu.memory_space<vmem>> -> memref<128x64xf32, #tpu.memory_space<vmem>>
    %dma_wait3A_476 = arith.constant 0 : i32
    %dma_wait3A_477 = tpu.memref_slice %arg2[%add3A_417, %dma_wait3A_476] : memref<61440x64xf32, #tpu.memory_space<hbm>> -> memref<128x64xf32, #tpu.memory_space<hbm>>
    %dma_wait3A_478 = tpu.memref_slice %arg9[%dma_wait3A_471] : memref<2x!tpu.dma_semaphore, #tpu.memory_space<semaphore_mem>> -> memref<1x!tpu.dma_semaphore, #tpu.memory_space<semaphore_mem>>
    %dma_wait3A_479 = tpu.memref_squeeze %dma_wait3A_478 : memref<1x!tpu.dma_semaphore, #tpu.memory_space<semaphore_mem>> -> memref<!tpu.dma_semaphore, #tpu.memory_space<semaphore_mem>>
    %dma_wait3A_480 = arith.constant 0 : i32
    %dma_wait3A_481 = arith.constant 0 : i32
    %dma_wait3A_482 = tpu.memref_slice %arg6[%dma_wait3A_470, %dma_wait3A_480, %dma_wait3A_481] : memref<2x128x64xf32, #tpu.memory_space<vmem>> -> memref<1x128x64xf32, #tpu.memory_space<vmem>>
    %dma_wait3A_483 = tpu.memref_squeeze %dma_wait3A_482 : memref<1x128x64xf32, #tpu.memory_space<vmem>> -> memref<128x64xf32, #tpu.memory_space<vmem>>
    %dma_wait3A_484 = arith.constant 0 : i32
    %dma_wait3A_485 = tpu.memref_slice %arg2[%add3A_417, %dma_wait3A_484] : memref<61440x64xf32, #tpu.memory_space<hbm>> -> memref<128x64xf32, #tpu.memory_space<hbm>>
    tpu.wait_dma2 semaphore(%dma_wait3A_479 : memref<!tpu.dma_semaphore, #tpu.memory_space<semaphore_mem>>) src(%dma_wait3A_485 : memref<128x64xf32, #tpu.memory_space<hbm>>) dst(%dma_wait3A_483 : memref<128x64xf32, #tpu.memory_space<vmem>>)
    %run_scoped3A_486 = arith.constant 0 : i32
    %run_scoped3A_487 = arith.constant 12 : i32
    "tpu.region"() ({
      %run_scoped3A_546 = tpu.sem_alloc : memref<!tpu.dma_semaphore, #tpu.memory_space<semaphore_mem>>
      %dma_start3A_547 = arith.constant 0 : i32
      %dma_start3A_548 = arith.constant 0 : i32
      %dma_start3A_549 = tpu.memref_slice %arg6[%run_scoped3A_486, %dma_start3A_547, %dma_start3A_548] : memref<2x128x64xf32, #tpu.memory_space<vmem>> -> memref<1x128x64xf32, #tpu.memory_space<vmem>>
      %dma_start3A_550 = tpu.memref_squeeze %dma_start3A_549 : memref<1x128x64xf32, #tpu.memory_space<vmem>> -> memref<128x64xf32, #tpu.memory_space<vmem>>
      %dma_start3A_551 = arith.constant 0 : i32
      %dma_start3A_552 = tpu.memref_slice %arg7[%run_scoped3A_487, %dma_start3A_551] : memref<15x128xi32, #tpu.memory_space<vmem>> -> memref<1x128xi32, #tpu.memory_space<vmem>>
      %dma_start3A_553 = tpu.memref_squeeze %dma_start3A_552 : memref<1x128xi32, #tpu.memory_space<vmem>> -> memref<128xi32, #tpu.memory_space<vmem>>
      %dma_start3A_554 = arith.constant 0 : i32
      %dma_start3A_555 = arith.constant 0 : i32
      %dma_start3A_556 = tpu.memref_slice %arg8[%dma_start3A_554, %dma_start3A_555] : memref<16512x64xf32, #tpu.memory_space<vmem_shared>> -> memref<16512x64xf32, #tpu.memory_space<vmem_shared>>
      tpu.enqueue_indirect_dma source(%dma_start3A_550 : memref<128x64xf32, #tpu.memory_space<vmem>>) target(%dma_start3A_556 : memref<16512x64xf32, #tpu.memory_space<vmem_shared>>) offsets(%dma_start3A_553 : memref<128xi32, #tpu.memory_space<vmem>>) semaphore(%run_scoped3A_546 : memref<!tpu.dma_semaphore, #tpu.memory_space<semaphore_mem>>) {add = true}
      %dma_wait3A_557 = arith.constant 0 : i32
      %dma_wait3A_558 = arith.constant 0 : i32
      %dma_wait3A_559 = tpu.memref_slice %arg6[%run_scoped3A_486, %dma_wait3A_557, %dma_wait3A_558] : memref<2x128x64xf32, #tpu.memory_space<vmem>> -> memref<1x128x64xf32, #tpu.memory_space<vmem>>
      %dma_wait3A_560 = tpu.memref_squeeze %dma_wait3A_559 : memref<1x128x64xf32, #tpu.memory_space<vmem>> -> memref<128x64xf32, #tpu.memory_space<vmem>>
      %dma_wait3A_561 = arith.constant 0 : i32
      %dma_wait3A_562 = tpu.memref_slice %arg7[%run_scoped3A_487, %dma_wait3A_561] : memref<15x128xi32, #tpu.memory_space<vmem>> -> memref<1x128xi32, #tpu.memory_space<vmem>>
      %dma_wait3A_563 = tpu.memref_squeeze %dma_wait3A_562 : memref<1x128xi32, #tpu.memory_space<vmem>> -> memref<128xi32, #tpu.memory_space<vmem>>
      %dma_wait3A_564 = arith.constant 0 : i32
      %dma_wait3A_565 = arith.constant 0 : i32
      %dma_wait3A_566 = tpu.memref_slice %arg8[%dma_wait3A_564, %dma_wait3A_565] : memref<16512x64xf32, #tpu.memory_space<vmem_shared>> -> memref<16512x64xf32, #tpu.memory_space<vmem_shared>>
      tpu.wait_indirect_dma semaphore(%run_scoped3A_546 : memref<!tpu.dma_semaphore, #tpu.memory_space<semaphore_mem>>) src(%dma_wait3A_560 : memref<128x64xf32, #tpu.memory_space<vmem>>) dst(%dma_wait3A_566 : memref<16512x64xf32, #tpu.memory_space<vmem_shared>>)
      tpu.yield
    }) : () -> ()
    %add3A_488 = arith.constant 1792 : i32
    %add3A_489 = arith.addi %mul3A_2, %add3A_488 : i32
    %dma_start3A_490 = arith.constant 0 : i32
    %dma_start3A_491 = arith.constant 0 : i32
    %dma_start3A_492 = arith.constant 0 : i32
    %dma_start3A_493 = arith.constant 0 : i32
    %dma_start3A_494 = tpu.memref_slice %arg6[%dma_start3A_490, %dma_start3A_492, %dma_start3A_493] : memref<2x128x64xf32, #tpu.memory_space<vmem>> -> memref<1x128x64xf32, #tpu.memory_space<vmem>>
    %dma_start3A_495 = tpu.memref_squeeze %dma_start3A_494 : memref<1x128x64xf32, #tpu.memory_space<vmem>> -> memref<128x64xf32, #tpu.memory_space<vmem>>
    %dma_start3A_496 = arith.constant 0 : i32
    %dma_start3A_497 = tpu.memref_slice %arg2[%add3A_489, %dma_start3A_496] : memref<61440x64xf32, #tpu.memory_space<hbm>> -> memref<128x64xf32, #tpu.memory_space<hbm>>
    %dma_start3A_498 = tpu.memref_slice %arg9[%dma_start3A_491] : memref<2x!tpu.dma_semaphore, #tpu.memory_space<semaphore_mem>> -> memref<1x!tpu.dma_semaphore, #tpu.memory_space<semaphore_mem>>
    %dma_start3A_499 = tpu.memref_squeeze %dma_start3A_498 : memref<1x!tpu.dma_semaphore, #tpu.memory_space<semaphore_mem>> -> memref<!tpu.dma_semaphore, #tpu.memory_space<semaphore_mem>>
    %dma_start3A_500 = arith.constant 0 : i32
    %dma_start3A_501 = arith.constant 0 : i32
    %dma_start3A_502 = tpu.memref_slice %arg6[%dma_start3A_490, %dma_start3A_500, %dma_start3A_501] : memref<2x128x64xf32, #tpu.memory_space<vmem>> -> memref<1x128x64xf32, #tpu.memory_space<vmem>>
    %dma_start3A_503 = tpu.memref_squeeze %dma_start3A_502 : memref<1x128x64xf32, #tpu.memory_space<vmem>> -> memref<128x64xf32, #tpu.memory_space<vmem>>
    %dma_start3A_504 = arith.constant 0 : i32
    %dma_start3A_505 = tpu.memref_slice %arg2[%add3A_489, %dma_start3A_504] : memref<61440x64xf32, #tpu.memory_space<hbm>> -> memref<128x64xf32, #tpu.memory_space<hbm>>
    tpu.enqueue_dma source(%dma_start3A_505 : memref<128x64xf32, #tpu.memory_space<hbm>>) target(%dma_start3A_503 : memref<128x64xf32, #tpu.memory_space<vmem>>) target_semaphore(%dma_start3A_499 : memref<!tpu.dma_semaphore, #tpu.memory_space<semaphore_mem>>)
    %dma_wait3A_506 = arith.constant 1 : i32
    %dma_wait3A_507 = arith.constant 1 : i32
    %dma_wait3A_508 = arith.constant 0 : i32
    %dma_wait3A_509 = arith.constant 0 : i32
    %dma_wait3A_510 = tpu.memref_slice %arg6[%dma_wait3A_506, %dma_wait3A_508, %dma_wait3A_509] : memref<2x128x64xf32, #tpu.memory_space<vmem>> -> memref<1x128x64xf32, #tpu.memory_space<vmem>>
    %dma_wait3A_511 = tpu.memref_squeeze %dma_wait3A_510 : memref<1x128x64xf32, #tpu.memory_space<vmem>> -> memref<128x64xf32, #tpu.memory_space<vmem>>
    %dma_wait3A_512 = arith.constant 0 : i32
    %dma_wait3A_513 = tpu.memref_slice %arg2[%add3A_453, %dma_wait3A_512] : memref<61440x64xf32, #tpu.memory_space<hbm>> -> memref<128x64xf32, #tpu.memory_space<hbm>>
    %dma_wait3A_514 = tpu.memref_slice %arg9[%dma_wait3A_507] : memref<2x!tpu.dma_semaphore, #tpu.memory_space<semaphore_mem>> -> memref<1x!tpu.dma_semaphore, #tpu.memory_space<semaphore_mem>>
    %dma_wait3A_515 = tpu.memref_squeeze %dma_wait3A_514 : memref<1x!tpu.dma_semaphore, #tpu.memory_space<semaphore_mem>> -> memref<!tpu.dma_semaphore, #tpu.memory_space<semaphore_mem>>
    %dma_wait3A_516 = arith.constant 0 : i32
    %dma_wait3A_517 = arith.constant 0 : i32
    %dma_wait3A_518 = tpu.memref_slice %arg6[%dma_wait3A_506, %dma_wait3A_516, %dma_wait3A_517] : memref<2x128x64xf32, #tpu.memory_space<vmem>> -> memref<1x128x64xf32, #tpu.memory_space<vmem>>
    %dma_wait3A_519 = tpu.memref_squeeze %dma_wait3A_518 : memref<1x128x64xf32, #tpu.memory_space<vmem>> -> memref<128x64xf32, #tpu.memory_space<vmem>>
    %dma_wait3A_520 = arith.constant 0 : i32
    %dma_wait3A_521 = tpu.memref_slice %arg2[%add3A_453, %dma_wait3A_520] : memref<61440x64xf32, #tpu.memory_space<hbm>> -> memref<128x64xf32, #tpu.memory_space<hbm>>
    tpu.wait_dma2 semaphore(%dma_wait3A_515 : memref<!tpu.dma_semaphore, #tpu.memory_space<semaphore_mem>>) src(%dma_wait3A_521 : memref<128x64xf32, #tpu.memory_space<hbm>>) dst(%dma_wait3A_519 : memref<128x64xf32, #tpu.memory_space<vmem>>)
    %run_scoped3A_522 = arith.constant 1 : i32
    %run_scoped3A_523 = arith.constant 13 : i32
    "tpu.region"() ({
      %run_scoped3A_546 = tpu.sem_alloc : memref<!tpu.dma_semaphore, #tpu.memory_space<semaphore_mem>>
      %dma_start3A_547 = arith.constant 0 : i32
      %dma_start3A_548 = arith.constant 0 : i32
      %dma_start3A_549 = tpu.memref_slice %arg6[%run_scoped3A_522, %dma_start3A_547, %dma_start3A_548] : memref<2x128x64xf32, #tpu.memory_space<vmem>> -> memref<1x128x64xf32, #tpu.memory_space<vmem>>
      %dma_start3A_550 = tpu.memref_squeeze %dma_start3A_549 : memref<1x128x64xf32, #tpu.memory_space<vmem>> -> memref<128x64xf32, #tpu.memory_space<vmem>>
      %dma_start3A_551 = arith.constant 0 : i32
      %dma_start3A_552 = tpu.memref_slice %arg7[%run_scoped3A_523, %dma_start3A_551] : memref<15x128xi32, #tpu.memory_space<vmem>> -> memref<1x128xi32, #tpu.memory_space<vmem>>
      %dma_start3A_553 = tpu.memref_squeeze %dma_start3A_552 : memref<1x128xi32, #tpu.memory_space<vmem>> -> memref<128xi32, #tpu.memory_space<vmem>>
      %dma_start3A_554 = arith.constant 0 : i32
      %dma_start3A_555 = arith.constant 0 : i32
      %dma_start3A_556 = tpu.memref_slice %arg8[%dma_start3A_554, %dma_start3A_555] : memref<16512x64xf32, #tpu.memory_space<vmem_shared>> -> memref<16512x64xf32, #tpu.memory_space<vmem_shared>>
      tpu.enqueue_indirect_dma source(%dma_start3A_550 : memref<128x64xf32, #tpu.memory_space<vmem>>) target(%dma_start3A_556 : memref<16512x64xf32, #tpu.memory_space<vmem_shared>>) offsets(%dma_start3A_553 : memref<128xi32, #tpu.memory_space<vmem>>) semaphore(%run_scoped3A_546 : memref<!tpu.dma_semaphore, #tpu.memory_space<semaphore_mem>>) {add = true}
      %dma_wait3A_557 = arith.constant 0 : i32
      %dma_wait3A_558 = arith.constant 0 : i32
      %dma_wait3A_559 = tpu.memref_slice %arg6[%run_scoped3A_522, %dma_wait3A_557, %dma_wait3A_558] : memref<2x128x64xf32, #tpu.memory_space<vmem>> -> memref<1x128x64xf32, #tpu.memory_space<vmem>>
      %dma_wait3A_560 = tpu.memref_squeeze %dma_wait3A_559 : memref<1x128x64xf32, #tpu.memory_space<vmem>> -> memref<128x64xf32, #tpu.memory_space<vmem>>
      %dma_wait3A_561 = arith.constant 0 : i32
      %dma_wait3A_562 = tpu.memref_slice %arg7[%run_scoped3A_523, %dma_wait3A_561] : memref<15x128xi32, #tpu.memory_space<vmem>> -> memref<1x128xi32, #tpu.memory_space<vmem>>
      %dma_wait3A_563 = tpu.memref_squeeze %dma_wait3A_562 : memref<1x128xi32, #tpu.memory_space<vmem>> -> memref<128xi32, #tpu.memory_space<vmem>>
      %dma_wait3A_564 = arith.constant 0 : i32
      %dma_wait3A_565 = arith.constant 0 : i32
      %dma_wait3A_566 = tpu.memref_slice %arg8[%dma_wait3A_564, %dma_wait3A_565] : memref<16512x64xf32, #tpu.memory_space<vmem_shared>> -> memref<16512x64xf32, #tpu.memory_space<vmem_shared>>
      tpu.wait_indirect_dma semaphore(%run_scoped3A_546 : memref<!tpu.dma_semaphore, #tpu.memory_space<semaphore_mem>>) src(%dma_wait3A_560 : memref<128x64xf32, #tpu.memory_space<vmem>>) dst(%dma_wait3A_566 : memref<16512x64xf32, #tpu.memory_space<vmem_shared>>)
      tpu.yield
    }) : () -> ()
    %dma_wait3A_524 = arith.constant 0 : i32
    %dma_wait3A_525 = arith.constant 0 : i32
    %dma_wait3A_526 = arith.constant 0 : i32
    %dma_wait3A_527 = arith.constant 0 : i32
    %dma_wait3A_528 = tpu.memref_slice %arg6[%dma_wait3A_524, %dma_wait3A_526, %dma_wait3A_527] : memref<2x128x64xf32, #tpu.memory_space<vmem>> -> memref<1x128x64xf32, #tpu.memory_space<vmem>>
    %dma_wait3A_529 = tpu.memref_squeeze %dma_wait3A_528 : memref<1x128x64xf32, #tpu.memory_space<vmem>> -> memref<128x64xf32, #tpu.memory_space<vmem>>
    %dma_wait3A_530 = arith.constant 0 : i32
    %dma_wait3A_531 = tpu.memref_slice %arg2[%add3A_489, %dma_wait3A_530] : memref<61440x64xf32, #tpu.memory_space<hbm>> -> memref<128x64xf32, #tpu.memory_space<hbm>>
    %dma_wait3A_532 = tpu.memref_slice %arg9[%dma_wait3A_525] : memref<2x!tpu.dma_semaphore, #tpu.memory_space<semaphore_mem>> -> memref<1x!tpu.dma_semaphore, #tpu.memory_space<semaphore_mem>>
    %dma_wait3A_533 = tpu.memref_squeeze %dma_wait3A_532 : memref<1x!tpu.dma_semaphore, #tpu.memory_space<semaphore_mem>> -> memref<!tpu.dma_semaphore, #tpu.memory_space<semaphore_mem>>
    %dma_wait3A_534 = arith.constant 0 : i32
    %dma_wait3A_535 = arith.constant 0 : i32
    %dma_wait3A_536 = tpu.memref_slice %arg6[%dma_wait3A_524, %dma_wait3A_534, %dma_wait3A_535] : memref<2x128x64xf32, #tpu.memory_space<vmem>> -> memref<1x128x64xf32, #tpu.memory_space<vmem>>
    %dma_wait3A_537 = tpu.memref_squeeze %dma_wait3A_536 : memref<1x128x64xf32, #tpu.memory_space<vmem>> -> memref<128x64xf32, #tpu.memory_space<vmem>>
    %dma_wait3A_538 = arith.constant 0 : i32
    %dma_wait3A_539 = tpu.memref_slice %arg2[%add3A_489, %dma_wait3A_538] : memref<61440x64xf32, #tpu.memory_space<hbm>> -> memref<128x64xf32, #tpu.memory_space<hbm>>
    tpu.wait_dma2 semaphore(%dma_wait3A_533 : memref<!tpu.dma_semaphore, #tpu.memory_space<semaphore_mem>>) src(%dma_wait3A_539 : memref<128x64xf32, #tpu.memory_space<hbm>>) dst(%dma_wait3A_537 : memref<128x64xf32, #tpu.memory_space<vmem>>)
    %run_scoped3A_540 = arith.constant 0 : i32
    %run_scoped3A_541 = arith.constant 14 : i32
    "tpu.region"() ({
      %run_scoped3A_546 = tpu.sem_alloc : memref<!tpu.dma_semaphore, #tpu.memory_space<semaphore_mem>>
      %dma_start3A_547 = arith.constant 0 : i32
      %dma_start3A_548 = arith.constant 0 : i32
      %dma_start3A_549 = tpu.memref_slice %arg6[%run_scoped3A_540, %dma_start3A_547, %dma_start3A_548] : memref<2x128x64xf32, #tpu.memory_space<vmem>> -> memref<1x128x64xf32, #tpu.memory_space<vmem>>
      %dma_start3A_550 = tpu.memref_squeeze %dma_start3A_549 : memref<1x128x64xf32, #tpu.memory_space<vmem>> -> memref<128x64xf32, #tpu.memory_space<vmem>>
      %dma_start3A_551 = arith.constant 0 : i32
      %dma_start3A_552 = tpu.memref_slice %arg7[%run_scoped3A_541, %dma_start3A_551] : memref<15x128xi32, #tpu.memory_space<vmem>> -> memref<1x128xi32, #tpu.memory_space<vmem>>
      %dma_start3A_553 = tpu.memref_squeeze %dma_start3A_552 : memref<1x128xi32, #tpu.memory_space<vmem>> -> memref<128xi32, #tpu.memory_space<vmem>>
      %dma_start3A_554 = arith.constant 0 : i32
      %dma_start3A_555 = arith.constant 0 : i32
      %dma_start3A_556 = tpu.memref_slice %arg8[%dma_start3A_554, %dma_start3A_555] : memref<16512x64xf32, #tpu.memory_space<vmem_shared>> -> memref<16512x64xf32, #tpu.memory_space<vmem_shared>>
      tpu.enqueue_indirect_dma source(%dma_start3A_550 : memref<128x64xf32, #tpu.memory_space<vmem>>) target(%dma_start3A_556 : memref<16512x64xf32, #tpu.memory_space<vmem_shared>>) offsets(%dma_start3A_553 : memref<128xi32, #tpu.memory_space<vmem>>) semaphore(%run_scoped3A_546 : memref<!tpu.dma_semaphore, #tpu.memory_space<semaphore_mem>>) {add = true}
      %dma_wait3A_557 = arith.constant 0 : i32
      %dma_wait3A_558 = arith.constant 0 : i32
      %dma_wait3A_559 = tpu.memref_slice %arg6[%run_scoped3A_540, %dma_wait3A_557, %dma_wait3A_558] : memref<2x128x64xf32, #tpu.memory_space<vmem>> -> memref<1x128x64xf32, #tpu.memory_space<vmem>>
      %dma_wait3A_560 = tpu.memref_squeeze %dma_wait3A_559 : memref<1x128x64xf32, #tpu.memory_space<vmem>> -> memref<128x64xf32, #tpu.memory_space<vmem>>
      %dma_wait3A_561 = arith.constant 0 : i32
      %dma_wait3A_562 = tpu.memref_slice %arg7[%run_scoped3A_541, %dma_wait3A_561] : memref<15x128xi32, #tpu.memory_space<vmem>> -> memref<1x128xi32, #tpu.memory_space<vmem>>
      %dma_wait3A_563 = tpu.memref_squeeze %dma_wait3A_562 : memref<1x128xi32, #tpu.memory_space<vmem>> -> memref<128xi32, #tpu.memory_space<vmem>>
      %dma_wait3A_564 = arith.constant 0 : i32
      %dma_wait3A_565 = arith.constant 0 : i32
      %dma_wait3A_566 = tpu.memref_slice %arg8[%dma_wait3A_564, %dma_wait3A_565] : memref<16512x64xf32, #tpu.memory_space<vmem_shared>> -> memref<16512x64xf32, #tpu.memory_space<vmem_shared>>
      tpu.wait_indirect_dma semaphore(%run_scoped3A_546 : memref<!tpu.dma_semaphore, #tpu.memory_space<semaphore_mem>>) src(%dma_wait3A_560 : memref<128x64xf32, #tpu.memory_space<vmem>>) dst(%dma_wait3A_566 : memref<16512x64xf32, #tpu.memory_space<vmem_shared>>)
      tpu.yield
    }) : () -> ()
    %barrier3A_542 = arith.constant 0 : index
    tpu.barrier barrier_id(%barrier3A_542)
    %mul3A_543 = arith.constant 16512 : i32
    %mul3A_544 = arith.muli %arg0, %mul3A_543 : i32
    %add3A_545 = arith.addi %mul3A_544, %mul3A_39 : i32
    "tpu.region"() ({
      %run_scoped3A_546 = tpu.sem_alloc : memref<!tpu.dma_semaphore, #tpu.memory_space<semaphore_mem>>
      %dma_start3A_547 = arith.constant 0 : i32
      %dma_start3A_548 = tpu.memref_slice %arg5[%add3A_545, %dma_start3A_547] : memref<33024x64xf32, #tpu.memory_space<hbm>> -> memref<1032x64xf32, #tpu.memory_space<hbm>>
      %dma_start3A_549 = arith.constant 0 : i32
      %dma_start3A_550 = tpu.memref_slice %arg8[%mul3A_39, %dma_start3A_549] : memref<16512x64xf32, #tpu.memory_space<vmem_shared>> -> memref<1032x64xf32, #tpu.memory_space<vmem_shared>>
      tpu.enqueue_dma source(%dma_start3A_550 : memref<1032x64xf32, #tpu.memory_space<vmem_shared>>) target(%dma_start3A_548 : memref<1032x64xf32, #tpu.memory_space<hbm>>) target_semaphore(%run_scoped3A_546 : memref<!tpu.dma_semaphore, #tpu.memory_space<semaphore_mem>>)
      %dma_wait3A_551 = arith.constant 0 : i32
      %dma_wait3A_552 = tpu.memref_slice %arg5[%add3A_545, %dma_wait3A_551] : memref<33024x64xf32, #tpu.memory_space<hbm>> -> memref<1032x64xf32, #tpu.memory_space<hbm>>
      %dma_wait3A_553 = arith.constant 0 : i32
      %dma_wait3A_554 = tpu.memref_slice %arg8[%mul3A_39, %dma_wait3A_553] : memref<16512x64xf32, #tpu.memory_space<vmem_shared>> -> memref<1032x64xf32, #tpu.memory_space<vmem_shared>>
      tpu.wait_dma2 semaphore(%run_scoped3A_546 : memref<!tpu.dma_semaphore, #tpu.memory_space<semaphore_mem>>) src(%dma_wait3A_554 : memref<1032x64xf32, #tpu.memory_space<vmem_shared>>) dst(%dma_wait3A_552 : memref<1032x64xf32, #tpu.memory_space<hbm>>)
      tpu.yield
    }) : () -> ()
    return
  }
}

module attributes {stable_mosaic.version = 14 : i64} {
  func.func @_dense_body(%arg0: i32, %arg1: memref<1x22x56xf32, #tpu.memory_space<vmem>>, %arg2: memref<1x22x64xf32, #tpu.memory_space<vmem>>, %arg3: memref<4x576x64xf32, #tpu.memory_space<vmem>>, %arg4: memref<4x64xf32, #tpu.memory_space<vmem>>, %arg5: memref<1x1232x1xf32, #tpu.memory_space<vmem>>, %arg6: memref<1x1280x64xf32, #tpu.memory_space<vmem>>, %arg7: memref<24x58x64xf32, #tpu.memory_space<vmem>>, %arg8: memref<24x58x64xf32, #tpu.memory_space<vmem>>) attributes {dimension_semantics = [#tpu.dimension_semantics<arbitrary>], iteration_bounds = array<i64: 48>, scalar_prefetch = 0 : i64, scratch_operands = 2 : i64, tpu.core_type = #tpu.core_type<tc>, window_params = [{transform_indices = @transform_0, window_bounds = array<i64: 1, 22, 56>}, {transform_indices = @transform_1, window_bounds = array<i64: 1, 22, 64>}, {pipeline_mode = #tpu.pipeline_mode<synchronous>, transform_indices = @transform_2, window_bounds = array<i64: 4, 576, 64>}, {pipeline_mode = #tpu.pipeline_mode<synchronous>, transform_indices = @transform_3, window_bounds = array<i64: 4, 64>}, {transform_indices = @transform_4, window_bounds = array<i64: 1, 1232, 1>}, {transform_indices = @transform_5, window_bounds = array<i64: 1, 1280, 64>}]} {
    %broadcast_in_dim3A = arith.constant 0.000000e+00 : f32
    %broadcast_in_dim3A_0 = vector.broadcast %broadcast_in_dim3A : f32 to vector<1x58x64xf32>
    %swap3A = arith.constant 0 : index
    %swap3A_1 = arith.constant 0 : index
    %swap3A_2 = arith.constant 0 : index
    %swap3A_3 = vector.load %arg7[%swap3A, %swap3A_1, %swap3A_2] : memref<24x58x64xf32, #tpu.memory_space<vmem>>, vector<1x58x64xf32>
    tpu.vector_store %arg7[%swap3A, %swap3A_1, %swap3A_2], %broadcast_in_dim3A_0 {strides = array<i32>} : memref<24x58x64xf32, #tpu.memory_space<vmem>>, vector<1x58x64xf32>,
    %broadcast_in_dim3A_4 = arith.constant 0.000000e+00 : f32
    %broadcast_in_dim3A_5 = vector.broadcast %broadcast_in_dim3A_4 : f32 to vector<1x58x64xf32>
    %swap3A_6 = arith.constant 23 : index
    %swap3A_7 = arith.constant 0 : index
    %swap3A_8 = arith.constant 0 : index
    %swap3A_9 = vector.load %arg7[%swap3A_6, %swap3A_7, %swap3A_8] : memref<24x58x64xf32, #tpu.memory_space<vmem>>, vector<1x58x64xf32>
    tpu.vector_store %arg7[%swap3A_6, %swap3A_7, %swap3A_8], %broadcast_in_dim3A_5 {strides = array<i32>} : memref<24x58x64xf32, #tpu.memory_space<vmem>>, vector<1x58x64xf32>,
    %broadcast_in_dim3A_10 = arith.constant 0.000000e+00 : f32
    %broadcast_in_dim3A_11 = vector.broadcast %broadcast_in_dim3A_10 : f32 to vector<24x1x64xf32>
    %swap3A_12 = arith.constant 0 : index
    %swap3A_13 = arith.constant 0 : index
    %swap3A_14 = arith.constant 0 : index
    %swap3A_15 = vector.load %arg7[%swap3A_12, %swap3A_13, %swap3A_14] : memref<24x58x64xf32, #tpu.memory_space<vmem>>, vector<24x1x64xf32>
    tpu.vector_store %arg7[%swap3A_12, %swap3A_13, %swap3A_14], %broadcast_in_dim3A_11 {strides = array<i32>} : memref<24x58x64xf32, #tpu.memory_space<vmem>>, vector<24x1x64xf32>,
    %broadcast_in_dim3A_16 = arith.constant 0.000000e+00 : f32
    %broadcast_in_dim3A_17 = vector.broadcast %broadcast_in_dim3A_16 : f32 to vector<24x1x64xf32>
    %swap3A_18 = arith.constant 0 : index
    %swap3A_19 = arith.constant 57 : index
    %swap3A_20 = arith.constant 0 : index
    %swap3A_21 = vector.load %arg7[%swap3A_18, %swap3A_19, %swap3A_20] : memref<24x58x64xf32, #tpu.memory_space<vmem>>, vector<24x1x64xf32>
    tpu.vector_store %arg7[%swap3A_18, %swap3A_19, %swap3A_20], %broadcast_in_dim3A_17 {strides = array<i32>} : memref<24x58x64xf32, #tpu.memory_space<vmem>>, vector<24x1x64xf32>,
    %broadcast_in_dim3A_22 = arith.constant 0.000000e+00 : f32
    %broadcast_in_dim3A_23 = vector.broadcast %broadcast_in_dim3A_22 : f32 to vector<1x58x64xf32>
    %swap3A_24 = arith.constant 0 : index
    %swap3A_25 = arith.constant 0 : index
    %swap3A_26 = arith.constant 0 : index
    %swap3A_27 = vector.load %arg8[%swap3A_24, %swap3A_25, %swap3A_26] : memref<24x58x64xf32, #tpu.memory_space<vmem>>, vector<1x58x64xf32>
    tpu.vector_store %arg8[%swap3A_24, %swap3A_25, %swap3A_26], %broadcast_in_dim3A_23 {strides = array<i32>} : memref<24x58x64xf32, #tpu.memory_space<vmem>>, vector<1x58x64xf32>,
    %broadcast_in_dim3A_28 = arith.constant 0.000000e+00 : f32
    %broadcast_in_dim3A_29 = vector.broadcast %broadcast_in_dim3A_28 : f32 to vector<1x58x64xf32>
    %swap3A_30 = arith.constant 23 : index
    %swap3A_31 = arith.constant 0 : index
    %swap3A_32 = arith.constant 0 : index
    %swap3A_33 = vector.load %arg8[%swap3A_30, %swap3A_31, %swap3A_32] : memref<24x58x64xf32, #tpu.memory_space<vmem>>, vector<1x58x64xf32>
    tpu.vector_store %arg8[%swap3A_30, %swap3A_31, %swap3A_32], %broadcast_in_dim3A_29 {strides = array<i32>} : memref<24x58x64xf32, #tpu.memory_space<vmem>>, vector<1x58x64xf32>,
    %broadcast_in_dim3A_34 = arith.constant 0.000000e+00 : f32
    %broadcast_in_dim3A_35 = vector.broadcast %broadcast_in_dim3A_34 : f32 to vector<24x1x64xf32>
    %swap3A_36 = arith.constant 0 : index
    %swap3A_37 = arith.constant 0 : index
    %swap3A_38 = arith.constant 0 : index
    %swap3A_39 = vector.load %arg8[%swap3A_36, %swap3A_37, %swap3A_38] : memref<24x58x64xf32, #tpu.memory_space<vmem>>, vector<24x1x64xf32>
    tpu.vector_store %arg8[%swap3A_36, %swap3A_37, %swap3A_38], %broadcast_in_dim3A_35 {strides = array<i32>} : memref<24x58x64xf32, #tpu.memory_space<vmem>>, vector<24x1x64xf32>,
    %broadcast_in_dim3A_40 = arith.constant 0.000000e+00 : f32
    %broadcast_in_dim3A_41 = vector.broadcast %broadcast_in_dim3A_40 : f32 to vector<24x1x64xf32>
    %swap3A_42 = arith.constant 0 : index
    %swap3A_43 = arith.constant 57 : index
    %swap3A_44 = arith.constant 0 : index
    %swap3A_45 = vector.load %arg8[%swap3A_42, %swap3A_43, %swap3A_44] : memref<24x58x64xf32, #tpu.memory_space<vmem>>, vector<24x1x64xf32>
    tpu.vector_store %arg8[%swap3A_42, %swap3A_43, %swap3A_44], %broadcast_in_dim3A_41 {strides = array<i32>} : memref<24x58x64xf32, #tpu.memory_space<vmem>>, vector<24x1x64xf32>,
    %get3A = arith.constant 0 : index
    %get3A_46 = arith.constant 0 : index
    %get3A_47 = arith.constant 0 : index
    %get3A_48 = vector.load %arg1[%get3A, %get3A_46, %get3A_47] : memref<1x22x56xf32, #tpu.memory_space<vmem>>, vector<1x22x56xf32>
    %get3A_49 = vector.shape_cast %get3A_48 : vector<1x22x56xf32> to vector<22x56xf32>
    %broadcast_in_dim3A_50 = vector.shape_cast %get3A_49 : vector<22x56xf32> to vector<22x56x1xf32>
    %get3A_51 = arith.constant 0 : index
    %get3A_52 = arith.constant 0 : index
    %get3A_53 = arith.constant 0 : index
    %get3A_54 = vector.load %arg2[%get3A_51, %get3A_52, %get3A_53] : memref<1x22x64xf32, #tpu.memory_space<vmem>>, vector<1x22x64xf32>
    %get3A_55 = vector.shape_cast %get3A_54 : vector<1x22x64xf32> to vector<22x64xf32>
    %broadcast_in_dim3A_56 = vector.shape_cast %get3A_55 : vector<22x64xf32> to vector<22x1x64xf32>
    %mul3A = vector.broadcast %broadcast_in_dim3A_50 : vector<22x56x1xf32> to vector<22x56x64xf32>
    %mul3A_57 = vector.broadcast %broadcast_in_dim3A_56 : vector<22x1x64xf32> to vector<22x56x64xf32>
    %mul3A_58 = arith.mulf %mul3A, %mul3A_57 : vector<22x56x64xf32>
    %swap3A_59 = arith.constant 1 : index
    %swap3A_60 = arith.constant 1 : index
    %swap3A_61 = arith.constant 0 : index
    %swap3A_62 = vector.load %arg7[%swap3A_59, %swap3A_60, %swap3A_61] : memref<24x58x64xf32, #tpu.memory_space<vmem>>, vector<22x56x64xf32>
    tpu.vector_store %arg7[%swap3A_59, %swap3A_60, %swap3A_61], %mul3A_58 {strides = array<i32>} : memref<24x58x64xf32, #tpu.memory_space<vmem>>, vector<22x56x64xf32>,
    %get3A_63 = arith.constant 0 : index
    %get3A_64 = arith.constant 0 : index
    %get3A_65 = arith.constant 0 : index
    %get3A_66 = vector.load %arg7[%get3A_63, %get3A_64, %get3A_65] : memref<24x58x64xf32, #tpu.memory_space<vmem>>, vector<22x56x64xf32>
    %reshape3A = vector.shape_cast %get3A_66 : vector<22x56x64xf32> to vector<1232x64xf32>
    %get3A_67 = arith.constant 0 : index
    %get3A_68 = arith.constant 1 : index
    %get3A_69 = arith.constant 0 : index
    %get3A_70 = vector.load %arg7[%get3A_67, %get3A_68, %get3A_69] : memref<24x58x64xf32, #tpu.memory_space<vmem>>, vector<22x56x64xf32>
    %reshape3A_71 = vector.shape_cast %get3A_70 : vector<22x56x64xf32> to vector<1232x64xf32>
    %get3A_72 = arith.constant 0 : index
    %get3A_73 = arith.constant 2 : index
    %get3A_74 = arith.constant 0 : index
    %get3A_75 = vector.load %arg7[%get3A_72, %get3A_73, %get3A_74] : memref<24x58x64xf32, #tpu.memory_space<vmem>>, vector<22x56x64xf32>
    %reshape3A_76 = vector.shape_cast %get3A_75 : vector<22x56x64xf32> to vector<1232x64xf32>
    %get3A_77 = arith.constant 1 : index
    %get3A_78 = arith.constant 0 : index
    %get3A_79 = arith.constant 0 : index
    %get3A_80 = vector.load %arg7[%get3A_77, %get3A_78, %get3A_79] : memref<24x58x64xf32, #tpu.memory_space<vmem>>, vector<22x56x64xf32>
    %reshape3A_81 = vector.shape_cast %get3A_80 : vector<22x56x64xf32> to vector<1232x64xf32>
    %get3A_82 = arith.constant 1 : index
    %get3A_83 = arith.constant 1 : index
    %get3A_84 = arith.constant 0 : index
    %get3A_85 = vector.load %arg7[%get3A_82, %get3A_83, %get3A_84] : memref<24x58x64xf32, #tpu.memory_space<vmem>>, vector<22x56x64xf32>
    %reshape3A_86 = vector.shape_cast %get3A_85 : vector<22x56x64xf32> to vector<1232x64xf32>
    %get3A_87 = arith.constant 1 : index
    %get3A_88 = arith.constant 2 : index
    %get3A_89 = arith.constant 0 : index
    %get3A_90 = vector.load %arg7[%get3A_87, %get3A_88, %get3A_89] : memref<24x58x64xf32, #tpu.memory_space<vmem>>, vector<22x56x64xf32>
    %reshape3A_91 = vector.shape_cast %get3A_90 : vector<22x56x64xf32> to vector<1232x64xf32>
    %get3A_92 = arith.constant 2 : index
    %get3A_93 = arith.constant 0 : index
    %get3A_94 = arith.constant 0 : index
    %get3A_95 = vector.load %arg7[%get3A_92, %get3A_93, %get3A_94] : memref<24x58x64xf32, #tpu.memory_space<vmem>>, vector<22x56x64xf32>
    %reshape3A_96 = vector.shape_cast %get3A_95 : vector<22x56x64xf32> to vector<1232x64xf32>
    %get3A_97 = arith.constant 2 : index
    %get3A_98 = arith.constant 1 : index
    %get3A_99 = arith.constant 0 : index
    %get3A_100 = vector.load %arg7[%get3A_97, %get3A_98, %get3A_99] : memref<24x58x64xf32, #tpu.memory_space<vmem>>, vector<22x56x64xf32>
    %reshape3A_101 = vector.shape_cast %get3A_100 : vector<22x56x64xf32> to vector<1232x64xf32>
    %get3A_102 = arith.constant 2 : index
    %get3A_103 = arith.constant 2 : index
    %get3A_104 = arith.constant 0 : index
    %get3A_105 = vector.load %arg7[%get3A_102, %get3A_103, %get3A_104] : memref<24x58x64xf32, #tpu.memory_space<vmem>>, vector<22x56x64xf32>
    %reshape3A_106 = vector.shape_cast %get3A_105 : vector<22x56x64xf32> to vector<1232x64xf32>
    %concatenate3A = tpu.concatenate %reshape3A, %reshape3A_71, %reshape3A_76, %reshape3A_81, %reshape3A_86, %reshape3A_91, %reshape3A_96, %reshape3A_101, %reshape3A_106 in 1 : vector<1232x64xf32>, vector<1232x64xf32>, vector<1232x64xf32>, vector<1232x64xf32>, vector<1232x64xf32>, vector<1232x64xf32>, vector<1232x64xf32>, vector<1232x64xf32>, vector<1232x64xf32> -> vector<1232x576xf32>
    %get3A_107 = arith.constant 0 : index
    %get3A_108 = arith.constant 0 : index
    %get3A_109 = arith.constant 0 : index
    %get3A_110 = vector.load %arg3[%get3A_107, %get3A_108, %get3A_109] : memref<4x576x64xf32, #tpu.memory_space<vmem>>, vector<1x576x64xf32>
    %get3A_111 = vector.shape_cast %get3A_110 : vector<1x576x64xf32> to vector<576x64xf32>
    %dot_general3A = arith.constant dense<0.000000e+00> : vector<1232x64xf32>
    %dot_general3A_112 = tpu.matmul %concatenate3A, %get3A_111, %dot_general3A {dimension_numbers = #tpu.dot_dimension_numbers<[1], [0], [0], [1], [0, 0, 1, 1], [], []>, transpose_lhs_hint = false} : vector<1232x576xf32>, vector<576x64xf32>, vector<1232x64xf32> -> vector<1232x64xf32>
    %get3A_113 = arith.constant 0 : index
    %get3A_114 = arith.constant 0 : index
    %get3A_115 = vector.load %arg4[%get3A_113, %get3A_114] : memref<4x64xf32, #tpu.memory_space<vmem>>, vector<1x64xf32>
    %get3A_116 = vector.shape_cast %get3A_115 : vector<1x64xf32> to vector<64xf32>
    %broadcast_in_dim3A_117 = vector.shape_cast %get3A_116 : vector<64xf32> to vector<1x64xf32>
    %add3A = vector.broadcast %broadcast_in_dim3A_117 : vector<1x64xf32> to vector<1232x64xf32>
    %add3A_118 = arith.addf %dot_general3A_112, %add3A : vector<1232x64xf32>
    %max3A = arith.constant 0.000000e+00 : f32
    %max3A_119 = vector.broadcast %max3A : f32 to vector<1232x64xf32>
    %max3A_120 = arith.maximumf %add3A_118, %max3A_119 : vector<1232x64xf32>
    %reshape3A_121 = vector.shape_cast %max3A_120 : vector<1232x64xf32> to vector<22x56x64xf32>
    %swap3A_122 = arith.constant 1 : index
    %swap3A_123 = arith.constant 1 : index
    %swap3A_124 = arith.constant 0 : index
    %swap3A_125 = vector.load %arg8[%swap3A_122, %swap3A_123, %swap3A_124] : memref<24x58x64xf32, #tpu.memory_space<vmem>>, vector<22x56x64xf32>
    tpu.vector_store %arg8[%swap3A_122, %swap3A_123, %swap3A_124], %reshape3A_121 {strides = array<i32>} : memref<24x58x64xf32, #tpu.memory_space<vmem>>, vector<22x56x64xf32>,
    %get3A_126 = arith.constant 0 : index
    %get3A_127 = arith.constant 0 : index
    %get3A_128 = arith.constant 0 : index
    %get3A_129 = vector.load %arg8[%get3A_126, %get3A_127, %get3A_128] : memref<24x58x64xf32, #tpu.memory_space<vmem>>, vector<22x56x64xf32>
    %reshape3A_130 = vector.shape_cast %get3A_129 : vector<22x56x64xf32> to vector<1232x64xf32>
    %get3A_131 = arith.constant 0 : index
    %get3A_132 = arith.constant 1 : index
    %get3A_133 = arith.constant 0 : index
    %get3A_134 = vector.load %arg8[%get3A_131, %get3A_132, %get3A_133] : memref<24x58x64xf32, #tpu.memory_space<vmem>>, vector<22x56x64xf32>
    %reshape3A_135 = vector.shape_cast %get3A_134 : vector<22x56x64xf32> to vector<1232x64xf32>
    %get3A_136 = arith.constant 0 : index
    %get3A_137 = arith.constant 2 : index
    %get3A_138 = arith.constant 0 : index
    %get3A_139 = vector.load %arg8[%get3A_136, %get3A_137, %get3A_138] : memref<24x58x64xf32, #tpu.memory_space<vmem>>, vector<22x56x64xf32>
    %reshape3A_140 = vector.shape_cast %get3A_139 : vector<22x56x64xf32> to vector<1232x64xf32>
    %get3A_141 = arith.constant 1 : index
    %get3A_142 = arith.constant 0 : index
    %get3A_143 = arith.constant 0 : index
    %get3A_144 = vector.load %arg8[%get3A_141, %get3A_142, %get3A_143] : memref<24x58x64xf32, #tpu.memory_space<vmem>>, vector<22x56x64xf32>
    %reshape3A_145 = vector.shape_cast %get3A_144 : vector<22x56x64xf32> to vector<1232x64xf32>
    %get3A_146 = arith.constant 1 : index
    %get3A_147 = arith.constant 1 : index
    %get3A_148 = arith.constant 0 : index
    %get3A_149 = vector.load %arg8[%get3A_146, %get3A_147, %get3A_148] : memref<24x58x64xf32, #tpu.memory_space<vmem>>, vector<22x56x64xf32>
    %reshape3A_150 = vector.shape_cast %get3A_149 : vector<22x56x64xf32> to vector<1232x64xf32>
    %get3A_151 = arith.constant 1 : index
    %get3A_152 = arith.constant 2 : index
    %get3A_153 = arith.constant 0 : index
    %get3A_154 = vector.load %arg8[%get3A_151, %get3A_152, %get3A_153] : memref<24x58x64xf32, #tpu.memory_space<vmem>>, vector<22x56x64xf32>
    %reshape3A_155 = vector.shape_cast %get3A_154 : vector<22x56x64xf32> to vector<1232x64xf32>
    %get3A_156 = arith.constant 2 : index
    %get3A_157 = arith.constant 0 : index
    %get3A_158 = arith.constant 0 : index
    %get3A_159 = vector.load %arg8[%get3A_156, %get3A_157, %get3A_158] : memref<24x58x64xf32, #tpu.memory_space<vmem>>, vector<22x56x64xf32>
    %reshape3A_160 = vector.shape_cast %get3A_159 : vector<22x56x64xf32> to vector<1232x64xf32>
    %get3A_161 = arith.constant 2 : index
    %get3A_162 = arith.constant 1 : index
    %get3A_163 = arith.constant 0 : index
    %get3A_164 = vector.load %arg8[%get3A_161, %get3A_162, %get3A_163] : memref<24x58x64xf32, #tpu.memory_space<vmem>>, vector<22x56x64xf32>
    %reshape3A_165 = vector.shape_cast %get3A_164 : vector<22x56x64xf32> to vector<1232x64xf32>
    %get3A_166 = arith.constant 2 : index
    %get3A_167 = arith.constant 2 : index
    %get3A_168 = arith.constant 0 : index
    %get3A_169 = vector.load %arg8[%get3A_166, %get3A_167, %get3A_168] : memref<24x58x64xf32, #tpu.memory_space<vmem>>, vector<22x56x64xf32>
    %reshape3A_170 = vector.shape_cast %get3A_169 : vector<22x56x64xf32> to vector<1232x64xf32>
    %concatenate3A_171 = tpu.concatenate %reshape3A_130, %reshape3A_135, %reshape3A_140, %reshape3A_145, %reshape3A_150, %reshape3A_155, %reshape3A_160, %reshape3A_165, %reshape3A_170 in 1 : vector<1232x64xf32>, vector<1232x64xf32>, vector<1232x64xf32>, vector<1232x64xf32>, vector<1232x64xf32>, vector<1232x64xf32>, vector<1232x64xf32>, vector<1232x64xf32>, vector<1232x64xf32> -> vector<1232x576xf32>
    %get3A_172 = arith.constant 1 : index
    %get3A_173 = arith.constant 0 : index
    %get3A_174 = arith.constant 0 : index
    %get3A_175 = vector.load %arg3[%get3A_172, %get3A_173, %get3A_174] : memref<4x576x64xf32, #tpu.memory_space<vmem>>, vector<1x576x64xf32>
    %get3A_176 = vector.shape_cast %get3A_175 : vector<1x576x64xf32> to vector<576x64xf32>
    %dot_general3A_177 = arith.constant dense<0.000000e+00> : vector<1232x64xf32>
    %dot_general3A_178 = tpu.matmul %concatenate3A_171, %get3A_176, %dot_general3A_177 {dimension_numbers = #tpu.dot_dimension_numbers<[1], [0], [0], [1], [0, 0, 1, 1], [], []>, transpose_lhs_hint = false} : vector<1232x576xf32>, vector<576x64xf32>, vector<1232x64xf32> -> vector<1232x64xf32>
    %get3A_179 = arith.constant 1 : index
    %get3A_180 = arith.constant 0 : index
    %get3A_181 = vector.load %arg4[%get3A_179, %get3A_180] : memref<4x64xf32, #tpu.memory_space<vmem>>, vector<1x64xf32>
    %get3A_182 = vector.shape_cast %get3A_181 : vector<1x64xf32> to vector<64xf32>
    %broadcast_in_dim3A_183 = vector.shape_cast %get3A_182 : vector<64xf32> to vector<1x64xf32>
    %add3A_184 = vector.broadcast %broadcast_in_dim3A_183 : vector<1x64xf32> to vector<1232x64xf32>
    %add3A_185 = arith.addf %dot_general3A_178, %add3A_184 : vector<1232x64xf32>
    %max3A_186 = arith.constant 0.000000e+00 : f32
    %max3A_187 = vector.broadcast %max3A_186 : f32 to vector<1232x64xf32>
    %max3A_188 = arith.maximumf %add3A_185, %max3A_187 : vector<1232x64xf32>
    %reshape3A_189 = vector.shape_cast %max3A_188 : vector<1232x64xf32> to vector<22x56x64xf32>
    %swap3A_190 = arith.constant 1 : index
    %swap3A_191 = arith.constant 1 : index
    %swap3A_192 = arith.constant 0 : index
    %swap3A_193 = vector.load %arg7[%swap3A_190, %swap3A_191, %swap3A_192] : memref<24x58x64xf32, #tpu.memory_space<vmem>>, vector<22x56x64xf32>
    tpu.vector_store %arg7[%swap3A_190, %swap3A_191, %swap3A_192], %reshape3A_189 {strides = array<i32>} : memref<24x58x64xf32, #tpu.memory_space<vmem>>, vector<22x56x64xf32>,
    %get3A_194 = arith.constant 0 : index
    %get3A_195 = arith.constant 0 : index
    %get3A_196 = arith.constant 0 : index
    %get3A_197 = vector.load %arg7[%get3A_194, %get3A_195, %get3A_196] : memref<24x58x64xf32, #tpu.memory_space<vmem>>, vector<22x56x64xf32>
    %reshape3A_198 = vector.shape_cast %get3A_197 : vector<22x56x64xf32> to vector<1232x64xf32>
    %get3A_199 = arith.constant 0 : index
    %get3A_200 = arith.constant 1 : index
    %get3A_201 = arith.constant 0 : index
    %get3A_202 = vector.load %arg7[%get3A_199, %get3A_200, %get3A_201] : memref<24x58x64xf32, #tpu.memory_space<vmem>>, vector<22x56x64xf32>
    %reshape3A_203 = vector.shape_cast %get3A_202 : vector<22x56x64xf32> to vector<1232x64xf32>
    %get3A_204 = arith.constant 0 : index
    %get3A_205 = arith.constant 2 : index
    %get3A_206 = arith.constant 0 : index
    %get3A_207 = vector.load %arg7[%get3A_204, %get3A_205, %get3A_206] : memref<24x58x64xf32, #tpu.memory_space<vmem>>, vector<22x56x64xf32>
    %reshape3A_208 = vector.shape_cast %get3A_207 : vector<22x56x64xf32> to vector<1232x64xf32>
    %get3A_209 = arith.constant 1 : index
    %get3A_210 = arith.constant 0 : index
    %get3A_211 = arith.constant 0 : index
    %get3A_212 = vector.load %arg7[%get3A_209, %get3A_210, %get3A_211] : memref<24x58x64xf32, #tpu.memory_space<vmem>>, vector<22x56x64xf32>
    %reshape3A_213 = vector.shape_cast %get3A_212 : vector<22x56x64xf32> to vector<1232x64xf32>
    %get3A_214 = arith.constant 1 : index
    %get3A_215 = arith.constant 1 : index
    %get3A_216 = arith.constant 0 : index
    %get3A_217 = vector.load %arg7[%get3A_214, %get3A_215, %get3A_216] : memref<24x58x64xf32, #tpu.memory_space<vmem>>, vector<22x56x64xf32>
    %reshape3A_218 = vector.shape_cast %get3A_217 : vector<22x56x64xf32> to vector<1232x64xf32>
    %get3A_219 = arith.constant 1 : index
    %get3A_220 = arith.constant 2 : index
    %get3A_221 = arith.constant 0 : index
    %get3A_222 = vector.load %arg7[%get3A_219, %get3A_220, %get3A_221] : memref<24x58x64xf32, #tpu.memory_space<vmem>>, vector<22x56x64xf32>
    %reshape3A_223 = vector.shape_cast %get3A_222 : vector<22x56x64xf32> to vector<1232x64xf32>
    %get3A_224 = arith.constant 2 : index
    %get3A_225 = arith.constant 0 : index
    %get3A_226 = arith.constant 0 : index
    %get3A_227 = vector.load %arg7[%get3A_224, %get3A_225, %get3A_226] : memref<24x58x64xf32, #tpu.memory_space<vmem>>, vector<22x56x64xf32>
    %reshape3A_228 = vector.shape_cast %get3A_227 : vector<22x56x64xf32> to vector<1232x64xf32>
    %get3A_229 = arith.constant 2 : index
    %get3A_230 = arith.constant 1 : index
    %get3A_231 = arith.constant 0 : index
    %get3A_232 = vector.load %arg7[%get3A_229, %get3A_230, %get3A_231] : memref<24x58x64xf32, #tpu.memory_space<vmem>>, vector<22x56x64xf32>
    %reshape3A_233 = vector.shape_cast %get3A_232 : vector<22x56x64xf32> to vector<1232x64xf32>
    %get3A_234 = arith.constant 2 : index
    %get3A_235 = arith.constant 2 : index
    %get3A_236 = arith.constant 0 : index
    %get3A_237 = vector.load %arg7[%get3A_234, %get3A_235, %get3A_236] : memref<24x58x64xf32, #tpu.memory_space<vmem>>, vector<22x56x64xf32>
    %reshape3A_238 = vector.shape_cast %get3A_237 : vector<22x56x64xf32> to vector<1232x64xf32>
    %concatenate3A_239 = tpu.concatenate %reshape3A_198, %reshape3A_203, %reshape3A_208, %reshape3A_213, %reshape3A_218, %reshape3A_223, %reshape3A_228, %reshape3A_233, %reshape3A_238 in 1 : vector<1232x64xf32>, vector<1232x64xf32>, vector<1232x64xf32>, vector<1232x64xf32>, vector<1232x64xf32>, vector<1232x64xf32>, vector<1232x64xf32>, vector<1232x64xf32>, vector<1232x64xf32> -> vector<1232x576xf32>
    %get3A_240 = arith.constant 2 : index
    %get3A_241 = arith.constant 0 : index
    %get3A_242 = arith.constant 0 : index
    %get3A_243 = vector.load %arg3[%get3A_240, %get3A_241, %get3A_242] : memref<4x576x64xf32, #tpu.memory_space<vmem>>, vector<1x576x64xf32>
    %get3A_244 = vector.shape_cast %get3A_243 : vector<1x576x64xf32> to vector<576x64xf32>
    %dot_general3A_245 = arith.constant dense<0.000000e+00> : vector<1232x64xf32>
    %dot_general3A_246 = tpu.matmul %concatenate3A_239, %get3A_244, %dot_general3A_245 {dimension_numbers = #tpu.dot_dimension_numbers<[1], [0], [0], [1], [0, 0, 1, 1], [], []>, transpose_lhs_hint = false} : vector<1232x576xf32>, vector<576x64xf32>, vector<1232x64xf32> -> vector<1232x64xf32>
    %get3A_247 = arith.constant 2 : index
    %get3A_248 = arith.constant 0 : index
    %get3A_249 = vector.load %arg4[%get3A_247, %get3A_248] : memref<4x64xf32, #tpu.memory_space<vmem>>, vector<1x64xf32>
    %get3A_250 = vector.shape_cast %get3A_249 : vector<1x64xf32> to vector<64xf32>
    %broadcast_in_dim3A_251 = vector.shape_cast %get3A_250 : vector<64xf32> to vector<1x64xf32>
    %add3A_252 = vector.broadcast %broadcast_in_dim3A_251 : vector<1x64xf32> to vector<1232x64xf32>
    %add3A_253 = arith.addf %dot_general3A_246, %add3A_252 : vector<1232x64xf32>
    %max3A_254 = arith.constant 0.000000e+00 : f32
    %max3A_255 = vector.broadcast %max3A_254 : f32 to vector<1232x64xf32>
    %max3A_256 = arith.maximumf %add3A_253, %max3A_255 : vector<1232x64xf32>
    %get3A_257 = arith.constant 1 : index
    %get3A_258 = arith.constant 1 : index
    %get3A_259 = arith.constant 0 : index
    %get3A_260 = vector.load %arg8[%get3A_257, %get3A_258, %get3A_259] : memref<24x58x64xf32, #tpu.memory_space<vmem>>, vector<22x56x64xf32>
    %reshape3A_261 = vector.shape_cast %get3A_260 : vector<22x56x64xf32> to vector<1232x64xf32>
    %add3A_262 = arith.addf %max3A_256, %reshape3A_261 : vector<1232x64xf32>
    %reshape3A_263 = vector.shape_cast %add3A_262 : vector<1232x64xf32> to vector<22x56x64xf32>
    %swap3A_264 = arith.constant 1 : index
    %swap3A_265 = arith.constant 1 : index
    %swap3A_266 = arith.constant 0 : index
    %swap3A_267 = vector.load %arg7[%swap3A_264, %swap3A_265, %swap3A_266] : memref<24x58x64xf32, #tpu.memory_space<vmem>>, vector<22x56x64xf32>
    tpu.vector_store %arg7[%swap3A_264, %swap3A_265, %swap3A_266], %reshape3A_263 {strides = array<i32>} : memref<24x58x64xf32, #tpu.memory_space<vmem>>, vector<22x56x64xf32>,
    %get3A_268 = arith.constant 0 : index
    %get3A_269 = arith.constant 0 : index
    %get3A_270 = arith.constant 0 : index
    %get3A_271 = vector.load %arg7[%get3A_268, %get3A_269, %get3A_270] : memref<24x58x64xf32, #tpu.memory_space<vmem>>, vector<22x56x64xf32>
    %reshape3A_272 = vector.shape_cast %get3A_271 : vector<22x56x64xf32> to vector<1232x64xf32>
    %get3A_273 = arith.constant 0 : index
    %get3A_274 = arith.constant 1 : index
    %get3A_275 = arith.constant 0 : index
    %get3A_276 = vector.load %arg7[%get3A_273, %get3A_274, %get3A_275] : memref<24x58x64xf32, #tpu.memory_space<vmem>>, vector<22x56x64xf32>
    %reshape3A_277 = vector.shape_cast %get3A_276 : vector<22x56x64xf32> to vector<1232x64xf32>
    %get3A_278 = arith.constant 0 : index
    %get3A_279 = arith.constant 2 : index
    %get3A_280 = arith.constant 0 : index
    %get3A_281 = vector.load %arg7[%get3A_278, %get3A_279, %get3A_280] : memref<24x58x64xf32, #tpu.memory_space<vmem>>, vector<22x56x64xf32>
    %reshape3A_282 = vector.shape_cast %get3A_281 : vector<22x56x64xf32> to vector<1232x64xf32>
    %get3A_283 = arith.constant 1 : index
    %get3A_284 = arith.constant 0 : index
    %get3A_285 = arith.constant 0 : index
    %get3A_286 = vector.load %arg7[%get3A_283, %get3A_284, %get3A_285] : memref<24x58x64xf32, #tpu.memory_space<vmem>>, vector<22x56x64xf32>
    %reshape3A_287 = vector.shape_cast %get3A_286 : vector<22x56x64xf32> to vector<1232x64xf32>
    %get3A_288 = arith.constant 1 : index
    %get3A_289 = arith.constant 1 : index
    %get3A_290 = arith.constant 0 : index
    %get3A_291 = vector.load %arg7[%get3A_288, %get3A_289, %get3A_290] : memref<24x58x64xf32, #tpu.memory_space<vmem>>, vector<22x56x64xf32>
    %reshape3A_292 = vector.shape_cast %get3A_291 : vector<22x56x64xf32> to vector<1232x64xf32>
    %get3A_293 = arith.constant 1 : index
    %get3A_294 = arith.constant 2 : index
    %get3A_295 = arith.constant 0 : index
    %get3A_296 = vector.load %arg7[%get3A_293, %get3A_294, %get3A_295] : memref<24x58x64xf32, #tpu.memory_space<vmem>>, vector<22x56x64xf32>
    %reshape3A_297 = vector.shape_cast %get3A_296 : vector<22x56x64xf32> to vector<1232x64xf32>
    %get3A_298 = arith.constant 2 : index
    %get3A_299 = arith.constant 0 : index
    %get3A_300 = arith.constant 0 : index
    %get3A_301 = vector.load %arg7[%get3A_298, %get3A_299, %get3A_300] : memref<24x58x64xf32, #tpu.memory_space<vmem>>, vector<22x56x64xf32>
    %reshape3A_302 = vector.shape_cast %get3A_301 : vector<22x56x64xf32> to vector<1232x64xf32>
    %get3A_303 = arith.constant 2 : index
    %get3A_304 = arith.constant 1 : index
    %get3A_305 = arith.constant 0 : index
    %get3A_306 = vector.load %arg7[%get3A_303, %get3A_304, %get3A_305] : memref<24x58x64xf32, #tpu.memory_space<vmem>>, vector<22x56x64xf32>
    %reshape3A_307 = vector.shape_cast %get3A_306 : vector<22x56x64xf32> to vector<1232x64xf32>
    %get3A_308 = arith.constant 2 : index
    %get3A_309 = arith.constant 2 : index
    %get3A_310 = arith.constant 0 : index
    %get3A_311 = vector.load %arg7[%get3A_308, %get3A_309, %get3A_310] : memref<24x58x64xf32, #tpu.memory_space<vmem>>, vector<22x56x64xf32>
    %reshape3A_312 = vector.shape_cast %get3A_311 : vector<22x56x64xf32> to vector<1232x64xf32>
    %concatenate3A_313 = tpu.concatenate %reshape3A_272, %reshape3A_277, %reshape3A_282, %reshape3A_287, %reshape3A_292, %reshape3A_297, %reshape3A_302, %reshape3A_307, %reshape3A_312 in 1 : vector<1232x64xf32>, vector<1232x64xf32>, vector<1232x64xf32>, vector<1232x64xf32>, vector<1232x64xf32>, vector<1232x64xf32>, vector<1232x64xf32>, vector<1232x64xf32>, vector<1232x64xf32> -> vector<1232x576xf32>
    %get3A_314 = arith.constant 3 : index
    %get3A_315 = arith.constant 0 : index
    %get3A_316 = arith.constant 0 : index
    %get3A_317 = vector.load %arg3[%get3A_314, %get3A_315, %get3A_316] : memref<4x576x64xf32, #tpu.memory_space<vmem>>, vector<1x576x64xf32>
    %get3A_318 = vector.shape_cast %get3A_317 : vector<1x576x64xf32> to vector<576x64xf32>
    %dot_general3A_319 = arith.constant dense<0.000000e+00> : vector<1232x64xf32>
    %dot_general3A_320 = tpu.matmul %concatenate3A_313, %get3A_318, %dot_general3A_319 {dimension_numbers = #tpu.dot_dimension_numbers<[1], [0], [0], [1], [0, 0, 1, 1], [], []>, transpose_lhs_hint = false} : vector<1232x576xf32>, vector<576x64xf32>, vector<1232x64xf32> -> vector<1232x64xf32>
    %get3A_321 = arith.constant 3 : index
    %get3A_322 = arith.constant 0 : index
    %get3A_323 = vector.load %arg4[%get3A_321, %get3A_322] : memref<4x64xf32, #tpu.memory_space<vmem>>, vector<1x64xf32>
    %get3A_324 = vector.shape_cast %get3A_323 : vector<1x64xf32> to vector<64xf32>
    %broadcast_in_dim3A_325 = vector.shape_cast %get3A_324 : vector<64xf32> to vector<1x64xf32>
    %add3A_326 = vector.broadcast %broadcast_in_dim3A_325 : vector<1x64xf32> to vector<1232x64xf32>
    %add3A_327 = arith.addf %dot_general3A_320, %add3A_326 : vector<1232x64xf32>
    %get3A_328 = arith.constant 0 : index
    %get3A_329 = arith.constant 0 : index
    %get3A_330 = arith.constant 0 : index
    %get3A_331 = vector.load %arg5[%get3A_328, %get3A_329, %get3A_330] : memref<1x1232x1xf32, #tpu.memory_space<vmem>>, vector<1x1232x1xf32>
    %get3A_332 = vector.shape_cast %get3A_331 : vector<1x1232x1xf32> to vector<1232x1xf32>
    %mul3A_333 = vector.broadcast %get3A_332 : vector<1232x1xf32> to vector<1232x64xf32>
    %mul3A_334 = arith.mulf %add3A_327, %mul3A_333 : vector<1232x64xf32>
    %swap3A_335 = arith.constant 0 : index
    %swap3A_336 = arith.constant 0 : index
    %swap3A_337 = arith.constant 0 : index
    %swap3A_338 = vector.load %arg6[%swap3A_335, %swap3A_336, %swap3A_337] : memref<1x1280x64xf32, #tpu.memory_space<vmem>>, vector<1x1232x64xf32>
    %swap3A_339 = vector.shape_cast %swap3A_338 : vector<1x1232x64xf32> to vector<1232x64xf32>
    %swap3A_340 = vector.shape_cast %mul3A_334 : vector<1232x64xf32> to vector<1x1232x64xf32>
    tpu.vector_store %arg6[%swap3A_335, %swap3A_336, %swap3A_337], %swap3A_340 {strides = array<i32>} : memref<1x1280x64xf32, #tpu.memory_space<vmem>>, vector<1x1232x64xf32>,
    %broadcast_in_dim3A_341 = arith.constant 0.000000e+00 : f32
    %broadcast_in_dim3A_342 = vector.broadcast %broadcast_in_dim3A_341 : f32 to vector<48x64xf32>
    %swap3A_343 = arith.constant 0 : index
    %swap3A_344 = arith.constant 1232 : index
    %swap3A_345 = arith.constant 0 : index
    %swap3A_346 = vector.load %arg6[%swap3A_343, %swap3A_344, %swap3A_345] : memref<1x1280x64xf32, #tpu.memory_space<vmem>>, vector<1x48x64xf32>
    %swap3A_347 = vector.shape_cast %swap3A_346 : vector<1x48x64xf32> to vector<48x64xf32>
    %swap3A_348 = vector.shape_cast %broadcast_in_dim3A_342 : vector<48x64xf32> to vector<1x48x64xf32>
    tpu.vector_store %arg6[%swap3A_343, %swap3A_344, %swap3A_345], %swap3A_348 {strides = array<i32>} : memref<1x1280x64xf32, #tpu.memory_space<vmem>>, vector<1x48x64xf32>,
    return
  }
  func.func @transform_0(%arg0: i32) -> (i32, i32, i32) {
    %c0_i32 = arith.constant 0 : i32
    %c0_i32_0 = arith.constant 0 : i32
    %c0_i32_1 = arith.constant 0 : i32
    return %arg0, %c0_i32, %c0_i32_0 : i32, i32, i32
  }
  func.func @transform_1(%arg0: i32) -> (i32, i32, i32) {
    %c0_i32 = arith.constant 0 : i32
    %c0_i32_0 = arith.constant 0 : i32
    %c0_i32_1 = arith.constant 0 : i32
    return %arg0, %c0_i32, %c0_i32_0 : i32, i32, i32
  }
  func.func @transform_2(%arg0: i32) -> (i32, i32, i32) {
    %c0_i32 = arith.constant 0 : i32
    %c0_i32_0 = arith.constant 0 : i32
    %c0_i32_1 = arith.constant 0 : i32
    %c0_i32_2 = arith.constant 0 : i32
    return %c0_i32, %c0_i32_0, %c0_i32_1 : i32, i32, i32
  }
  func.func @transform_3(%arg0: i32) -> (i32, i32) {
    %c0_i32 = arith.constant 0 : i32
    %c0_i32_0 = arith.constant 0 : i32
    %c0_i32_1 = arith.constant 0 : i32
    return %c0_i32, %c0_i32_0 : i32, i32
  }
  func.func @transform_4(%arg0: i32) -> (i32, i32, i32) {
    %c0_i32 = arith.constant 0 : i32
    %c0_i32_0 = arith.constant 0 : i32
    %c0_i32_1 = arith.constant 0 : i32
    return %arg0, %c0_i32, %c0_i32_0 : i32, i32, i32
  }
  func.func @transform_5(%arg0: i32) -> (i32, i32, i32) {
    %c0_i32 = arith.constant 0 : i32
    %c0_i32_0 = arith.constant 0 : i32
    %c0_i32_1 = arith.constant 0 : i32
    return %arg0, %c0_i32, %c0_i32_0 : i32, i32, i32
  }
}

module attributes {stable_mosaic.version = 14 : i64} {
  func.func @_combine_body(%arg0: i32, %arg1: memref<2x1024x64xf32, #tpu.memory_space<vmem>>, %arg2: memref<64x1024xf32, #tpu.memory_space<vmem>>) attributes {dimension_semantics = [#tpu.dimension_semantics<arbitrary>], iteration_bounds = array<i64: 16>, scalar_prefetch = 0 : i64, scratch_operands = 0 : i64, tpu.core_type = #tpu.core_type<tc>, window_params = [{transform_indices = @transform_0, window_bounds = array<i64: 2, 1024, 64>}, {transform_indices = @transform_1, window_bounds = array<i64: 64, 1024>}]} {
    %get3A = arith.constant 0 : index
    %get3A_0 = arith.constant 0 : index
    %get3A_1 = arith.constant 0 : index
    %get3A_2 = vector.load %arg1[%get3A, %get3A_0, %get3A_1] : memref<2x1024x64xf32, #tpu.memory_space<vmem>>, vector<1x1024x64xf32>
    %get3A_3 = vector.shape_cast %get3A_2 : vector<1x1024x64xf32> to vector<1024x64xf32>
    %get3A_4 = arith.constant 1 : index
    %get3A_5 = arith.constant 0 : index
    %get3A_6 = arith.constant 0 : index
    %get3A_7 = vector.load %arg1[%get3A_4, %get3A_5, %get3A_6] : memref<2x1024x64xf32, #tpu.memory_space<vmem>>, vector<1x1024x64xf32>
    %get3A_8 = vector.shape_cast %get3A_7 : vector<1x1024x64xf32> to vector<1024x64xf32>
    %add3A = arith.addf %get3A_3, %get3A_8 : vector<1024x64xf32>
    %transpose3A = tpu.transpose %add3A, [1, 0] : vector<1024x64xf32> -> vector<64x1024xf32>
    %swap3A = arith.constant 0 : index
    %swap3A_9 = arith.constant 0 : index
    %swap3A_10 = vector.load %arg2[%swap3A, %swap3A_9] : memref<64x1024xf32, #tpu.memory_space<vmem>>, vector<64x1024xf32>
    tpu.vector_store %arg2[%swap3A, %swap3A_9], %transpose3A {strides = array<i32>} : memref<64x1024xf32, #tpu.memory_space<vmem>>, vector<64x1024xf32>,
    return
  }
  func.func @transform_0(%arg0: i32) -> (i32, i32, i32) {
    %c0_i32 = arith.constant 0 : i32
    %c0_i32_0 = arith.constant 0 : i32
    %c0_i32_1 = arith.constant 0 : i32
    return %c0_i32, %arg0, %c0_i32_0 : i32, i32, i32
  }
  func.func @transform_1(%arg0: i32) -> (i32, i32) {
    %c0_i32 = arith.constant 0 : i32
    %c0_i32_0 = arith.constant 0 : i32
    return %c0_i32, %arg0 : i32, i32
  }
}

</mosaic_0001>

<sc_bundles>
// kernel: gather_offload_async_start
scs
__scs_entry_jumppad:
0x0: {  	(pc) =	sbr.rel $0x88, $3  }
0x1: {  	(tag) =	ssettag $0x0;
	lr =	simm.s32 $0x1  }
0x2: {  	[smem:$0x3F90] =	sst lr;
	_ =	strace $0xD0000000  }
0x3: {  	_ = 	snop  }
0x4: {  	_ = 	snop  }
0x5: {  	_ = 	snop  }
0x6: {  	_ = 	snop  }
0x7: {  	_ = 	snop  }
__scs_overlays_trampoline_lowered:
0x8: {  	[smem:$0x3F9F] =	sst s0  }
0x9: {  	[smem:$0x3FA0] =	sst s1  }
0xa: {  	[smem:$0x3FA1] =	sst s2  }
0xb: {  	[smem:$0x3FA2] =	sst s3  }
0xc: {  	[smem:$0x3FA3] =	sst s4  }
0xd: {  	[smem:$0x3FA4] =	sst s5  }
0xe: {  	[smem:$0x3FA5] =	sst s6  }
0xf: {  	[smem:$0x3FA6] =	sst s7  }
0x10: {  	[smem:$0x3FA7] =	sst s8  }
0x11: {  	[smem:$0x3FA8] =	sst s9;
	s0 =	simm.s32 @!p0 $0x0  }
0x12: {  	s1 =	sld [smem:$0x3F8E];
	s0 =	simm.s32 @p0 $0x1  }
0x13: {  	[smem:$0x3FA9] =	sst s0;
	s0 =	simm.s32 @!p1 $0x0  }
0x14: {  	s2 =	sld [smem:$0x3F8D];
	s0 =	simm.s32 @p1 $0x1  }
0x15: {  	[smem:$0x3FAA] =	sst s0;
	s0 =	simm.s32 @!p2 $0x0  }
0x16: {  	s3 =	sld [smem:$0x3FDB];
	s0 =	simm.s32 @p2 $0x1  }
0x17: {  	s4 =	simm.s32 $0x1BF5;
	[smem:$0x3FAC] =	sst s0  }
0x18: {  	s0 =	sld [smem:$0x3F8F];
	_ =	swait.ge [sflag:s4], $0x0  }
0x19: {  	s7 =	sld [smem:$0x3F90]  }
0x1a: {  	s8 =	sadd.s32 $0xFFFFE003, lr  }
0x1b: {  	s9 =	sadd.s32 $0xFFFFFEF7, lr;
	s5 =	simm.s32 $0xFFFFFFFF;
	p2 =	slt.u32 s8, $0xFFFFF086  }
0x1c: {  	p1 =	slt.u32 s9, $0xF7A;
	s5 =	simm.s32 @!p2 $0x0  }
0x1d: {  	s5 =	simm.s32 @p1 $0x1;
	p0 =	seq.s32 s7, s2  }
0x1e: {  	s7 =	smul.u32 @!p0 $0xF7A, s2;
	p2 =	seq.s32 @!p0 s5, $0x0  }
0x1f: {  	s9 =	smul.u32 $0xF7A, s1;
	s8 =	simm.s32 @!p0 $0x1BF5;
	p2 =	por !p2, p0  }
0x20: {  	[sflag:s8] =	ssyncset.s32 @!p0 $0xFFFFF086;
	s6 =	sadd.s32 @!p0 s3, s7;
	s7 =	simm.s32 @!p0 $0x108  }
0x21: {  	s3 =	sadd.s32 s3, s9;
	s6 =	sadd.s32 @!p0 $0x88, s6;
	s7 =	simm.s32 @p2 $0x1082  }
0x22: {  	[simem:s7], [sflag:s8] =	dma.local @!p0 [hbm:s6], $0xF7A  }
0x23: {  	s9 =	sor.u32 $0xD0000000, s2;
	s6 =	simm.s32 $0x108;
	_ =	swait.ge @!p0 [sflag:s8], $0x0  }
0x24: {  	s3 =	sadd.s32 $0x88, s3;
	s6 =	simm.s32 @!p1 $0x1082;
	[sflag:s4] =	ssyncset.s32 $0xFFFFF086  }
0x25: {  	[simem:s6], [sflag:s4] =	dma.local [hbm:s3], $0xF7A  }
0x26: {  	[smem:$0x3F90] =	sst s1;
	(tag) =	ssettag s2;
	_ =	strace s9  }
0x27: {  	s1 =	sld [smem:$0x3FA0]  }
0x28: {  	s2 =	sld [smem:$0x3FA1]  }
0x29: {  	s4 =	sld [smem:$0x3FA3]  }
0x2a: {  	p0 =	seq.s32 s5, $0x0;
	s5 =	sld [smem:$0x3FA4]  }
0x2b: {  	s6 =	sld [smem:$0x3FA5]  }
0x2c: {  	s7 =	sld [smem:$0x3FA6]  }
0x2d: {  	s3 =	simm.s32 $0x108;
	s8 =	sld [smem:$0x3FA7]  }
0x2e: {  	s3 =	simm.s32 @!p0 $0x1082;
	s9 =	sld [smem:$0x3FA8]  }
0x2f: {  	lr =	sadd.s32 s0, s3;
	s0 =	sld [smem:$0x3F9F]  }
0x30: {  	s3 =	sld [smem:$0x3FA2]  }
0x31: {  	[smem:$0x3FAB] =	sst s10  }
0x32: {  	s10 =	sld [smem:$0x3FA9];
	_ =	sdelay $0x3  }
0x33: {  	p0 =	seq.s32 s10, $0x1;
	s10 =	sld [smem:$0x3FAB];
	_ =	sdelay $0x3  }
0x34: {  	[smem:$0x3FAB] =	sst s10  }
0x35: {  	s10 =	sld [smem:$0x3FAA];
	_ =	sdelay $0x3  }
0x36: {  	p1 =	seq.s32 s10, $0x1;
	s10 =	sld [smem:$0x3FAB];
	_ =	sdelay $0x3  }
0x37: {  	[smem:$0x3FAB] =	sst s10  }
0x38: {  	s10 =	sld [smem:$0x3FAC]  }
0x39: {  	_ = 	snop;
	(pc) =	sbr.ind lr, $3  }
0x3a: {  	_ = 	snop  }
0x3b: {  	_ = 	snop  }
0x3c: {  	p2 =	seq.s32 s10, $0x1;
	s10 =	sld [smem:$0x3FAB]  }
0x3d: {  	_ =	shalt  }
0x3e: {  	_ =	shalt  }
0x3f: {  	_ =	shalt  }
0x40: {  	_ =	shalt  }
0x41: {  	_ =	shalt  }
0x42: {  	_ =	shalt  }
0x43: {  	_ =	shalt  }
0x44: {  	_ =	shalt  }
0x45: {  	_ =	shalt  }
0x46: {  	_ =	shalt  }
0x47: {  	_ =	shalt  }
0x48: {  	_ =	shalt  }
0x49: {  	_ =	shalt  }
0x4a: {  	_ =	shalt  }
0x4b: {  	_ =	shalt  }
0x4c: {  	_ =	shalt  }
0x4d: {  	_ =	shalt  }
0x4e: {  	_ =	shalt  }
0x4f: {  	_ =	shalt  }
0x50: {  	_ =	shalt  }
0x51: {  	_ =	shalt  }
0x52: {  	_ =	shalt  }
0x53: {  	_ =	shalt  }
0x54: {  	_ =	shalt  }
0x55: {  	_ =	shalt  }
0x56: {  	_ =	shalt  }
0x57: {  	_ =	shalt  }
0x58: {  	_ =	shalt  }
0x59: {  	_ =	shalt  }
0x5a: {  	_ =	shalt  }
0x5b: {  	_ =	shalt  }
0x5c: {  	_ =	shalt  }
0x5d: {  	_ =	shalt  }
0x5e: {  	_ =	shalt  }
0x5f: {  	_ =	shalt  }
0x60: {  	_ =	shalt  }
0x61: {  	_ =	shalt  }
0x62: {  	_ =	shalt  }
0x63: {  	_ =	shalt  }
0x64: {  	_ =	shalt  }
0x65: {  	_ =	shalt  }
0x66: {  	_ =	shalt  }
0x67: {  	_ =	shalt  }
0x68: {  	_ =	shalt  }
0x69: {  	_ =	shalt  }
0x6a: {  	_ =	shalt  }
0x6b: {  	_ =	shalt  }
0x6c: {  	_ =	shalt  }
0x6d: {  	_ =	shalt  }
0x6e: {  	_ =	shalt  }
0x6f: {  	_ =	shalt  }
0x70: {  	_ =	shalt  }
0x71: {  	_ =	shalt  }
0x72: {  	_ =	shalt  }
0x73: {  	_ =	shalt  }
0x74: {  	_ =	shalt  }
0x75: {  	_ =	shalt  }
0x76: {  	_ =	shalt  }
0x77: {  	_ =	shalt  }
0x78: {  	_ =	shalt  }
0x79: {  	_ =	shalt  }
0x7a: {  	_ =	shalt  }
0x7b: {  	_ =	shalt  }
0x7c: {  	_ =	shalt  }
0x7d: {  	_ =	shalt  }
0x7e: {  	_ =	shalt  }
0x7f: {  	_ =	shalt  }
0x80: {  	_ =	shalt  }
0x81: {  	_ =	shalt  }
0x82: {  	_ =	shalt  }
0x83: {  	_ =	shalt  }
0x84: {  	_ =	shalt  }
0x85: {  	_ =	shalt  }
0x86: {  	_ =	shalt  }
0x87: {  	_ =	shalt  }
.Lfunc_end0:
.L_simem_size_0:
called_computation_lowered:
.L_overlay_start_0:
0x88: {  	s2 =	sld [smem:$0x3FD9]  }
0x89: {  	s3 =	sld [smem:$0x3FFE];
	_ =	sdelay $0x1  }
0x8a: {  	s1 =	srdreg.scid  }
0x8b: {  	s0 =	sand.u32 $0x1, s1  }
0x8c: {  	s17 =	sshll.u32 s0, $0xA;
	s2 =	sadd.s32 s3, s2  }
0x8d: {  	s2 =	sadd.s32 s2, s17  }
0x8e: {  	[smem:$0x3FB7] =	sst s2  }
0x8f: {  	_ = 	snop  }
0x90: {  	s2 =	sld [smem:$0x3FD0];
	(tm) =	ssettm $0x1  }
0x91: {  	s18 =	sld [smem:$0x3FFB];
	_ =	sdelay $0x3  }
0x92: {  	_ =	strace s18  }
0x93: {  	s3 =	sld [smem:$0x3FFC];
	_ =	sdelay $0x3  }
0x94: {  	_ =	strace s3  }
0x95: {  	s3 =	sld [smem:$0x3FFD];
	_ =	sdelay $0x3  }
0x96: {  	_ =	strace s3  }
0x97: {  	_ =	strace $0x8FFFFFFF  }
0x98: {  	s19 =	sld [smem:$0x3FDB];
	_ =	sdelay $0x1  }
0x99: {  	s4 =	simm.s32 $_scs_section_size  }
0x9a: {  	s5 =	simm.s32 $_size__tile_overlayer_lowered;
	s6 =	simm.s32 $_tile_overlayer_lowered  }
0x9b: {  	s22 =	simm.s32 $0x1BFF;
	s21 =	sshll.u32 s6, $0x1;
	s3 =	sadd.s32 s4, s19  }
0x9c: {  	s7 =	simm.s32 $0x0;
	s20 =	sshll.u32 s5, $0x1;
	s5 =	sadd.s32 s21, s3  }
0x9d: {  	[timem:s7], [sflag:s22] =	dma.local [hbm:s5], s20  }
0x9e: {  	_ =	swait.ge [sflag:s22], s20  }
0x9f: {  	s4 =	ssub.s32 $0x0, s20;
	[sflag:s22] =	ssyncset.done $0x0  }
0xa0: {  	[sflag:s22] =	ssyncadd.s32 s4;
	_ =	sdelay $0x1  }
0xa1: {  	s23 =	simm.s32 $0x1B8B  }
0xa2: {  	_ =	swait.ge [sflag:s23], $0x1  }
0xa3: {  	[sflag:s23] =	ssyncset.done $0x0  }
0xa4: {  	s25 =	simm.s32 $0x1B8E;
	s24 =	sld [smem:$0x3FFE];
	[sflag:s23] =	ssyncadd.s32 $0xFFFFFFFF  }
0xa5: {  	s26 =	simm.s32 $execute0_lowered;
	[smem:$0x3FD2] =	sst s25  }
0xa6: {  	s5 =	sshll.u32 s26, $0x1;
	_ =	strace $0x80000046;
	[dreg:$0x1] =	wrdreg $0xFFFFFFFF  }
0xa7: {  	s28 =	simm.s32 $_size_execute0_lowered;
	s3 =	sadd.s32 s3, s5;
	[dreg:$0x0] =	wrdreg $0x0  }
0xa8: {  	s5 =	sshll.u32 s28, $0x1;
	[dreg:$0x2] =	wrdreg s3  }
0xa9: {  	[dreg:$0x3] =	wrdreg s5  }
0xaa: {  	[dreg:$0x4] =	wrdreg $0xC0  }
0xab: {  	_ =	task [dreg:s7], $0x5FFFF  }
0xac: {  	[dreg:$0x1] =	wrdreg $0xFFFFFFFF  }
0xad: {  	[dreg:$0x0] =	wrdreg $0x60  }
0xae: {  	[dreg:$0x2] =	wrdreg s24  }
0xaf: {  	[dreg:$0x3] =	wrdreg s2  }
0xb0: {  	[dreg:$0x4] =	wrdreg $0x9  }
0xb1: {  	_ =	task.clear_ibuf [dreg:s7], $0x5FFFF;
	_ =	strace $0x90000046  }
0xb2: {  	s29 =	simm.s32 $0x9;
	_ =	strace $0x80000048  }
0xb3: {  	_ =	swait.ge [sflag:s29], $0x1  }
0xb4: {  	[sflag:s29] =	ssyncadd.s32 $0xFFFFFFFF  }
0xb5: {  	_ =	strace $0x90000048  }
0xb6: {  	_ =	sfence  }
0xb7: {  	s30 =	sld [smem:$0x0];
	_ =	sdelay $0x2  }
0xb8: {  	s31 =	sshll.u32 s1, $0xD;
	s1 =	sshrl.u32 s1, $0x2  }
0xb9: {  	s3 =	sand.u32 $0x4000, s31;
	s1 =	sadd.s32 s1, s30  }
0xba: {  	s0 =	sor.u32 s3, s0;
	s1 =	sshll.u32 s1, $0x11  }
0xbb: {  	s0 =	sor.u32 s1, s0  }
0xbc: {  	s0 =	sadd.s32 $0x8F2B, s0  }
0xbd: {  	[sflag:s0] =	ssyncadd.remote.s32 $0x1  }
0xbe: {  	_ =	sfence.sel $0xFFFF  }
0xbf: {  	[dreg:$0x0] =	wrdreg $0xFFFFFFFF;
	(pc) =	sbr.abs _section_cstart, $3  }
0xc0: {  	[dreg:$0x1] =	wrdreg $0xFFFFFFFF  }
0xc1: {  	_ =	task.clear_ibuf [dreg:s7], $0x2FFFF;
	_ =	strace $0x9FFFFFFF  }
0xc2: {  	(tm) =	ssettm $0x7FFFFFFF  }
0xc3: {  	_ =	shalt  }
tec
execute0_lowered:
.L_overlay_start_1:
0x0: {  	(tag) =	ssettag $0x1  }
0x1: {  	s8 =	rddreg [dreg:$0x0];
	s0 =	stileid.u32  }
0x2: {  	s1 =	srdreg.scid;
	s2 =	rddreg [dreg:$0x1]  }
0x3: {  	s5 =	simm.s32 $0x1;
	s9 =	simm.s32 $0x1;
	s10 =	simm.s32 $0x3  }
0x4: {  	s13 =	simm.s32 $0x0;
	s3 =	sand.u32 $0x1, s1;
	s4 =	sshll.u32 s0, $0x1  }
0x5: {  	s12 =	simm.s32 $0x0;
	s1 =	rddreg [dreg:$0x2];
	s6 =	sor.u32 s4, s3  }
0x6: {  	_ =	strace $0x80000047;
	s3 =	sadd.s32 $0xEA000, s8;
	s4 =	smul.u32 $0x600, s6  }
0x7: {  	[sflag:s5] =	ssyncpa.u1 $0x0;
	p0 =	slt.u32 s6, $0x9;
	s6 =	simm.s32 $0xC000  }
.Ltmp0:
0x8: {  	s6 =	simm.s32 @!p0 $0x0;
	s7 =	ssub.s32 $0xF000, s4;
	(pc) =	sbr.rel .LBB2_1-.Ltmp0, $4  }
0x9: {  	s9 =	simm.s32 @!p0 $0x0;
	p0 =	sne.s32 s7, s6;
	s7 =	simm.s32 $0x1  }
0xa: {  	s8 =	sadd.s32 $0x3000, s8;
	s6 =	simm.s32 $0x2;
	s7 =	simm.s32 @!p0 $0x0  }
0xb: {  	s11 =	smov.u32 s4;
	[sflag:s6] =	ssyncpa.u1 $0x0;
	s7 =	sadd.s32 s9, s7  }
0xc: {  	vm0 =	vmmov $0xffff;
	[sflag:s10] =	ssyncpa.u1 $0x0;
	s10 =	simm.s32 $0x0;
	s9 =	sadd.s32 $0x1, s7  }
.LBB2_4:
0xd: {  	v2 =	vnsel vm1, $0x0, v2  }
0xe: {  	vm1 =	vgt.s32 v0, $0x0;
	v2 =	vmin.u32 v2, $0xE6FF  }
0xf: {  	v0 =	vnsel vm1, $0x0, v0  }
0x10: {  	v0 =	vmin.u32 v0, $0xE6FF  }
0x11: {  	[tilespmem:s18], [sflag:$0x1] =	stream.indirect_vreg.gather [hbm4b:s3+s10], $0x1, v1, vm0, $0x4038;
	[tilespmem:$0x1800] =	vst v63  }
0x12: {  	(ifvalue) =	ssetifvalue $0x7FFFFFFF  }
0x13: {  	[tilespmem:s15], [sflag:$0x1] =	stream.indirect_vreg.gather [hbm4b:s3+s10], $0x1, v2, vm0, $0x4038;
	[tilespmem:$0x1800] =	vst v63  }
0x14: {  	s29 =	sadd.s32 $0x10, s15;
	(ifvalue) =	ssetifvalue $0x7FFFFFFF  }
0x15: {  	[tilespmem:s29], [sflag:$0x1] =	stream.indirect_vreg.gather [hbm4b:s3+s10], $0x1, v0, vm0, $0x4038;
	[tilespmem:$0x1800] =	vst v63  }
0x16: {  	_ =	swait.ge [sflag:s5], $0x600  }
0x17: {  	s30 =	sshrl.u32 s13, $0x3;
	[sflag:s5] =	ssyncset.done $0x0  }
0x18: {  	s31 =	sand.u32 $0x7, s13;
	s15 =	sadd.s32 s8, s30;
	[sflag:s5] =	ssyncadd.s32 $0xFFFFFA00  }
0x19: {  	[hbm4b:s15+s31] =	stream.linear.scatter [tilespmem:s14], [sflag:$0x3], $0x600, $0x38;
	[tilespmem:$0x1800] =	vst v63  }
.LBB2_5:
0x1a: {  	s15 =	sadd.s32 $0xC000, s11  }
0x1b: {  	p1 =	sgt.s32 s15, $0xEFFF  }
0x1c: {  	s15 =	smov.u32 @p1 s4;
	p1 =	sne.s32 s12, s9  }
.Ltmp1:
0x1d: {  	p0 =	slt.u32 s12, $0x2;
	(pc) =	sbr.rel @!p1 .LBB2_6-.Ltmp1, $4  }
0x1e: {  	s14 =	simm.s32 @!p0 $0x3  }
0x1f: {  	_ =	swait.ge @!p0 [sflag:s14], $0x600  }
0x20: {  	s16 =	sadd.s32 $0x1, s12;
	s13 =	smov.u32 s11;
	[sflag:s14] =	ssyncset.done @!p0 $0x0  }
0x21: {  	s12 =	smov.u32 s16;
	s11 =	smov.u32 s15;
	[sflag:s14] =	ssyncadd.s32 @!p0 $0xFFFFFA00  }
.LBB2_1:
0x22: {  	p0 =	sge.u32 s12, s7  }
0x23: {  	s14 =	sxor.u32 @!p0 $0x1, s12  }
0x24: {  	s14 =	smul.u32 @!p0 $0x1800, s14  }
0x25: {  	s31 =	sadd.s32 $0xFFFFFFFF, s12;
	s15 =	sshrl.u32 @!p0 s11, $0x3  }
0x26: {  	s16 =	sand.u32 @!p0 $0x7, s11;
	s15 =	sadd.s32 @!p0 s2, s15;
	s14 =	sshra.s32 @!p0 s14, $0x2  }
0x27: {  	[tilespmem:s14], [sflag:$0x2] =	stream.linear.gather @!p0 [hbm4b:s15+s16], $0x600, $0x38;
	[tilespmem:$0x1800] =	vst v63  }
0x28: {  	p0 =	sge.u32 s31, s7  }
.Ltmp2:
0x29: {  	_ = 	snop;
	(pc) =	sbr.rel @p0 .LBB2_5-.Ltmp2, $1  }
0x2a: {  	_ =	sdelay $0x3  }
0x2b: {  	s14 =	sand.u32 $0x1, s12  }
0x2c: {  	_ =	swait.ge [sflag:s6], $0x600;
	p0 =	seq.s32 s14, $0x1;
	s14 =	simm.s32 $0x600  }
0x2d: {  	[sflag:s6] =	ssyncset.done $0x0;
	s14 =	simm.s32 @!p0 $0x0  }
0x2e: {  	[sflag:s6] =	ssyncadd.s32 $0xFFFFFA00;
	(ifvalue) =	ssetifvalue $0x7FFFFFFF;
	v0 =	vld.msk [tilespmem:s14+$0x0 ss:$0x1], $0xffff;
	_ =	sdelay $0x4  }
0x2f: {  	s15 =	sadd.s32 $0x10, s14;
	vm1 =	vgt.s32 v0, $0x0  }
0x30: {  	v2 =	vld.msk [tilespmem:s15+$0x0 ss:$0x1], $0xffff;
	v1 =	vnsel vm1, $0x0, v0  }
0x31: {  	v1 =	vmin.u32 v1, $0xE6FF;
	_ =	sdelay $0x2  }
0x32: {  	s17 =	simm.s32 $0x20;
	s14 =	sadd.s32 $0xC00, s14;
	s16 =	sadd.s32 $0x10, s15  }
0x33: {  	s15 =	sadd.s32 $0x10, s14;
	s18 =	smov.u32 s14;
	v0 =	vld.msk [tilespmem:s16+$0x0 ss:$0x1], $0xffff;
	vm1 =	vgt.s32 v2, $0x0;
	(ifvalue) =	ssetifvalue $0x7FFFFFFF  }
.LBB2_3:
0x34: {  	[tilespmem:s18], [sflag:$0x1] =	stream.indirect_vreg.gather [hbm4b:s3+s10], $0x1, v1, vm0, $0x4038;
	[tilespmem:$0x1800] =	vst v63  }
0x35: {  	s17 =	sadd.s32 $0x10, s17  }
0x36: {  	v2 =	vnsel vm1, $0x0, v2;
	p0 =	slt.u32 s17, $0x5F0  }
.Ltmp3:
0x37: {  	s18 =	smov.u32 s15;
	v1 =	vmin.u32 v2, $0xE6FF;
	(pc) =	sbr.rel @p0 .LBB2_3-.Ltmp3, $3  }
0x38: {  	_ =	sdelay $0x1  }
0x39: {  	s16 =	sadd.s32 $0x10, s16  }
0x3a: {  	vm1 =	vgt.s32 v0, $0x0;
	s15 =	sadd.s32 $0x10, s15;
	v2 =	vmov v0;
	(ifvalue) =	ssetifvalue $0x7FFFFFFF;
	v0 =	vld.msk [tilespmem:s16+$0x0 ss:$0x1], $0xffff  }
.Ltmp4:
0x3b: {  	_ = 	snop;
	(pc) =	sbr.rel .LBB2_4-.Ltmp4, $1  }
0x3c: {  	_ =	sdelay $0x3  }
.LBB2_6:
0x3d: {  	_ =	sfence.sel $0x180000  }
0x3e: {  	s2 =	simm.s32 $0x2;
	[bflag:$0x0] =	sbarrier.arrive $0xFFFF  }
0x3f: {  	s30 =	simm.s32 $0x3;
	[sflag:s2] =	ssyncpa.u1 $0x1  }
0x40: {  	s31 =	simm.s32 $0x1;
	[sflag:s30] =	ssyncpa.u1 $0x1  }
0x41: {  	[sflag:s31] =	ssyncpa.u1 $0x1  }
0x42: {  	p0 =	sne.s32 s0, $0x0;
	_ =	strace $0x90000047  }
0x43: {  	s0 =	sadd.s32 @!p0 $0x100000, s1;
	[bflag:$0x2] =	sbarrier.arrive $0xFFFF  }
0x44: {  	[sflag:s0] =	ssyncadd.tile.s32 @!p0 $0x1;
	_ =	shalt  }
.Lfunc_end2:
_tile_overlayer_lowered:
.L_overlay_start_2:
0x45: {  	(tag) =	ssettag $0x2  }
0x46: {  	s0 =	rddreg [dreg:$0x0];
	s2 =	stileid.u32  }
0x47: {  	s1 =	rddreg [dreg:$0x1];
	p0 =	sne.s32 s2, $0x0  }
0x48: {  	s3 =	rddreg [dreg:$0x2];
	[bflag:$0x3] =	sbarrier.arrive $0xFFFF;
	s2 =	simm.s32 @!p0 $0x1C01  }
0x49: {  	[timem:s3], [sflag:s2] =	dma.local @!p0 [hbm:s0], s1  }
0x4a: {  	s0 =	simm.s32 @!p0 $0x1  }
0x4b: {  	_ =	swait.ge @!p0 [sflag:s0], s1  }
0x4c: {  	s1 =	ssub.s32 @!p0 $0x0, s1;
	[sflag:s0] =	ssyncset.done @!p0 $0x0  }
0x4d: {  	[sflag:s0] =	ssyncadd.s32 @!p0 s1  }
0x4e: {  	[bflag:$0x3] =	sbarrier.arrive $0xFFFF  }
0x4f: {  	_ =	shalt  }

// kernel: kernel.5.cloned.1.call-start
scs
__scs_entry_jumppad:
0x0: {  	(pc) =	sbr.rel $0x88, $3  }
0x1: {  	(tag) =	ssettag $0x0;
	lr =	simm.s32 $0x1  }
0x2: {  	[smem:$0x3F90] =	sst lr;
	_ =	strace $0xD0000000  }
0x3: {  	_ = 	snop  }
0x4: {  	_ = 	snop  }
0x5: {  	_ = 	snop  }
0x6: {  	_ = 	snop  }
0x7: {  	_ = 	snop  }
__scs_overlays_trampoline_lowered:
0x8: {  	[smem:$0x3F9F] =	sst s0  }
0x9: {  	[smem:$0x3FA0] =	sst s1  }
0xa: {  	[smem:$0x3FA1] =	sst s2  }
0xb: {  	[smem:$0x3FA2] =	sst s3  }
0xc: {  	[smem:$0x3FA3] =	sst s4  }
0xd: {  	[smem:$0x3FA4] =	sst s5  }
0xe: {  	[smem:$0x3FA5] =	sst s6  }
0xf: {  	[smem:$0x3FA6] =	sst s7  }
0x10: {  	[smem:$0x3FA7] =	sst s8  }
0x11: {  	[smem:$0x3FA8] =	sst s9;
	s0 =	simm.s32 @!p0 $0x0  }
0x12: {  	s1 =	sld [smem:$0x3F8E];
	s0 =	simm.s32 @p0 $0x1  }
0x13: {  	[smem:$0x3FA9] =	sst s0;
	s0 =	simm.s32 @!p1 $0x0  }
0x14: {  	s2 =	sld [smem:$0x3F8D];
	s0 =	simm.s32 @p1 $0x1  }
0x15: {  	[smem:$0x3FAA] =	sst s0;
	s0 =	simm.s32 @!p2 $0x0  }
0x16: {  	s3 =	sld [smem:$0x3FDB];
	s0 =	simm.s32 @p2 $0x1  }
0x17: {  	s4 =	simm.s32 $0x1BF5;
	[smem:$0x3FAC] =	sst s0  }
0x18: {  	s0 =	sld [smem:$0x3F8F];
	_ =	swait.ge [sflag:s4], $0x0  }
0x19: {  	s7 =	sld [smem:$0x3F90]  }
0x1a: {  	s8 =	sadd.s32 $0xFFFFE003, lr  }
0x1b: {  	s9 =	sadd.s32 $0xFFFFFEF7, lr;
	s5 =	simm.s32 $0xFFFFFFFF;
	p2 =	slt.u32 s8, $0xFFFFF086  }
0x1c: {  	p1 =	slt.u32 s9, $0xF7A;
	s5 =	simm.s32 @!p2 $0x0  }
0x1d: {  	s5 =	simm.s32 @p1 $0x1;
	p0 =	seq.s32 s7, s2  }
0x1e: {  	s7 =	smul.u32 @!p0 $0xF7A, s2;
	p2 =	seq.s32 @!p0 s5, $0x0  }
0x1f: {  	s9 =	smul.u32 $0xF7A, s1;
	s8 =	simm.s32 @!p0 $0x1BF5;
	p2 =	por !p2, p0  }
0x20: {  	[sflag:s8] =	ssyncset.s32 @!p0 $0xFFFFF086;
	s6 =	sadd.s32 @!p0 s3, s7;
	s7 =	simm.s32 @!p0 $0x108  }
0x21: {  	s3 =	sadd.s32 s3, s9;
	s6 =	sadd.s32 @!p0 $0x88, s6;
	s7 =	simm.s32 @p2 $0x1082  }
0x22: {  	[simem:s7], [sflag:s8] =	dma.local @!p0 [hbm:s6], $0xF7A  }
0x23: {  	s9 =	sor.u32 $0xD0000000, s2;
	s6 =	simm.s32 $0x108;
	_ =	swait.ge @!p0 [sflag:s8], $0x0  }
0x24: {  	s3 =	sadd.s32 $0x88, s3;
	s6 =	simm.s32 @!p1 $0x1082;
	[sflag:s4] =	ssyncset.s32 $0xFFFFF086  }
0x25: {  	[simem:s6], [sflag:s4] =	dma.local [hbm:s3], $0xF7A  }
0x26: {  	[smem:$0x3F90] =	sst s1;
	(tag) =	ssettag s2;
	_ =	strace s9  }
0x27: {  	s1 =	sld [smem:$0x3FA0]  }
0x28: {  	s2 =	sld [smem:$0x3FA1]  }
0x29: {  	s4 =	sld [smem:$0x3FA3]  }
0x2a: {  	p0 =	seq.s32 s5, $0x0;
	s5 =	sld [smem:$0x3FA4]  }
0x2b: {  	s6 =	sld [smem:$0x3FA5]  }
0x2c: {  	s7 =	sld [smem:$0x3FA6]  }
0x2d: {  	s3 =	simm.s32 $0x108;
	s8 =	sld [smem:$0x3FA7]  }
0x2e: {  	s3 =	simm.s32 @!p0 $0x1082;
	s9 =	sld [smem:$0x3FA8]  }
0x2f: {  	lr =	sadd.s32 s0, s3;
	s0 =	sld [smem:$0x3F9F]  }
0x30: {  	s3 =	sld [smem:$0x3FA2]  }
0x31: {  	[smem:$0x3FAB] =	sst s10  }
0x32: {  	s10 =	sld [smem:$0x3FA9];
	_ =	sdelay $0x3  }
0x33: {  	p0 =	seq.s32 s10, $0x1;
	s10 =	sld [smem:$0x3FAB];
	_ =	sdelay $0x3  }
0x34: {  	[smem:$0x3FAB] =	sst s10  }
0x35: {  	s10 =	sld [smem:$0x3FAA];
	_ =	sdelay $0x3  }
0x36: {  	p1 =	seq.s32 s10, $0x1;
	s10 =	sld [smem:$0x3FAB];
	_ =	sdelay $0x3  }
0x37: {  	[smem:$0x3FAB] =	sst s10  }
0x38: {  	s10 =	sld [smem:$0x3FAC]  }
0x39: {  	_ = 	snop;
	(pc) =	sbr.ind lr, $3  }
0x3a: {  	_ = 	snop  }
0x3b: {  	_ = 	snop  }
0x3c: {  	p2 =	seq.s32 s10, $0x1;
	s10 =	sld [smem:$0x3FAB]  }
0x3d: {  	_ =	shalt  }
0x3e: {  	_ =	shalt  }
0x3f: {  	_ =	shalt  }
0x40: {  	_ =	shalt  }
0x41: {  	_ =	shalt  }
0x42: {  	_ =	shalt  }
0x43: {  	_ =	shalt  }
0x44: {  	_ =	shalt  }
0x45: {  	_ =	shalt  }
0x46: {  	_ =	shalt  }
0x47: {  	_ =	shalt  }
0x48: {  	_ =	shalt  }
0x49: {  	_ =	shalt  }
0x4a: {  	_ =	shalt  }
0x4b: {  	_ =	shalt  }
0x4c: {  	_ =	shalt  }
0x4d: {  	_ =	shalt  }
0x4e: {  	_ =	shalt  }
0x4f: {  	_ =	shalt  }
0x50: {  	_ =	shalt  }
0x51: {  	_ =	shalt  }
0x52: {  	_ =	shalt  }
0x53: {  	_ =	shalt  }
0x54: {  	_ =	shalt  }
0x55: {  	_ =	shalt  }
0x56: {  	_ =	shalt  }
0x57: {  	_ =	shalt  }
0x58: {  	_ =	shalt  }
0x59: {  	_ =	shalt  }
0x5a: {  	_ =	shalt  }
0x5b: {  	_ =	shalt  }
0x5c: {  	_ =	shalt  }
0x5d: {  	_ =	shalt  }
0x5e: {  	_ =	shalt  }
0x5f: {  	_ =	shalt  }
0x60: {  	_ =	shalt  }
0x61: {  	_ =	shalt  }
0x62: {  	_ =	shalt  }
0x63: {  	_ =	shalt  }
0x64: {  	_ =	shalt  }
0x65: {  	_ =	shalt  }
0x66: {  	_ =	shalt  }
0x67: {  	_ =	shalt  }
0x68: {  	_ =	shalt  }
0x69: {  	_ =	shalt  }
0x6a: {  	_ =	shalt  }
0x6b: {  	_ =	shalt  }
0x6c: {  	_ =	shalt  }
0x6d: {  	_ =	shalt  }
0x6e: {  	_ =	shalt  }
0x6f: {  	_ =	shalt  }
0x70: {  	_ =	shalt  }
0x71: {  	_ =	shalt  }
0x72: {  	_ =	shalt  }
0x73: {  	_ =	shalt  }
0x74: {  	_ =	shalt  }
0x75: {  	_ =	shalt  }
0x76: {  	_ =	shalt  }
0x77: {  	_ =	shalt  }
0x78: {  	_ =	shalt  }
0x79: {  	_ =	shalt  }
0x7a: {  	_ =	shalt  }
0x7b: {  	_ =	shalt  }
0x7c: {  	_ =	shalt  }
0x7d: {  	_ =	shalt  }
0x7e: {  	_ =	shalt  }
0x7f: {  	_ =	shalt  }
0x80: {  	_ =	shalt  }
0x81: {  	_ =	shalt  }
0x82: {  	_ =	shalt  }
0x83: {  	_ =	shalt  }
0x84: {  	_ =	shalt  }
0x85: {  	_ =	shalt  }
0x86: {  	_ =	shalt  }
0x87: {  	_ =	shalt  }
.Lfunc_end0:
.L_simem_size_0:
called_computation.1_lowered:
.L_overlay_start_0:
0x88: {  	s2 =	sld [smem:$0x3FD9]  }
0x89: {  	s3 =	sld [smem:$0x3FFE];
	_ =	sdelay $0x1  }
0x8a: {  	s1 =	srdreg.scid  }
0x8b: {  	s0 =	sand.u32 $0x1, s1  }
0x8c: {  	s17 =	sshll.u32 s0, $0xA;
	s2 =	sadd.s32 s3, s2  }
0x8d: {  	s2 =	sadd.s32 s2, s17  }
0x8e: {  	[smem:$0x3FB7] =	sst s2  }
0x8f: {  	_ = 	snop  }
0x90: {  	s2 =	sld [smem:$0x3FD0];
	(tm) =	ssettm $0x1  }
0x91: {  	s18 =	sld [smem:$0x3FFB];
	_ =	sdelay $0x3  }
0x92: {  	_ =	strace s18  }
0x93: {  	s3 =	sld [smem:$0x3FFC];
	_ =	sdelay $0x3  }
0x94: {  	_ =	strace s3  }
0x95: {  	s3 =	sld [smem:$0x3FFD];
	_ =	sdelay $0x3  }
0x96: {  	_ =	strace s3  }
0x97: {  	_ =	strace $0x8FFFFFFF  }
0x98: {  	s19 =	sld [smem:$0x3FDB];
	_ =	sdelay $0x1  }
0x99: {  	s4 =	simm.s32 $_scs_section_size  }
0x9a: {  	s5 =	simm.s32 $_size__tile_overlayer_lowered;
	s6 =	simm.s32 $_tile_overlayer_lowered  }
0x9b: {  	s22 =	simm.s32 $0x1BFF;
	s21 =	sshll.u32 s6, $0x1;
	s3 =	sadd.s32 s4, s19  }
0x9c: {  	s7 =	simm.s32 $0x0;
	s20 =	sshll.u32 s5, $0x1;
	s5 =	sadd.s32 s21, s3  }
0x9d: {  	[timem:s7], [sflag:s22] =	dma.local [hbm:s5], s20  }
0x9e: {  	_ =	swait.ge [sflag:s22], s20  }
0x9f: {  	s4 =	ssub.s32 $0x0, s20;
	[sflag:s22] =	ssyncset.done $0x0  }
0xa0: {  	[sflag:s22] =	ssyncadd.s32 s4;
	_ =	sdelay $0x1  }
0xa1: {  	s23 =	simm.s32 $0x1B8B  }
0xa2: {  	_ =	swait.ge [sflag:s23], $0x1  }
0xa3: {  	[sflag:s23] =	ssyncset.done $0x0  }
0xa4: {  	s25 =	simm.s32 $0x1B8E;
	s24 =	sld [smem:$0x3FFE];
	[sflag:s23] =	ssyncadd.s32 $0xFFFFFFFF  }
0xa5: {  	s26 =	simm.s32 $execute0_lowered;
	[smem:$0x3FD2] =	sst s25  }
0xa6: {  	s5 =	sshll.u32 s26, $0x1;
	_ =	strace $0x80000049;
	[dreg:$0x1] =	wrdreg $0xFFFFFFFF  }
0xa7: {  	s28 =	simm.s32 $_size_execute0_lowered;
	s3 =	sadd.s32 s3, s5;
	[dreg:$0x0] =	wrdreg $0x0  }
0xa8: {  	s5 =	sshll.u32 s28, $0x1;
	[dreg:$0x2] =	wrdreg s3  }
0xa9: {  	[dreg:$0x3] =	wrdreg s5  }
0xaa: {  	[dreg:$0x4] =	wrdreg $0xC0  }
0xab: {  	_ =	task [dreg:s7], $0x5FFFF  }
0xac: {  	[dreg:$0x1] =	wrdreg $0xFFFFFFFF  }
0xad: {  	[dreg:$0x0] =	wrdreg $0x60  }
0xae: {  	[dreg:$0x2] =	wrdreg s24  }
0xaf: {  	[dreg:$0x3] =	wrdreg s2  }
0xb0: {  	[dreg:$0x4] =	wrdreg $0x47800  }
0xb1: {  	[dreg:$0x5] =	wrdreg $0x9  }
0xb2: {  	_ =	task.clear_ibuf [dreg:s7], $0x6FFFF;
	_ =	strace $0x90000049  }
0xb3: {  	s29 =	simm.s32 $0x9;
	_ =	strace $0x8000004B  }
0xb4: {  	_ =	swait.ge [sflag:s29], $0x1  }
0xb5: {  	[sflag:s29] =	ssyncadd.s32 $0xFFFFFFFF  }
0xb6: {  	_ =	strace $0x9000004B  }
0xb7: {  	_ =	sfence  }
0xb8: {  	s30 =	sld [smem:$0x0];
	_ =	sdelay $0x2  }
0xb9: {  	s31 =	sshll.u32 s1, $0xD;
	s1 =	sshrl.u32 s1, $0x2  }
0xba: {  	s3 =	sand.u32 $0x4000, s31;
	s1 =	sadd.s32 s1, s30  }
0xbb: {  	s0 =	sor.u32 s3, s0;
	s1 =	sshll.u32 s1, $0x11  }
0xbc: {  	s0 =	sor.u32 s1, s0  }
0xbd: {  	s0 =	sadd.s32 $0x8F2B, s0  }
0xbe: {  	[sflag:s0] =	ssyncadd.remote.s32 $0x1  }
0xbf: {  	_ =	sfence.sel $0xFFFF  }
0xc0: {  	[dreg:$0x0] =	wrdreg $0xFFFFFFFF;
	(pc) =	sbr.abs _section_cstart, $3  }
0xc1: {  	[dreg:$0x1] =	wrdreg $0xFFFFFFFF  }
0xc2: {  	_ =	task.clear_ibuf [dreg:s7], $0x2FFFF;
	_ =	strace $0x9FFFFFFF  }
0xc3: {  	(tm) =	ssettm $0x7FFFFFFF  }
tec
execute0_lowered:
.L_overlay_start_1:
0x0: {  	(tag) =	ssettag $0x1  }
0x1: {  	s4 =	rddreg [dreg:$0x0]  }
0x2: {  	s2 =	srdreg.scid;
	s0 =	stileid.u32  }
0x3: {  	s5 =	sand.u32 $0x1, s2;
	s10 =	sshll.u32 s0, $0x1;
	s12 =	smul.u32 $0x2040, s0  }
0x4: {  	s1 =	rddreg [dreg:$0x1];
	s22 =	smul.u32 $0x40800, s0;
	s6 =	sor.u32 s5, s10  }
0x5: {  	s3 =	simm.s32 $0x0;
	[dreg:$0x4] =	wrdreg s1;
	s7 =	smul.u32 $0x1E000, s6  }
0x6: {  	s28 =	simm.s32 $0x4000;
	s2 =	rddreg [dreg:$0x2];
	s8 =	smul.u32 $0x3C00, s6  }
0x7: {  	p0 =	por $0x0, $0x0;
	[smem:$0x7FF] =	sst s3;
	s6 =	smul.u32 $0xF0, s6  }
0x8: {  	s9 =	sadd.s32 $0x4E00, s4;
	_ =	strace $0x8000004A;
	s14 =	smul.u32 $0x20400, s5  }
0x9: {  	s5 =	ssub.s32 $0x2, s5;
	s8 =	sadd.s32 s9, s8;
	s6 =	sadd.s32 s6, s4  }
0xa: {  	s7 =	sshrl.u32 s7, $0x3;
	[dreg:$0x5] =	wrdreg s8;
	s6 =	sadd.s32 $0x7CE00, s6  }
0xb: {  	s20 =	sshrl.u32 s5, $0x1;
	s7 =	sadd.s32 s9, s7;
	[dreg:$0x7] =	wrdreg s6  }
0xc: {  	s25 =	sshrl.u32 s22, $0x2;
	s11 =	sadd.s32 $0x400, s7;
	s31 =	rddreg [dreg:$0x5]  }
0xd: {  	s22 =	simm.s32 $0x4280;
	s13 =	sadd.s32 $0x800, s7;
	[dreg:$0x6] =	wrdreg s11  }
0xe: {  	s5 =	ssub.s32 s5, s20;
	s15 =	sadd.s32 $0xC00, s7;
	[dreg:$0x8] =	wrdreg s13  }
0xf: {  	s20 =	simm.s32 $0x4380;
	s16 =	sadd.s32 $0x1000, s7;
	[dreg:$0x9] =	wrdreg s15  }
0x10: {  	s8 =	sadd.s32 s12, s14;
	s17 =	sadd.s32 $0x1400, s7;
	[dreg:$0xa] =	wrdreg s16  }
0x11: {  	s9 =	simm.s32 $0x2000;
	s18 =	sadd.s32 $0x1800, s7;
	[dreg:$0xb] =	wrdreg s17  }
0x12: {  	s14 =	simm.s32 $0x4680;
	s19 =	sadd.s32 $0x1C00, s7;
	[dreg:$0xc] =	wrdreg s18  }
0x13: {  	s4 =	sadd.s32 s8, s4;
	s21 =	sadd.s32 $0x2000, s7;
	[dreg:$0xd] =	wrdreg s19  }
0x14: {  	s23 =	sadd.s32 $0x2400, s7;
	s24 =	sadd.s32 $0x2800, s7;
	[dreg:$0xe] =	wrdreg s21  }
0x15: {  	s26 =	sadd.s32 $0x2C00, s7;
	s8 =	sadd.s32 s25, s2;
	[dreg:$0xf] =	wrdreg s23  }
0x16: {  	s29 =	sadd.s32 $0x3000, s7;
	s12 =	sadd.s32 $0x3400, s7;
	[dreg:$0x10] =	wrdreg s24  }
0x17: {  	s10 =	sadd.s32 $0x3800, s7;
	s7 =	simm.s32 $0x1;
	[dreg:$0x11] =	wrdreg s26  }
0x18: {  	s25 =	simm.s32 $0x4100;
	[dreg:$0x12] =	wrdreg s29;
	s13 =	smax.u32 s5, $0x1  }
0x19: {  	s4 =	sadd.s32 $0x7EC00, s4;
	s5 =	simm.s32 $0x3;
	p1 =	sne.s32 s13, $0x1  }
.Ltmp0:
0x1a: {  	s6 =	sshrl.u32 s8, $0x3;
	s8 =	simm.s32 $0x80;
	(pc) =	sbr.rel @!p1 .LBB2_3-.Ltmp0, $4  }
0x1b: {  	s11 =	simm.s32 $0x2;
	s26 =	simm.s32 $0x4080;
	s24 =	simm.s32 $0x4180  }
0x1c: {  	s23 =	simm.s32 $0x4200;
	s21 =	simm.s32 $0x4300;
	s19 =	simm.s32 $0x4400  }
0x1d: {  	s18 =	simm.s32 $0x4480;
	s17 =	simm.s32 $0x4500;
	s16 =	simm.s32 $0x4580  }
0x1e: {  	s15 =	simm.s32 $0x4600;
	s30 =	sadd.s32 $0xFFFFFFFF, s13;
	s13 =	simm.s32 $0x4700  }
0x1f: {  	[tilespmem:s3], [sflag:$0x1] =	stream.linear.gather [hbm4b:s31+s3], $0x2000, $0x38;
	[tilespmem:$0x14980] =	vst v63  }
0x20: {  	s29 =	rddreg [dreg:$0x6]  }
0x21: {  	[tilespmem:s9], [sflag:$0x2] =	stream.linear.gather [hbm4b:s29+s3], $0x2000, $0x38;
	[tilespmem:$0x14980] =	vst v63  }
0x22: {  	s31 =	rddreg [dreg:$0x7]  }
0x23: {  	[tilespmem:s28], [sflag:$0x3] =	stream.linear.gather [hbm4b:s31+s3], $0x780, $0x38;
	[tilespmem:$0x14980] =	vst v63  }
0x24: {  	_ =	swait.ge [sflag:s5], $0x780  }
0x25: {  	s29 =	sshll.u32 s0, $0x6;
	[sflag:s5] =	ssyncset.done $0x0  }
0x26: {  	s29 =	sor.u32 $0x1C03, s29;
	s31 =	rddreg [dreg:$0x4];
	[sflag:s5] =	ssyncadd.s32 $0xFFFFF880  }
0x27: {  	[spmem:s6], [sflag:s29] =	dma.local [hbm:s31], $0x2040  }
0x28: {  	_ =	swait.ge [sflag:s5], $0x2040  }
0x29: {  	[sflag:s5] =	ssyncset.done $0x0  }
0x2a: {  	[sflag:s5] =	ssyncadd.s32 $0xFFFFDFC0  }
0x2b: {  	[bflag:$0x0] =	sbarrier.arrive $0xFFFF  }
0x2c: {  	_ =	swait.ge [sflag:s7], $0x2000  }
0x2d: {  	[sflag:s7] =	ssyncset.done $0x0  }
0x2e: {  	[sflag:s7] =	ssyncadd.s32 $0xFFFFE000  }
0x2f: {  	[spmem:s2] =	stream.indirect.scatter.add.f32 [tilespmem:s3], [sflag:$0x3], $0x40, s28, s8, $0xb8;
	[tilespmem:$0x14980] =	vst v63  }
0x30: {  	_ =	swait.ge [sflag:s5], $0x2000  }
0x31: {  	[sflag:s5] =	ssyncset.done $0x0  }
0x32: {  	s31 =	rddreg [dreg:$0x8];
	[sflag:s5] =	ssyncadd.s32 $0xFFFFE000  }
0x33: {  	[tilespmem:s3], [sflag:$0x1] =	stream.linear.gather [hbm4b:s31+s3], $0x2000, $0x38;
	[tilespmem:$0x14980] =	vst v63  }
0x34: {  	_ =	swait.ge [sflag:s11], $0x2000  }
0x35: {  	[sflag:s11] =	ssyncset.done $0x0  }
0x36: {  	[sflag:s11] =	ssyncadd.s32 $0xFFFFE000  }
0x37: {  	[spmem:s2] =	stream.indirect.scatter.add.f32 [tilespmem:s9], [sflag:$0x3], $0x40, s26, s8, $0xb8;
	[tilespmem:$0x14980] =	vst v63  }
0x38: {  	_ =	swait.ge [sflag:s5], $0x2000  }
0x39: {  	[sflag:s5] =	ssyncset.done $0x0  }
0x3a: {  	s31 =	rddreg [dreg:$0x9];
	[sflag:s5] =	ssyncadd.s32 $0xFFFFE000  }
0x3b: {  	[tilespmem:s9], [sflag:$0x2] =	stream.linear.gather [hbm4b:s31+s3], $0x2000, $0x38;
	[tilespmem:$0x14980] =	vst v63  }
0x3c: {  	_ =	swait.ge [sflag:s7], $0x2000  }
0x3d: {  	[sflag:s7] =	ssyncset.done $0x0  }
0x3e: {  	[sflag:s7] =	ssyncadd.s32 $0xFFFFE000  }
0x3f: {  	[spmem:s2] =	stream.indirect.scatter.add.f32 [tilespmem:s3], [sflag:$0x3], $0x40, s25, s8, $0xb8;
	[tilespmem:$0x14980] =	vst v63  }
0x40: {  	_ =	swait.ge [sflag:s5], $0x2000  }
0x41: {  	[sflag:s5] =	ssyncset.done $0x0  }
0x42: {  	s31 =	rddreg [dreg:$0xa];
	[sflag:s5] =	ssyncadd.s32 $0xFFFFE000  }
0x43: {  	[tilespmem:s3], [sflag:$0x1] =	stream.linear.gather [hbm4b:s31+s3], $0x2000, $0x38;
	[tilespmem:$0x14980] =	vst v63  }
0x44: {  	_ =	swait.ge [sflag:s11], $0x2000  }
0x45: {  	[sflag:s11] =	ssyncset.done $0x0  }
0x46: {  	[sflag:s11] =	ssyncadd.s32 $0xFFFFE000  }
0x47: {  	[spmem:s2] =	stream.indirect.scatter.add.f32 [tilespmem:s9], [sflag:$0x3], $0x40, s24, s8, $0xb8;
	[tilespmem:$0x14980] =	vst v63  }
0x48: {  	_ =	swait.ge [sflag:s5], $0x2000  }
0x49: {  	[sflag:s5] =	ssyncset.done $0x0  }
0x4a: {  	s31 =	rddreg [dreg:$0xb];
	[sflag:s5] =	ssyncadd.s32 $0xFFFFE000  }
0x4b: {  	[tilespmem:s9], [sflag:$0x2] =	stream.linear.gather [hbm4b:s31+s3], $0x2000, $0x38;
	[tilespmem:$0x14980] =	vst v63  }
0x4c: {  	_ =	swait.ge [sflag:s7], $0x2000  }
0x4d: {  	[sflag:s7] =	ssyncset.done $0x0  }
0x4e: {  	[sflag:s7] =	ssyncadd.s32 $0xFFFFE000  }
0x4f: {  	[spmem:s2] =	stream.indirect.scatter.add.f32 [tilespmem:s3], [sflag:$0x3], $0x40, s23, s8, $0xb8;
	[tilespmem:$0x14980] =	vst v63  }
0x50: {  	_ =	swait.ge [sflag:s5], $0x2000  }
0x51: {  	[sflag:s5] =	ssyncset.done $0x0  }
0x52: {  	s31 =	rddreg [dreg:$0xc];
	[sflag:s5] =	ssyncadd.s32 $0xFFFFE000  }
0x53: {  	[tilespmem:s3], [sflag:$0x1] =	stream.linear.gather [hbm4b:s31+s3], $0x2000, $0x38;
	[tilespmem:$0x14980] =	vst v63  }
0x54: {  	_ =	swait.ge [sflag:s11], $0x2000  }
0x55: {  	[sflag:s11] =	ssyncset.done $0x0  }
0x56: {  	[sflag:s11] =	ssyncadd.s32 $0xFFFFE000  }
0x57: {  	[spmem:s2] =	stream.indirect.scatter.add.f32 [tilespmem:s9], [sflag:$0x3], $0x40, s22, s8, $0xb8;
	[tilespmem:$0x14980] =	vst v63  }
0x58: {  	_ =	swait.ge [sflag:s5], $0x2000  }
0x59: {  	[sflag:s5] =	ssyncset.done $0x0  }
0x5a: {  	s31 =	rddreg [dreg:$0xd];
	[sflag:s5] =	ssyncadd.s32 $0xFFFFE000  }
0x5b: {  	[tilespmem:s9], [sflag:$0x2] =	stream.linear.gather [hbm4b:s31+s3], $0x2000, $0x38;
	[tilespmem:$0x14980] =	vst v63  }
0x5c: {  	_ =	swait.ge [sflag:s7], $0x2000  }
0x5d: {  	[sflag:s7] =	ssyncset.done $0x0  }
0x5e: {  	[sflag:s7] =	ssyncadd.s32 $0xFFFFE000  }
0x5f: {  	[spmem:s2] =	stream.indirect.scatter.add.f32 [tilespmem:s3], [sflag:$0x3], $0x40, s21, s8, $0xb8;
	[tilespmem:$0x14980] =	vst v63  }
0x60: {  	_ =	swait.ge [sflag:s5], $0x2000  }
0x61: {  	[sflag:s5] =	ssyncset.done $0x0  }
0x62: {  	s31 =	rddreg [dreg:$0xe];
	[sflag:s5] =	ssyncadd.s32 $0xFFFFE000  }
0x63: {  	[tilespmem:s3], [sflag:$0x1] =	stream.linear.gather [hbm4b:s31+s3], $0x2000, $0x38;
	[tilespmem:$0x14980] =	vst v63  }
0x64: {  	_ =	swait.ge [sflag:s11], $0x2000  }
0x65: {  	[sflag:s11] =	ssyncset.done $0x0  }
0x66: {  	[sflag:s11] =	ssyncadd.s32 $0xFFFFE000  }
0x67: {  	[spmem:s2] =	stream.indirect.scatter.add.f32 [tilespmem:s9], [sflag:$0x3], $0x40, s20, s8, $0xb8;
	[tilespmem:$0x14980] =	vst v63  }
0x68: {  	_ =	swait.ge [sflag:s5], $0x2000  }
0x69: {  	[sflag:s5] =	ssyncset.done $0x0  }
0x6a: {  	s31 =	rddreg [dreg:$0xf];
	[sflag:s5] =	ssyncadd.s32 $0xFFFFE000  }
0x6b: {  	[tilespmem:s9], [sflag:$0x2] =	stream.linear.gather [hbm4b:s31+s3], $0x2000, $0x38;
	[tilespmem:$0x14980] =	vst v63  }
0x6c: {  	_ =	swait.ge [sflag:s7], $0x2000  }
0x6d: {  	[sflag:s7] =	ssyncset.done $0x0  }
0x6e: {  	[sflag:s7] =	ssyncadd.s32 $0xFFFFE000  }
0x6f: {  	[spmem:s2] =	stream.indirect.scatter.add.f32 [tilespmem:s3], [sflag:$0x3], $0x40, s19, s8, $0xb8;
	[tilespmem:$0x14980] =	vst v63  }
0x70: {  	_ =	swait.ge [sflag:s5], $0x2000  }
0x71: {  	[sflag:s5] =	ssyncset.done $0x0  }
0x72: {  	s31 =	rddreg [dreg:$0x10];
	[sflag:s5] =	ssyncadd.s32 $0xFFFFE000  }
0x73: {  	[tilespmem:s3], [sflag:$0x1] =	stream.linear.gather [hbm4b:s31+s3], $0x2000, $0x38;
	[tilespmem:$0x14980] =	vst v63  }
0x74: {  	_ =	swait.ge [sflag:s11], $0x2000  }
0x75: {  	[sflag:s11] =	ssyncset.done $0x0  }
0x76: {  	[sflag:s11] =	ssyncadd.s32 $0xFFFFE000  }
0x77: {  	[spmem:s2] =	stream.indirect.scatter.add.f32 [tilespmem:s9], [sflag:$0x3], $0x40, s18, s8, $0xb8;
	[tilespmem:$0x14980] =	vst v63  }
0x78: {  	_ =	swait.ge [sflag:s5], $0x2000  }
0x79: {  	[sflag:s5] =	ssyncset.done $0x0  }
0x7a: {  	s31 =	rddreg [dreg:$0x11];
	[sflag:s5] =	ssyncadd.s32 $0xFFFFE000  }
0x7b: {  	[tilespmem:s9], [sflag:$0x2] =	stream.linear.gather [hbm4b:s31+s3], $0x2000, $0x38;
	[tilespmem:$0x14980] =	vst v63  }
0x7c: {  	_ =	swait.ge [sflag:s7], $0x2000  }
0x7d: {  	[sflag:s7] =	ssyncset.done $0x0  }
0x7e: {  	[sflag:s7] =	ssyncadd.s32 $0xFFFFE000  }
0x7f: {  	[spmem:s2] =	stream.indirect.scatter.add.f32 [tilespmem:s3], [sflag:$0x3], $0x40, s17, s8, $0xb8;
	[tilespmem:$0x14980] =	vst v63  }
0x80: {  	_ =	swait.ge [sflag:s5], $0x2000  }
0x81: {  	[sflag:s5] =	ssyncset.done $0x0  }
0x82: {  	s31 =	rddreg [dreg:$0x12];
	[sflag:s5] =	ssyncadd.s32 $0xFFFFE000  }
0x83: {  	[tilespmem:s3], [sflag:$0x1] =	stream.linear.gather [hbm4b:s31+s3], $0x2000, $0x38;
	[tilespmem:$0x14980] =	vst v63  }
0x84: {  	_ =	swait.ge [sflag:s11], $0x2000  }
0x85: {  	[sflag:s11] =	ssyncset.done $0x0  }
0x86: {  	[sflag:s11] =	ssyncadd.s32 $0xFFFFE000  }
0x87: {  	[spmem:s2] =	stream.indirect.scatter.add.f32 [tilespmem:s9], [sflag:$0x3], $0x40, s16, s8, $0xb8;
	[tilespmem:$0x14980] =	vst v63  }
0x88: {  	_ =	swait.ge [sflag:s5], $0x2000  }
0x89: {  	[sflag:s5] =	ssyncset.done $0x0  }
0x8a: {  	[sflag:s5] =	ssyncadd.s32 $0xFFFFE000  }
0x8b: {  	[tilespmem:s9], [sflag:$0x2] =	stream.linear.gather [hbm4b:s12+s3], $0x2000, $0x38;
	[tilespmem:$0x14980] =	vst v63  }
0x8c: {  	_ =	swait.ge [sflag:s7], $0x2000  }
0x8d: {  	[sflag:s7] =	ssyncset.done $0x0  }
0x8e: {  	[sflag:s7] =	ssyncadd.s32 $0xFFFFE000  }
0x8f: {  	[spmem:s2] =	stream.indirect.scatter.add.f32 [tilespmem:s3], [sflag:$0x3], $0x40, s15, s8, $0xb8;
	[tilespmem:$0x14980] =	vst v63  }
0x90: {  	_ =	swait.ge [sflag:s5], $0x2000  }
0x91: {  	[sflag:s5] =	ssyncset.done $0x0  }
0x92: {  	[sflag:s5] =	ssyncadd.s32 $0xFFFFE000  }
0x93: {  	[tilespmem:s3], [sflag:$0x1] =	stream.linear.gather [hbm4b:s10+s3], $0x2000, $0x38;
	[tilespmem:$0x14980] =	vst v63  }
0x94: {  	_ =	swait.ge [sflag:s11], $0x2000  }
0x95: {  	[sflag:s11] =	ssyncset.done $0x0  }
0x96: {  	[sflag:s11] =	ssyncadd.s32 $0xFFFFE000  }
0x97: {  	[spmem:s2] =	stream.indirect.scatter.add.f32 [tilespmem:s9], [sflag:$0x3], $0x40, s14, s8, $0xb8;
	[tilespmem:$0x14980] =	vst v63  }
0x98: {  	_ =	swait.ge [sflag:s5], $0x2000  }
0x99: {  	[sflag:s5] =	ssyncset.done $0x0  }
0x9a: {  	[sflag:s5] =	ssyncadd.s32 $0xFFFFE000  }
0x9b: {  	_ =	swait.ge [sflag:s7], $0x2000  }
0x9c: {  	[sflag:s7] =	ssyncset.done $0x0  }
0x9d: {  	[sflag:s7] =	ssyncadd.s32 $0xFFFFE000  }
0x9e: {  	[spmem:s2] =	stream.indirect.scatter.add.f32 [tilespmem:s3], [sflag:$0x3], $0x40, s13, s8, $0xb8;
	[tilespmem:$0x14980] =	vst v63  }
0x9f: {  	_ =	swait.ge [sflag:s5], $0x2000  }
0xa0: {  	p1 =	sne.s32 s30, $0x1;
	[sflag:s5] =	ssyncset.done $0x0  }
.Ltmp1:
0xa1: {  	[sflag:s5] =	ssyncadd.s32 $0xFFFFE000;
	(pc) =	sbr.rel @!p1 .LBB2_3-.Ltmp1, $4  }
0xa2: {  	[bflag:$0x0] =	sbarrier.arrive $0xFFFF  }
0xa3: {  	[hbm:s4], [sflag:s29] =	dma.local [spmem:s6], $0x2040  }
0xa4: {  	s30 =	sadd.s32 $0xFFFFFFFF, s30;
	_ =	swait.ge [sflag:s5], $0x2040  }
0xa5: {  	p0 =	por $0x1, $0x1;
	s31 =	rddreg [dreg:$0x5];
	[sflag:s5] =	ssyncset.done $0x0  }
.LBB2_2:
0xa6: {  	[sflag:s5] =	ssyncadd.s32 $0xFFFFDFC0  }
0xa7: {  	[tilespmem:s3], [sflag:$0x1] =	stream.linear.gather [hbm4b:s31+s3], $0x2000, $0x38;
	[tilespmem:$0x14980] =	vst v63  }
0xa8: {  	s1 =	rddreg [dreg:$0x6]  }
0xa9: {  	[tilespmem:s9], [sflag:$0x2] =	stream.linear.gather [hbm4b:s1+s3], $0x2000, $0x38;
	[tilespmem:$0x14980] =	vst v63  }
0xaa: {  	s31 =	rddreg [dreg:$0x7]  }
0xab: {  	[tilespmem:s28], [sflag:$0x3] =	stream.linear.gather [hbm4b:s31+s3], $0x780, $0x38;
	[tilespmem:$0x14980] =	vst v63  }
0xac: {  	_ =	swait.ge [sflag:s5], $0x780  }
0xad: {  	[sflag:s5] =	ssyncset.done $0x0  }
0xae: {  	s1 =	rddreg [dreg:$0x4];
	[sflag:s5] =	ssyncadd.s32 $0xFFFFF880  }
0xaf: {  	[spmem:s6], [sflag:s29] =	dma.local [hbm:s1], $0x2040  }
0xb0: {  	_ =	swait.ge [sflag:s5], $0x2040  }
0xb1: {  	[sflag:s5] =	ssyncset.done $0x0  }
0xb2: {  	[sflag:s5] =	ssyncadd.s32 $0xFFFFDFC0  }
0xb3: {  	[bflag:$0x0] =	sbarrier.arrive $0xFFFF  }
0xb4: {  	_ =	swait.ge [sflag:s7], $0x2000  }
0xb5: {  	[sflag:s7] =	ssyncset.done $0x0  }
0xb6: {  	[sflag:s7] =	ssyncadd.s32 $0xFFFFE000  }
0xb7: {  	[spmem:s2] =	stream.indirect.scatter.add.f32 [tilespmem:s3], [sflag:$0x3], $0x40, s28, s8, $0xb8;
	[tilespmem:$0x14980] =	vst v63  }
0xb8: {  	_ =	swait.ge [sflag:s5], $0x2000  }
0xb9: {  	[sflag:s5] =	ssyncset.done $0x0  }
0xba: {  	s1 =	rddreg [dreg:$0x8];
	[sflag:s5] =	ssyncadd.s32 $0xFFFFE000  }
0xbb: {  	[tilespmem:s3], [sflag:$0x1] =	stream.linear.gather [hbm4b:s1+s3], $0x2000, $0x38;
	[tilespmem:$0x14980] =	vst v63  }
0xbc: {  	_ =	swait.ge [sflag:s11], $0x2000  }
0xbd: {  	[sflag:s11] =	ssyncset.done $0x0  }
0xbe: {  	[sflag:s11] =	ssyncadd.s32 $0xFFFFE000  }
0xbf: {  	[spmem:s2] =	stream.indirect.scatter.add.f32 [tilespmem:s9], [sflag:$0x3], $0x40, s26, s8, $0xb8;
	[tilespmem:$0x14980] =	vst v63  }
0xc0: {  	_ =	swait.ge [sflag:s5], $0x2000  }
0xc1: {  	[sflag:s5] =	ssyncset.done $0x0  }
0xc2: {  	s1 =	rddreg [dreg:$0x9];
	[sflag:s5] =	ssyncadd.s32 $0xFFFFE000  }
0xc3: {  	[tilespmem:s9], [sflag:$0x2] =	stream.linear.gather [hbm4b:s1+s3], $0x2000, $0x38;
	[tilespmem:$0x14980] =	vst v63  }
0xc4: {  	_ =	swait.ge [sflag:s7], $0x2000  }
0xc5: {  	[sflag:s7] =	ssyncset.done $0x0  }
0xc6: {  	[sflag:s7] =	ssyncadd.s32 $0xFFFFE000  }
0xc7: {  	[spmem:s2] =	stream.indirect.scatter.add.f32 [tilespmem:s3], [sflag:$0x3], $0x40, s25, s8, $0xb8;
	[tilespmem:$0x14980] =	vst v63  }
0xc8: {  	_ =	swait.ge [sflag:s5], $0x2000  }
0xc9: {  	[sflag:s5] =	ssyncset.done $0x0  }
0xca: {  	s1 =	rddreg [dreg:$0xa];
	[sflag:s5] =	ssyncadd.s32 $0xFFFFE000  }
0xcb: {  	[tilespmem:s3], [sflag:$0x1] =	stream.linear.gather [hbm4b:s1+s3], $0x2000, $0x38;
	[tilespmem:$0x14980] =	vst v63  }
0xcc: {  	_ =	swait.ge [sflag:s11], $0x2000  }
0xcd: {  	[sflag:s11] =	ssyncset.done $0x0  }
0xce: {  	[sflag:s11] =	ssyncadd.s32 $0xFFFFE000  }
0xcf: {  	[spmem:s2] =	stream.indirect.scatter.add.f32 [tilespmem:s9], [sflag:$0x3], $0x40, s24, s8, $0xb8;
	[tilespmem:$0x14980] =	vst v63  }
0xd0: {  	_ =	swait.ge [sflag:s5], $0x2000  }
0xd1: {  	[sflag:s5] =	ssyncset.done $0x0  }
0xd2: {  	s1 =	rddreg [dreg:$0xb];
	[sflag:s5] =	ssyncadd.s32 $0xFFFFE000  }
0xd3: {  	[tilespmem:s9], [sflag:$0x2] =	stream.linear.gather [hbm4b:s1+s3], $0x2000, $0x38;
	[tilespmem:$0x14980] =	vst v63  }
0xd4: {  	_ =	swait.ge [sflag:s7], $0x2000  }
0xd5: {  	[sflag:s7] =	ssyncset.done $0x0  }
0xd6: {  	[sflag:s7] =	ssyncadd.s32 $0xFFFFE000  }
0xd7: {  	[spmem:s2] =	stream.indirect.scatter.add.f32 [tilespmem:s3], [sflag:$0x3], $0x40, s23, s8, $0xb8;
	[tilespmem:$0x14980] =	vst v63  }
0xd8: {  	_ =	swait.ge [sflag:s5], $0x2000  }
0xd9: {  	[sflag:s5] =	ssyncset.done $0x0  }
0xda: {  	s1 =	rddreg [dreg:$0xc];
	[sflag:s5] =	ssyncadd.s32 $0xFFFFE000  }
0xdb: {  	[tilespmem:s3], [sflag:$0x1] =	stream.linear.gather [hbm4b:s1+s3], $0x2000, $0x38;
	[tilespmem:$0x14980] =	vst v63  }
0xdc: {  	_ =	swait.ge [sflag:s11], $0x2000  }
0xdd: {  	[sflag:s11] =	ssyncset.done $0x0  }
0xde: {  	[sflag:s11] =	ssyncadd.s32 $0xFFFFE000  }
0xdf: {  	[spmem:s2] =	stream.indirect.scatter.add.f32 [tilespmem:s9], [sflag:$0x3], $0x40, s22, s8, $0xb8;
	[tilespmem:$0x14980] =	vst v63  }
0xe0: {  	_ =	swait.ge [sflag:s5], $0x2000  }
0xe1: {  	[sflag:s5] =	ssyncset.done $0x0  }
0xe2: {  	s1 =	rddreg [dreg:$0xd];
	[sflag:s5] =	ssyncadd.s32 $0xFFFFE000  }
0xe3: {  	[tilespmem:s9], [sflag:$0x2] =	stream.linear.gather [hbm4b:s1+s3], $0x2000, $0x38;
	[tilespmem:$0x14980] =	vst v63  }
0xe4: {  	_ =	swait.ge [sflag:s7], $0x2000  }
0xe5: {  	[sflag:s7] =	ssyncset.done $0x0  }
0xe6: {  	[sflag:s7] =	ssyncadd.s32 $0xFFFFE000  }
0xe7: {  	[spmem:s2] =	stream.indirect.scatter.add.f32 [tilespmem:s3], [sflag:$0x3], $0x40, s21, s8, $0xb8;
	[tilespmem:$0x14980] =	vst v63  }
0xe8: {  	_ =	swait.ge [sflag:s5], $0x2000  }
0xe9: {  	[sflag:s5] =	ssyncset.done $0x0  }
0xea: {  	s1 =	rddreg [dreg:$0xe];
	[sflag:s5] =	ssyncadd.s32 $0xFFFFE000  }
0xeb: {  	[tilespmem:s3], [sflag:$0x1] =	stream.linear.gather [hbm4b:s1+s3], $0x2000, $0x38;
	[tilespmem:$0x14980] =	vst v63  }
0xec: {  	_ =	swait.ge [sflag:s11], $0x2000  }
0xed: {  	[sflag:s11] =	ssyncset.done $0x0  }
0xee: {  	[sflag:s11] =	ssyncadd.s32 $0xFFFFE000  }
0xef: {  	[spmem:s2] =	stream.indirect.scatter.add.f32 [tilespmem:s9], [sflag:$0x3], $0x40, s20, s8, $0xb8;
	[tilespmem:$0x14980] =	vst v63  }
0xf0: {  	_ =	swait.ge [sflag:s5], $0x2000  }
0xf1: {  	[sflag:s5] =	ssyncset.done $0x0  }
0xf2: {  	s1 =	rddreg [dreg:$0xf];
	[sflag:s5] =	ssyncadd.s32 $0xFFFFE000  }
0xf3: {  	[tilespmem:s9], [sflag:$0x2] =	stream.linear.gather [hbm4b:s1+s3], $0x2000, $0x38;
	[tilespmem:$0x14980] =	vst v63  }
0xf4: {  	_ =	swait.ge [sflag:s7], $0x2000  }
0xf5: {  	[sflag:s7] =	ssyncset.done $0x0  }
0xf6: {  	[sflag:s7] =	ssyncadd.s32 $0xFFFFE000  }
0xf7: {  	[spmem:s2] =	stream.indirect.scatter.add.f32 [tilespmem:s3], [sflag:$0x3], $0x40, s19, s8, $0xb8;
	[tilespmem:$0x14980] =	vst v63  }
0xf8: {  	_ =	swait.ge [sflag:s5], $0x2000  }
0xf9: {  	[sflag:s5] =	ssyncset.done $0x0  }
0xfa: {  	s1 =	rddreg [dreg:$0x10];
	[sflag:s5] =	ssyncadd.s32 $0xFFFFE000  }
0xfb: {  	[tilespmem:s3], [sflag:$0x1] =	stream.linear.gather [hbm4b:s1+s3], $0x2000, $0x38;
	[tilespmem:$0x14980] =	vst v63  }
0xfc: {  	_ =	swait.ge [sflag:s11], $0x2000  }
0xfd: {  	[sflag:s11] =	ssyncset.done $0x0  }
0xfe: {  	[sflag:s11] =	ssyncadd.s32 $0xFFFFE000  }
0xff: {  	[spmem:s2] =	stream.indirect.scatter.add.f32 [tilespmem:s9], [sflag:$0x3], $0x40, s18, s8, $0xb8;
	[tilespmem:$0x14980] =	vst v63  }
0x100: {  	_ =	swait.ge [sflag:s5], $0x2000  }
0x101: {  	[sflag:s5] =	ssyncset.done $0x0  }
0x102: {  	s1 =	rddreg [dreg:$0x11];
	[sflag:s5] =	ssyncadd.s32 $0xFFFFE000  }
0x103: {  	[tilespmem:s9], [sflag:$0x2] =	stream.linear.gather [hbm4b:s1+s3], $0x2000, $0x38;
	[tilespmem:$0x14980] =	vst v63  }
0x104: {  	_ =	swait.ge [sflag:s7], $0x2000  }
0x105: {  	[sflag:s7] =	ssyncset.done $0x0  }
0x106: {  	[sflag:s7] =	ssyncadd.s32 $0xFFFFE000  }
0x107: {  	[spmem:s2] =	stream.indirect.scatter.add.f32 [tilespmem:s3], [sflag:$0x3], $0x40, s17, s8, $0xb8;
	[tilespmem:$0x14980] =	vst v63  }
0x108: {  	_ =	swait.ge [sflag:s5], $0x2000  }
0x109: {  	[sflag:s5] =	ssyncset.done $0x0  }
0x10a: {  	s1 =	rddreg [dreg:$0x12];
	[sflag:s5] =	ssyncadd.s32 $0xFFFFE000  }
0x10b: {  	[tilespmem:s3], [sflag:$0x1] =	stream.linear.gather [hbm4b:s1+s3], $0x2000, $0x38;
	[tilespmem:$0x14980] =	vst v63  }
0x10c: {  	_ =	swait.ge [sflag:s11], $0x2000  }
0x10d: {  	[sflag:s11] =	ssyncset.done $0x0  }
0x10e: {  	[sflag:s11] =	ssyncadd.s32 $0xFFFFE000  }
0x10f: {  	[spmem:s2] =	stream.indirect.scatter.add.f32 [tilespmem:s9], [sflag:$0x3], $0x40, s16, s8, $0xb8;
	[tilespmem:$0x14980] =	vst v63  }
0x110: {  	_ =	swait.ge [sflag:s5], $0x2000  }
0x111: {  	[sflag:s5] =	ssyncset.done $0x0  }
0x112: {  	[sflag:s5] =	ssyncadd.s32 $0xFFFFE000  }
0x113: {  	[tilespmem:s9], [sflag:$0x2] =	stream.linear.gather [hbm4b:s12+s3], $0x2000, $0x38;
	[tilespmem:$0x14980] =	vst v63  }
0x114: {  	_ =	swait.ge [sflag:s7], $0x2000  }
0x115: {  	[sflag:s7] =	ssyncset.done $0x0  }
0x116: {  	[sflag:s7] =	ssyncadd.s32 $0xFFFFE000  }
0x117: {  	[spmem:s2] =	stream.indirect.scatter.add.f32 [tilespmem:s3], [sflag:$0x3], $0x40, s15, s8, $0xb8;
	[tilespmem:$0x14980] =	vst v63  }
0x118: {  	_ =	swait.ge [sflag:s5], $0x2000  }
0x119: {  	[sflag:s5] =	ssyncset.done $0x0  }
0x11a: {  	[sflag:s5] =	ssyncadd.s32 $0xFFFFE000  }
0x11b: {  	[tilespmem:s3], [sflag:$0x1] =	stream.linear.gather [hbm4b:s10+s3], $0x2000, $0x38;
	[tilespmem:$0x14980] =	vst v63  }
0x11c: {  	_ =	swait.ge [sflag:s11], $0x2000  }
0x11d: {  	[sflag:s11] =	ssyncset.done $0x0  }
0x11e: {  	[sflag:s11] =	ssyncadd.s32 $0xFFFFE000  }
0x11f: {  	[spmem:s2] =	stream.indirect.scatter.add.f32 [tilespmem:s9], [sflag:$0x3], $0x40, s14, s8, $0xb8;
	[tilespmem:$0x14980] =	vst v63  }
0x120: {  	_ =	swait.ge [sflag:s5], $0x2000  }
0x121: {  	[sflag:s5] =	ssyncset.done $0x0  }
0x122: {  	[sflag:s5] =	ssyncadd.s32 $0xFFFFE000  }
0x123: {  	_ =	swait.ge [sflag:s7], $0x2000  }
0x124: {  	[sflag:s7] =	ssyncset.done $0x0  }
0x125: {  	[sflag:s7] =	ssyncadd.s32 $0xFFFFE000  }
0x126: {  	[spmem:s2] =	stream.indirect.scatter.add.f32 [tilespmem:s3], [sflag:$0x3], $0x40, s13, s8, $0xb8;
	[tilespmem:$0x14980] =	vst v63  }
0x127: {  	_ =	swait.ge [sflag:s5], $0x2000  }
0x128: {  	p1 =	sne.s32 s30, $0x1;
	[sflag:s5] =	ssyncset.done $0x0  }
.Ltmp2:
0x129: {  	[sflag:s5] =	ssyncadd.s32 $0xFFFFE000;
	(pc) =	sbr.rel @p1 .LBB2_2-.Ltmp2, $4  }
0x12a: {  	[bflag:$0x0] =	sbarrier.arrive $0xFFFF  }
0x12b: {  	[hbm:s4], [sflag:s29] =	dma.local [spmem:s6], $0x2040  }
0x12c: {  	_ =	swait.ge [sflag:s5], $0x2040  }
0x12d: {  	s30 =	sadd.s32 $0xFFFFFFFF, s30;
	s31 =	rddreg [dreg:$0x5];
	[sflag:s5] =	ssyncset.done $0x0  }
.LBB2_3:
0x12e: {  	[sflag:s5] =	ssyncadd.s32 @p0 $0xFFFFDFC0  }
0x12f: {  	[tilespmem:s3], [sflag:$0x1] =	stream.linear.gather [hbm4b:s31+s3], $0x2000, $0x38;
	[tilespmem:$0x14980] =	vst v63  }
0x130: {  	s1 =	rddreg [dreg:$0x6]  }
0x131: {  	[tilespmem:s9], [sflag:$0x2] =	stream.linear.gather [hbm4b:s1+s3], $0x2000, $0x38;
	[tilespmem:$0x14980] =	vst v63  }
0x132: {  	s29 =	rddreg [dreg:$0x7]  }
0x133: {  	[tilespmem:s28], [sflag:$0x3] =	stream.linear.gather [hbm4b:s29+s3], $0x780, $0x38;
	[tilespmem:$0x14980] =	vst v63  }
0x134: {  	_ =	swait.ge [sflag:s5], $0x780  }
0x135: {  	s30 =	sshll.u32 s0, $0x6;
	[sflag:s5] =	ssyncset.done $0x0  }
0x136: {  	s29 =	sor.u32 $0x1C03, s30;
	s31 =	rddreg [dreg:$0x4];
	[sflag:s5] =	ssyncadd.s32 $0xFFFFF880  }
0x137: {  	[spmem:s6], [sflag:s29] =	dma.local [hbm:s31], $0x2040  }
0x138: {  	_ =	swait.ge [sflag:s5], $0x2040  }
0x139: {  	[sflag:s5] =	ssyncset.done $0x0  }
0x13a: {  	[sflag:s5] =	ssyncadd.s32 $0xFFFFDFC0  }
0x13b: {  	[bflag:$0x0] =	sbarrier.arrive $0xFFFF  }
0x13c: {  	_ =	swait.ge [sflag:s7], $0x2000  }
0x13d: {  	[sflag:s7] =	ssyncset.done $0x0  }
0x13e: {  	[sflag:s7] =	ssyncadd.s32 $0xFFFFE000  }
0x13f: {  	[spmem:s2] =	stream.indirect.scatter.add.f32 [tilespmem:s3], [sflag:$0x3], $0x40, s28, s8, $0xb8;
	[tilespmem:$0x14980] =	vst v63  }
0x140: {  	_ =	swait.ge [sflag:s5], $0x2000  }
0x141: {  	[sflag:s5] =	ssyncset.done $0x0  }
0x142: {  	s31 =	rddreg [dreg:$0x8];
	[sflag:s5] =	ssyncadd.s32 $0xFFFFE000  }
0x143: {  	[tilespmem:s3], [sflag:$0x1] =	stream.linear.gather [hbm4b:s31+s3], $0x2000, $0x38;
	[tilespmem:$0x14980] =	vst v63  }
0x144: {  	_ =	swait.ge [sflag:s11], $0x2000  }
0x145: {  	[sflag:s11] =	ssyncset.done $0x0  }
0x146: {  	[sflag:s11] =	ssyncadd.s32 $0xFFFFE000  }
0x147: {  	[spmem:s2] =	stream.indirect.scatter.add.f32 [tilespmem:s9], [sflag:$0x3], $0x40, s26, s8, $0xb8;
	[tilespmem:$0x14980] =	vst v63  }
0x148: {  	_ =	swait.ge [sflag:s5], $0x2000  }
0x149: {  	[sflag:s5] =	ssyncset.done $0x0  }
0x14a: {  	s28 =	rddreg [dreg:$0x9];
	[sflag:s5] =	ssyncadd.s32 $0xFFFFE000  }
0x14b: {  	[tilespmem:s9], [sflag:$0x2] =	stream.linear.gather [hbm4b:s28+s3], $0x2000, $0x38;
	[tilespmem:$0x14980] =	vst v63  }
0x14c: {  	_ =	swait.ge [sflag:s7], $0x2000  }
0x14d: {  	[sflag:s7] =	ssyncset.done $0x0  }
0x14e: {  	[sflag:s7] =	ssyncadd.s32 $0xFFFFE000  }
0x14f: {  	[spmem:s2] =	stream.indirect.scatter.add.f32 [tilespmem:s3], [sflag:$0x3], $0x40, s25, s8, $0xb8;
	[tilespmem:$0x14980] =	vst v63  }
0x150: {  	_ =	swait.ge [sflag:s5], $0x2000  }
0x151: {  	[sflag:s5] =	ssyncset.done $0x0  }
0x152: {  	s30 =	rddreg [dreg:$0xa];
	[sflag:s5] =	ssyncadd.s32 $0xFFFFE000  }
0x153: {  	[tilespmem:s3], [sflag:$0x1] =	stream.linear.gather [hbm4b:s30+s3], $0x2000, $0x38;
	[tilespmem:$0x14980] =	vst v63  }
0x154: {  	_ =	swait.ge [sflag:s11], $0x2000  }
0x155: {  	[sflag:s11] =	ssyncset.done $0x0  }
0x156: {  	[sflag:s11] =	ssyncadd.s32 $0xFFFFE000  }
0x157: {  	[spmem:s2] =	stream.indirect.scatter.add.f32 [tilespmem:s9], [sflag:$0x3], $0x40, s24, s8, $0xb8;
	[tilespmem:$0x14980] =	vst v63  }
0x158: {  	_ =	swait.ge [sflag:s5], $0x2000  }
0x159: {  	[sflag:s5] =	ssyncset.done $0x0  }
0x15a: {  	s31 =	rddreg [dreg:$0xb];
	[sflag:s5] =	ssyncadd.s32 $0xFFFFE000  }
0x15b: {  	[tilespmem:s9], [sflag:$0x2] =	stream.linear.gather [hbm4b:s31+s3], $0x2000, $0x38;
	[tilespmem:$0x14980] =	vst v63  }
0x15c: {  	_ =	swait.ge [sflag:s7], $0x2000  }
0x15d: {  	[sflag:s7] =	ssyncset.done $0x0  }
0x15e: {  	[sflag:s7] =	ssyncadd.s32 $0xFFFFE000  }
0x15f: {  	[spmem:s2] =	stream.indirect.scatter.add.f32 [tilespmem:s3], [sflag:$0x3], $0x40, s23, s8, $0xb8;
	[tilespmem:$0x14980] =	vst v63  }
0x160: {  	_ =	swait.ge [sflag:s5], $0x2000  }
0x161: {  	[sflag:s5] =	ssyncset.done $0x0  }
0x162: {  	s23 =	rddreg [dreg:$0xc];
	[sflag:s5] =	ssyncadd.s32 $0xFFFFE000  }
0x163: {  	[tilespmem:s3], [sflag:$0x1] =	stream.linear.gather [hbm4b:s23+s3], $0x2000, $0x38;
	[tilespmem:$0x14980] =	vst v63  }
0x164: {  	_ =	swait.ge [sflag:s11], $0x2000  }
0x165: {  	[sflag:s11] =	ssyncset.done $0x0  }
0x166: {  	[sflag:s11] =	ssyncadd.s32 $0xFFFFE000  }
0x167: {  	[spmem:s2] =	stream.indirect.scatter.add.f32 [tilespmem:s9], [sflag:$0x3], $0x40, s22, s8, $0xb8;
	[tilespmem:$0x14980] =	vst v63  }
0x168: {  	_ =	swait.ge [sflag:s5], $0x2000  }
0x169: {  	[sflag:s5] =	ssyncset.done $0x0  }
0x16a: {  	s24 =	rddreg [dreg:$0xd];
	[sflag:s5] =	ssyncadd.s32 $0xFFFFE000  }
0x16b: {  	[tilespmem:s9], [sflag:$0x2] =	stream.linear.gather [hbm4b:s24+s3], $0x2000, $0x38;
	[tilespmem:$0x14980] =	vst v63  }
0x16c: {  	_ =	swait.ge [sflag:s7], $0x2000  }
0x16d: {  	[sflag:s7] =	ssyncset.done $0x0  }
0x16e: {  	[sflag:s7] =	ssyncadd.s32 $0xFFFFE000  }
0x16f: {  	[spmem:s2] =	stream.indirect.scatter.add.f32 [tilespmem:s3], [sflag:$0x3], $0x40, s21, s8, $0xb8;
	[tilespmem:$0x14980] =	vst v63  }
0x170: {  	_ =	swait.ge [sflag:s5], $0x2000  }
0x171: {  	[sflag:s5] =	ssyncset.done $0x0  }
0x172: {  	s25 =	rddreg [dreg:$0xe];
	[sflag:s5] =	ssyncadd.s32 $0xFFFFE000  }
0x173: {  	[tilespmem:s3], [sflag:$0x1] =	stream.linear.gather [hbm4b:s25+s3], $0x2000, $0x38;
	[tilespmem:$0x14980] =	vst v63  }
0x174: {  	_ =	swait.ge [sflag:s11], $0x2000  }
0x175: {  	[sflag:s11] =	ssyncset.done $0x0  }
0x176: {  	[sflag:s11] =	ssyncadd.s32 $0xFFFFE000  }
0x177: {  	[spmem:s2] =	stream.indirect.scatter.add.f32 [tilespmem:s9], [sflag:$0x3], $0x40, s20, s8, $0xb8;
	[tilespmem:$0x14980] =	vst v63  }
0x178: {  	_ =	swait.ge [sflag:s5], $0x2000  }
0x179: {  	[sflag:s5] =	ssyncset.done $0x0  }
0x17a: {  	s26 =	rddreg [dreg:$0xf];
	[sflag:s5] =	ssyncadd.s32 $0xFFFFE000  }
0x17b: {  	[tilespmem:s9], [sflag:$0x2] =	stream.linear.gather [hbm4b:s26+s3], $0x2000, $0x38;
	[tilespmem:$0x14980] =	vst v63  }
0x17c: {  	_ =	swait.ge [sflag:s7], $0x2000  }
0x17d: {  	[sflag:s7] =	ssyncset.done $0x0  }
0x17e: {  	[sflag:s7] =	ssyncadd.s32 $0xFFFFE000  }
0x17f: {  	[spmem:s2] =	stream.indirect.scatter.add.f32 [tilespmem:s3], [sflag:$0x3], $0x40, s19, s8, $0xb8;
	[tilespmem:$0x14980] =	vst v63  }
0x180: {  	_ =	swait.ge [sflag:s5], $0x2000  }
0x181: {  	[sflag:s5] =	ssyncset.done $0x0  }
0x182: {  	s28 =	rddreg [dreg:$0x10];
	[sflag:s5] =	ssyncadd.s32 $0xFFFFE000  }
0x183: {  	[tilespmem:s3], [sflag:$0x1] =	stream.linear.gather [hbm4b:s28+s3], $0x2000, $0x38;
	[tilespmem:$0x14980] =	vst v63  }
0x184: {  	_ =	swait.ge [sflag:s11], $0x2000  }
0x185: {  	[sflag:s11] =	ssyncset.done $0x0  }
0x186: {  	[sflag:s11] =	ssyncadd.s32 $0xFFFFE000  }
0x187: {  	[spmem:s2] =	stream.indirect.scatter.add.f32 [tilespmem:s9], [sflag:$0x3], $0x40, s18, s8, $0xb8;
	[tilespmem:$0x14980] =	vst v63  }
0x188: {  	_ =	swait.ge [sflag:s5], $0x2000  }
0x189: {  	[sflag:s5] =	ssyncset.done $0x0  }
0x18a: {  	s30 =	rddreg [dreg:$0x11];
	[sflag:s5] =	ssyncadd.s32 $0xFFFFE000  }
0x18b: {  	[tilespmem:s9], [sflag:$0x2] =	stream.linear.gather [hbm4b:s30+s3], $0x2000, $0x38;
	[tilespmem:$0x14980] =	vst v63  }
0x18c: {  	_ =	swait.ge [sflag:s7], $0x2000  }
0x18d: {  	[sflag:s7] =	ssyncset.done $0x0  }
0x18e: {  	[sflag:s7] =	ssyncadd.s32 $0xFFFFE000  }
0x18f: {  	[spmem:s2] =	stream.indirect.scatter.add.f32 [tilespmem:s3], [sflag:$0x3], $0x40, s17, s8, $0xb8;
	[tilespmem:$0x14980] =	vst v63  }
0x190: {  	_ =	swait.ge [sflag:s5], $0x2000  }
0x191: {  	[sflag:s5] =	ssyncset.done $0x0  }
0x192: {  	s31 =	rddreg [dreg:$0x12];
	[sflag:s5] =	ssyncadd.s32 $0xFFFFE000  }
0x193: {  	[tilespmem:s3], [sflag:$0x1] =	stream.linear.gather [hbm4b:s31+s3], $0x2000, $0x38;
	[tilespmem:$0x14980] =	vst v63  }
0x194: {  	_ =	swait.ge [sflag:s11], $0x2000  }
0x195: {  	[sflag:s11] =	ssyncset.done $0x0  }
0x196: {  	[sflag:s11] =	ssyncadd.s32 $0xFFFFE000  }
0x197: {  	[spmem:s2] =	stream.indirect.scatter.add.f32 [tilespmem:s9], [sflag:$0x3], $0x40, s16, s8, $0xb8;
	[tilespmem:$0x14980] =	vst v63  }
0x198: {  	_ =	swait.ge [sflag:s5], $0x2000  }
0x199: {  	[sflag:s5] =	ssyncset.done $0x0  }
0x19a: {  	[sflag:s5] =	ssyncadd.s32 $0xFFFFE000  }
0x19b: {  	[tilespmem:s9], [sflag:$0x2] =	stream.linear.gather [hbm4b:s12+s3], $0x2000, $0x38;
	[tilespmem:$0x14980] =	vst v63  }
0x19c: {  	_ =	swait.ge [sflag:s7], $0x2000  }
0x19d: {  	[sflag:s7] =	ssyncset.done $0x0  }
0x19e: {  	[sflag:s7] =	ssyncadd.s32 $0xFFFFE000  }
0x19f: {  	[spmem:s2] =	stream.indirect.scatter.add.f32 [tilespmem:s3], [sflag:$0x3], $0x40, s15, s8, $0xb8;
	[tilespmem:$0x14980] =	vst v63  }
0x1a0: {  	_ =	swait.ge [sflag:s5], $0x2000  }
0x1a1: {  	[sflag:s5] =	ssyncset.done $0x0  }
0x1a2: {  	[sflag:s5] =	ssyncadd.s32 $0xFFFFE000  }
0x1a3: {  	[tilespmem:s3], [sflag:$0x1] =	stream.linear.gather [hbm4b:s10+s3], $0x2000, $0x38;
	[tilespmem:$0x14980] =	vst v63  }
0x1a4: {  	_ =	swait.ge [sflag:s11], $0x2000  }
0x1a5: {  	[sflag:s11] =	ssyncset.done $0x0  }
0x1a6: {  	[sflag:s11] =	ssyncadd.s32 $0xFFFFE000  }
0x1a7: {  	[spmem:s2] =	stream.indirect.scatter.add.f32 [tilespmem:s9], [sflag:$0x3], $0x40, s14, s8, $0xb8;
	[tilespmem:$0x14980] =	vst v63  }
0x1a8: {  	_ =	swait.ge [sflag:s5], $0x2000  }
0x1a9: {  	[sflag:s5] =	ssyncset.done $0x0  }
0x1aa: {  	[sflag:s5] =	ssyncadd.s32 $0xFFFFE000  }
0x1ab: {  	_ =	swait.ge [sflag:s7], $0x2000  }
0x1ac: {  	[sflag:s7] =	ssyncset.done $0x0  }
0x1ad: {  	[sflag:s7] =	ssyncadd.s32 $0xFFFFE000  }
0x1ae: {  	[spmem:s2] =	stream.indirect.scatter.add.f32 [tilespmem:s3], [sflag:$0x3], $0x40, s13, s8, $0xb8;
	[tilespmem:$0x14980] =	vst v63  }
0x1af: {  	_ =	swait.ge [sflag:s5], $0x2000  }
0x1b0: {  	[sflag:s5] =	ssyncset.done $0x0  }
0x1b1: {  	[sflag:s5] =	ssyncadd.s32 $0xFFFFE000  }
0x1b2: {  	[bflag:$0x0] =	sbarrier.arrive $0xFFFF  }
0x1b3: {  	[hbm:s4], [sflag:s29] =	dma.local [spmem:s6], $0x2040  }
0x1b4: {  	_ =	swait.ge [sflag:s5], $0x2040  }
0x1b5: {  	[sflag:s5] =	ssyncset.done $0x0  }
0x1b6: {  	[sflag:s5] =	ssyncadd.s32 $0xFFFFDFC0  }
0x1b7: {  	_ =	sfence.sel $0x180000  }
0x1b8: {  	[bflag:$0x0] =	sbarrier.arrive $0xFFFF  }
0x1b9: {  	_ =	strace $0x9000004A  }
0x1ba: {  	[bflag:$0x2] =	sbarrier.arrive $0xFFFF  }
0x1bb: {  	p0 =	sne.s32 s0, $0x0;
	s0 =	rddreg [dreg:$0x3]  }
0x1bc: {  	s0 =	sadd.s32 @!p0 $0x100000, s0  }
0x1bd: {  	[sflag:s0] =	ssyncadd.tile.s32 @!p0 $0x1;
	_ =	shalt  }
.Lfunc_end2:
_tile_overlayer_lowered:
.L_overlay_start_2:
0x1be: {  	(tag) =	ssettag $0x2  }
0x1bf: {  	s0 =	rddreg [dreg:$0x0];
	s2 =	stileid.u32  }
0x1c0: {  	s1 =	rddreg [dreg:$0x1];
	p0 =	sne.s32 s2, $0x0  }
0x1c1: {  	s3 =	rddreg [dreg:$0x2];
	[bflag:$0x3] =	sbarrier.arrive $0xFFFF;
	s2 =	simm.s32 @!p0 $0x1C03  }
0x1c2: {  	[timem:s3], [sflag:s2] =	dma.local @!p0 [hbm:s0], s1  }
0x1c3: {  	s0 =	simm.s32 @!p0 $0x3  }
0x1c4: {  	_ =	swait.ge @!p0 [sflag:s0], s1  }
0x1c5: {  	s1 =	ssub.s32 @!p0 $0x0, s1;
	[sflag:s0] =	ssyncset.done @!p0 $0x0  }
0x1c6: {  	[sflag:s0] =	ssyncadd.s32 @!p0 s1  }
0x1c7: {  	[bflag:$0x3] =	sbarrier.arrive $0xFFFF  }
0x1c8: {  	_ =	shalt  }

</sc_bundles>
